<compile_context>
chip_gen: v7x
topology: tpu7x:2x2x1
jax: 0.10.2.dev20260603
libtpu: 0.0.44.dev20260713+nightly
codegen_flags: <defaults>
</compile_context>

<pallas_src>
import functools

import jax
import jax.numpy as jnp
from jax import lax
from jax.experimental import pallas as pl
from jax.experimental.pallas import tpu as pltpu
from jax.experimental.pallas import tpu_sc as plsc

_N_TARGETS = 6
_R = 5
_H = 512
_W = 512
_AH = _H - _R + 1
_AREA = 25.0
_LANE = 16
_NV = _W // _LANE
_NB = 16


def _iota2(shape, dim):
    return jax.lax.broadcasted_iota(jnp.int32, shape, dim)


def _prologue_kernel(hm_ref, aggmax_ref, aggcol_ref, hmmax_ref):
    hm = hm_ref[0]

    acc = hm
    for k in range(1, _R):
        acc = acc + jnp.concatenate(
            [hm[:, k:], jnp.zeros((_H, k), jnp.float32)], axis=1)
    v = acc[0:_AH, :]
    for k in range(1, _R):
        v = v + acc[k:k + _AH, :]
    colia = _iota2((_AH, _W), 1)
    agg = jnp.where(colia < _AH, v / _AREA, -1.0)

    rmax = jnp.max(agg, axis=1)
    argc = jnp.min(
        jnp.where(agg == rmax[:, None], colia, jnp.int32(_W)), axis=1)
    aggmax_ref[0, 0, :] = jnp.concatenate(
        [rmax, jnp.full((_H - _AH,), -1.0, jnp.float32)])
    aggcol_ref[0, 0, :] = jnp.concatenate(
        [argc, jnp.zeros((_H - _AH,), jnp.int32)])
    hmmax_ref[0, 0, :] = jnp.max(hm, axis=1)


def _prologue(hm):
    b = hm.shape[0]
    return pl.pallas_call(
        _prologue_kernel,
        grid=(b,),
        in_specs=[pl.BlockSpec((1, _H, _W), lambda i: (i, 0, 0))],
        out_specs=[
            pl.BlockSpec((1, 1, _W), lambda i: (i, 0, 0)),
            pl.BlockSpec((1, 1, _W), lambda i: (i, 0, 0)),
            pl.BlockSpec((1, 1, _W), lambda i: (i, 0, 0)),
        ],
        out_shape=[
            jax.ShapeDtypeStruct((b, 1, _W), jnp.float32),
            jax.ShapeDtypeStruct((b, 1, _W), jnp.int32),
            jax.ShapeDtypeStruct((b, 1, _W), jnp.float32),
        ],
        compiler_params=pltpu.CompilerParams(
            dimension_semantics=("parallel",),
        ),
    )(hm)


def _gather_row(ref, row, cols):
    rows = jnp.full((_LANE,), 1, jnp.int32) * row
    cc = jnp.minimum(cols, jnp.int32(_W - 1))
    return plsc.load_gather(ref, [rows, cc])


def _zero_win(ref, row, c, lanes):
    rows = jnp.full((_LANE,), 1, jnp.int32) * row
    cc = jnp.minimum(c + lanes, jnp.int32(_W - 1))
    plsc.store_scatter(ref, [rows, cc], jnp.zeros((_LANE,), jnp.float32),
                       mask=lanes < _R)


def _vmax(v):
    return lax.reduce_max(v, (0,))


def _vmin(v):
    return lax.reduce_min(v, (0,))


def _vsum(v):
    return lax.reduce_sum(v, (0,))


_LANES = None


def _scalar_load(ref, idx, lanes):
    base = (idx // _LANE) * _LANE
    v = ref[pl.ds(base, _LANE)]
    zero = jnp.zeros((), v.dtype)
    return _vsum(jnp.where(lanes == idx - base, v, zero))


def _scalar_store(ref, idx, val, lanes):
    base = (idx // _LANE) * _LANE
    v = ref[pl.ds(base, _LANE)]
    ref[pl.ds(base, _LANE)] = jnp.where(lanes == idx - base, val, v)


def _sc_kernel(hm2d, aggmax_h, aggcol_h, hmmax_h, out_h,
               aggmax_v, aggcol_v, hmmax_v, rows_v, hbuf_v, gbuf_v,
               cand_v, wr_v, wc_v, outbuf_v, sem):
    cid = lax.axis_index("c")
    sid = lax.axis_index("s")
    b = sid * 2 + cid
    lanes = lax.iota(jnp.int32, _LANE)

    @pl.when(b < _NB)
    def _():
        pltpu.async_copy(aggmax_h.at[b, 0, :], aggmax_v, sem).wait()
        pltpu.async_copy(aggcol_h.at[b, 0, :], aggcol_v, sem).wait()
        pltpu.async_copy(hmmax_h.at[b, 0, :], hmmax_v, sem).wait()
        for _q in range(8):
            outbuf_v[_q, :] = jnp.zeros((_LANE,), jnp.float32)

        def iteration(i, carry):
            def max_body(k, m):
                return jnp.maximum(m, _vmax(aggmax_v[pl.ds(k * _LANE,
                                                           _LANE)]))
            gmax = lax.fori_loop(0, _NV, max_body, jnp.float32(-2.0))

            def row_body(k, rr):
                v = aggmax_v[pl.ds(k * _LANE, _LANE)]
                idx = jnp.where(v == gmax, k * _LANE + lanes, jnp.int32(_H))
                return jnp.minimum(rr, _vmin(idx))
            r = lax.fori_loop(0, _NV, row_body, jnp.int32(_H))
            c = _scalar_load(aggcol_v, r, lanes)

            r0 = jnp.minimum(jnp.maximum(r - (_R - 1), 0), _H - 13)
            ra = pl.multiple_of(
                jnp.minimum((r0 // 8) * 8, _H - 24), 8)
            loff = r0 - ra
            pltpu.async_copy(hm2d.at[pl.ds(b * _H + ra, 24), :],
                             rows_v, sem).wait()

            def replay(j, _):
                rj = _scalar_load(wr_v, j, lanes)
                cj = _scalar_load(wc_v, j, lanes)

                def zrow(a, _):
                    @pl.when((a >= ra) & (a < ra + 24))
                    def _():
                        _zero_win(rows_v, a - ra, cj, lanes)
                    return 0
                lax.fori_loop(rj, rj + _R, zrow, 0)
                return 0
            lax.fori_loop(0, i, replay, 0)

            def wstats(j, mc):
                m, s = mc
                vv = _gather_row(rows_v, (r - ra) + j, c + lanes)
                m = jnp.maximum(m, _vmax(jnp.where(lanes < _R, vv, -1.0)))
                s = s + _vsum(jnp.where(lanes < _R, vv, 0.0))
                return m, s
            mval, conf = lax.fori_loop(
                0, _R, wstats, (jnp.float32(-1.0), jnp.float32(0.0)))

            def attempt(state):
                found, rh, ch, minrow = state
                cand_v[...] = jnp.full((_LANE,), _H, jnp.int32)

                def collect(k, st):
                    cnt, minr = st
                    v = hmmax_v[pl.ds(k * _LANE, _LANE)]
                    rowid = k * _LANE + lanes
                    m0 = (v >= mval) & (rowid >= minr)

                    def inner(st2):
                        cnt, m = st2
                        mn = _vmin(jnp.where(m, rowid, jnp.int32(_H)))
                        _scalar_store(cand_v, cnt, mn, lanes)
                        return cnt + 1, m & (rowid > mn)

                    def inner_cond(st2):
                        cnt, m = st2
                        return (cnt < _LANE) & (_vsum(
                            m.astype(jnp.int32)) > 0)
                    cnt, _ = lax.while_loop(inner_cond, inner, (cnt, m0))
                    return cnt, minr
                cnt, _ = lax.fori_loop(0, _NV, collect,
                                       (jnp.int32(0), minrow))

                cv = cand_v[...]
                gidx = jnp.where(cv < _H, b * _H + cv, b * _H)
                pltpu.async_copy(hm2d.at[gidx], gbuf_v, sem).wait()

                def scanrow(q, st4):
                    found, rh, ch = st4
                    rq = _scalar_load(cand_v, q, lanes)

                    def do4(st5):
                        found, rh, ch = st5

                        def replay2(j, _):
                            rj = _scalar_load(wr_v, j, lanes)
                            cj = _scalar_load(wc_v, j, lanes)

                            @pl.when((rq >= rj) & (rq < rj + _R))
                            def _():
                                _zero_win(gbuf_v, q, cj, lanes)
                            return 0
                        lax.fori_loop(0, i, replay2, 0)

                        def col_body(k, st6):
                            fnd, chh = st6

                            def do6(st7):
                                fnd, chh = st7
                                v = gbuf_v[q, pl.ds(k * _LANE, _LANE)]
                                f = _vmin(jnp.where(v == mval, lanes,
                                                    jnp.int32(_LANE)))
                                hit = f < _LANE
                                return (fnd | hit,
                                        jnp.where(hit, k * _LANE + f, chh))
                            return lax.cond(fnd, lambda s7: s7, do6, st6)
                        fnd2, ch2 = lax.fori_loop(
                            0, _NV, col_body,
                            (jnp.bool_(False), jnp.int32(0)))
                        rh = jnp.where(fnd2, rq, rh)
                        ch = jnp.where(fnd2, ch2, ch)
                        return found | fnd2, rh, ch
                    ok = jnp.logical_not(found) & (q < cnt) & (rq < _H)
                    return lax.cond(ok, do4, lambda s5: s5, st4)
                found, rh, ch = lax.fori_loop(0, _LANE, scanrow,
                                              (found, rh, ch))
                last = _scalar_load(cand_v, jnp.maximum(cnt - 1, 0), lanes)
                nminrow = jnp.where(cnt > 0, last + 1, jnp.int32(_H))
                return found, rh, ch, nminrow

            def att_cond(state):
                found, _, _, minrow = state
                return jnp.logical_not(found) & (minrow < _H)
            found, rh, ch, _ = lax.while_loop(
                att_cond, attempt,
                (jnp.bool_(False), jnp.int32(0), jnp.int32(0), jnp.int32(0)))

            def zcur(j, _):
                _zero_win(rows_v, (r - ra) + j, c, lanes)
                return 0
            lax.fori_loop(0, _R, zcur, 0)
            _scalar_store(wr_v, i, r, lanes)
            _scalar_store(wc_v, i, c, lanes)

            def hmrow(j, _):
                def mb(k, m):
                    return jnp.maximum(m, _vmax(
                        rows_v[(r - ra) + j, pl.ds(k * _LANE, _LANE)]))
                _scalar_store(
                    hmmax_v, r + j,
                    lax.fori_loop(0, _NV, mb, jnp.float32(-1.0)), lanes)
                return 0
            lax.fori_loop(0, _R, hmrow, 0)

            def hrow(j, _):
                def hcol(k, _):
                    acc = rows_v[loff + j, pl.ds(k * _LANE, _LANE)]
                    for t in range(1, _R):
                        acc = acc + _gather_row(rows_v, loff + j,
                                                k * _LANE + t + lanes)
                    hbuf_v[j, pl.ds(k * _LANE, _LANE)] = acc
                    return 0
                lax.fori_loop(0, _NV, hcol, 0)
                return 0
            lax.fori_loop(0, 13, hrow, 0)

            amin = jnp.maximum(r - (_R - 1), 0)
            amax = jnp.minimum(r + (_R - 1), _AH - 1)

            def arow(a, _):
                la = a - r0

                def acol_max(k, m):
                    acc = hbuf_v[la, pl.ds(k * _LANE, _LANE)]
                    for t in range(1, _R):
                        acc = acc + hbuf_v[la + t, pl.ds(k * _LANE, _LANE)]
                    acc = acc / _AREA
                    colid = k * _LANE + lanes
                    acc = jnp.where(colid < _AH, acc, -1.0)
                    return jnp.maximum(m, _vmax(acc))
                m = lax.fori_loop(0, _NV, acol_max, jnp.float32(-2.0))

                def acol_arg(k, cc):
                    acc = hbuf_v[la, pl.ds(k * _LANE, _LANE)]
                    for t in range(1, _R):
                        acc = acc + hbuf_v[la + t, pl.ds(k * _LANE, _LANE)]
                    acc = acc / _AREA
                    colid = k * _LANE + lanes
                    acc = jnp.where(colid < _AH, acc, -1.0)
                    idx = jnp.where(acc == m, colid, jnp.int32(_W))
                    return jnp.minimum(cc, _vmin(idx))
                cc = lax.fori_loop(0, _NV, acol_arg, jnp.int32(_W))
                _scalar_store(aggmax_v, a, m, lanes)
                _scalar_store(aggcol_v, a, cc, lanes)
                return 0
            lax.fori_loop(amin, amax + 1, arow, 0)

            row8 = outbuf_v[i // 2, :]
            base = (i % 2) * 8
            upd = jnp.where(lanes == base, rh.astype(jnp.float32), row8)
            upd = jnp.where(lanes == base + 1, ch.astype(jnp.float32), upd)
            upd = jnp.where(lanes == base + 2, conf, upd)
            outbuf_v[i // 2, :] = upd
            return carry

        lax.fori_loop(0, _N_TARGETS, iteration, 0)
        pltpu.async_copy(outbuf_v, out_h.at[b], sem).wait()


def _sc_sample(hm2d, aggmax, aggcol, hmmax):
    mesh = plsc.VectorSubcoreMesh(core_axis_name="c", subcore_axis_name="s",
                                  num_cores=2, num_subcores=16)
    fn = functools.partial(
        pl.kernel,
        out_type=jax.ShapeDtypeStruct((_NB, 8, _LANE), jnp.float32),
        mesh=mesh,
        scratch_types=[
            pltpu.VMEM((_H,), jnp.float32),
            pltpu.VMEM((_H,), jnp.int32),
            pltpu.VMEM((_H,), jnp.float32),
            pltpu.VMEM((24, _W), jnp.float32),
            pltpu.VMEM((13, _W), jnp.float32),
            pltpu.VMEM((_LANE, _W), jnp.float32),
            pltpu.VMEM((_LANE,), jnp.int32),
            pltpu.VMEM((_LANE,), jnp.int32),
            pltpu.VMEM((_LANE,), jnp.int32),
            pltpu.VMEM((8, _LANE), jnp.float32),
            pltpu.SemaphoreType.DMA,
        ],
        compiler_params=pltpu.CompilerParams(needs_layout_passes=False),
    )(_sc_kernel)
    return fn(hm2d, aggmax, aggcol, hmmax)


def kernel(heatmap):
    hm = heatmap[:, 0]
    aggmax, aggcol, hmmax = _prologue(hm)
    hm2d = hm.reshape(_NB * _H, _W)
    res = _sc_sample(hm2d, aggmax, aggcol, hmmax)
    res = res.reshape(_NB, 16, 8)[:, :_N_TARGETS, :]
    end_points = res[:, :, 0:2]
    confidences = res[:, :, 2]
    return end_points, confidences

# --- scband reference (transcript-rebuilt; emitter-appended) ---
"""Pipeline reference for scband-torch-modality-sampler-62431644614852 (READ-ONLY COPY).

The authoritative reference and input builder live on the scoring server;
editing this copy changes nothing except your own understanding.
"""

import jax, jax.numpy as jnp
import numpy as np

N_TARGETS = 6
UPSCALE = 1
RADIUS = int(round(2.0 * UPSCALE))
RECLEN = 2 * RADIUS + 1
SWAP_RC = False


def setup_inputs(seed: int = 0) -> dict:
    key = jax.random.key(seed)
    heatmap = jax.random.uniform(key, (16, 1, 512, 512), dtype=jnp.float32)
    return {"heatmap": heatmap}


def _avgpool2d(x):
    s = jax.lax.reduce_window(x, 0.0, jax.lax.add, (RECLEN, RECLEN), (1, 1), "VALID")
    return s / float(RECLEN * RECLEN)


def _sample_one(hmb0):
    def body(hmb, _):
        agg = _avgpool2d(hmb)
        # first occurrence of the max (matches torch.nonzero(agg == agg_max)[0])
        r, c = jnp.unravel_index(jnp.argmax(agg), agg.shape)
        window = jax.lax.dynamic_slice(hmb, (r, c), (RECLEN, RECLEN))
        max_val = jnp.max(window)
        rh, ch = jnp.unravel_index(jnp.argmax((hmb == max_val).astype(jnp.int32)), hmb.shape)
        confidence = jnp.sum(window)
        hmb = jax.lax.dynamic_update_slice(hmb, jnp.zeros((RECLEN, RECLEN), hmb.dtype), (r, c))
        end_point = jnp.stack([rh, ch]).astype(jnp.float32) / float(UPSCALE)
        return hmb, (end_point, confidence)

    _, (end_points, confidences) = jax.lax.scan(body, hmb0, None, length=N_TARGETS)
    return end_points, confidences


def _sample(heatmap):
    size = UPSCALE * heatmap.shape[-1]
    hm = jax.image.resize(heatmap, (heatmap.shape[0], heatmap.shape[1], size, size), method="bilinear")
    final_end_points, final_confidences = jax.vmap(_sample_one)(hm[:, 0])
    if SWAP_RC:
        final_end_points = final_end_points[:, :, ::-1]
    return (final_end_points, final_confidences)


def reference(heatmap):
    return _sample(heatmap)

if __name__ == "__main__":
    import jax
    _d = setup_inputs()
    print(jax.jit(kernel)(*tuple(_d.values())))

</pallas_src>

<mosaic_0001>
#map = affine_map<(d0, d1) -> (0, 0)>
#map1 = affine_map<(d0, d1) -> (0, 0, 0)>
module attributes {stable_mosaic.version = 14 : i64} {
  func.func @_sc_kernel(%arg0: i32, %arg1: i32, %arg2: memref<8192x512xf32, #tpu.memory_space<hbm>>, %arg3: memref<16x1x512xf32, #tpu.memory_space<hbm>>, %arg4: memref<16x1x512xi32, #tpu.memory_space<hbm>>, %arg5: memref<16x1x512xf32, #tpu.memory_space<hbm>>, %arg6: memref<16x8x16xf32, #tpu.memory_space<hbm>>, %arg7: memref<512xf32, #tpu.memory_space<vmem>>, %arg8: memref<512xi32, #tpu.memory_space<vmem>>, %arg9: memref<512xf32, #tpu.memory_space<vmem>>, %arg10: memref<24x512xf32, #tpu.memory_space<vmem>>, %arg11: memref<13x512xf32, #tpu.memory_space<vmem>>, %arg12: memref<16x512xf32, #tpu.memory_space<vmem>>, %arg13: memref<16xi32, #tpu.memory_space<vmem>>, %arg14: memref<16xi32, #tpu.memory_space<vmem>>, %arg15: memref<16xi32, #tpu.memory_space<vmem>>, %arg16: memref<8x16xf32, #tpu.memory_space<vmem>>, %arg17: memref<!tpu.dma_semaphore, #tpu.memory_space<semaphore_mem>>) attributes {dimension_semantics = [#tpu.dimension_semantics<core_parallel>, #tpu.dimension_semantics<subcore_parallel>], iteration_bounds = array<i64: 2, 16>, scalar_prefetch = 0 : i64, scratch_operands = 11 : i64, tpu.core_type = #tpu.core_type<sc_vector_subcore>, window_params = [{transform_indices = #map}, {transform_indices = #map1}, {transform_indices = #map1}, {transform_indices = #map1}, {transform_indices = #map1}]} {
    %mul3A = arith.constant 2 : i32
    %mul3A_0 = arith.muli %arg1, %mul3A : i32
    %add3A = arith.addi %mul3A_0, %arg0 : i32
    %iota3A = tpu.iota {dimensions = array<i32: 0>} : vector<16xi32>
    %lt3A = arith.constant 16 : i32
    %lt3A_1 = arith.cmpi slt, %add3A, %lt3A : i32
    %convert_element_type3A = arith.extui %lt3A_1 : i1 to i32
    %cond3A = arith.constant 0 : i32
    %cond3A_2 = arith.cmpi ne, %convert_element_type3A, %cond3A : i32
    scf.if %cond3A_2 {
      %dma_start3A = arith.constant 0 : i32
      %dma_start3A_3 = arith.constant 0 : i32
      %dma_start3A_4 = tpu.memref_slice %arg3[%add3A, %dma_start3A, %dma_start3A_3] : memref<16x1x512xf32, #tpu.memory_space<hbm>> -> memref<1x1x512xf32, #tpu.memory_space<hbm>>
      %dma_start3A_5 = tpu.memref_squeeze %dma_start3A_4 : memref<1x1x512xf32, #tpu.memory_space<hbm>> -> memref<512xf32, #tpu.memory_space<hbm>>
      %dma_start3A_6 = arith.constant 0 : i32
      %dma_start3A_7 = tpu.memref_slice %arg3[%add3A, %dma_start3A, %dma_start3A_6] : memref<16x1x512xf32, #tpu.memory_space<hbm>> -> memref<1x1x512xf32, #tpu.memory_space<hbm>>
      %dma_start3A_8 = tpu.memref_squeeze %dma_start3A_7 : memref<1x1x512xf32, #tpu.memory_space<hbm>> -> memref<512xf32, #tpu.memory_space<hbm>>
      tpu.enqueue_dma source(%dma_start3A_8 : memref<512xf32, #tpu.memory_space<hbm>>) target(%arg7 : memref<512xf32, #tpu.memory_space<vmem>>) target_semaphore(%arg17 : memref<!tpu.dma_semaphore, #tpu.memory_space<semaphore_mem>>)
      %dma_wait3A = arith.constant 0 : i32
      %dma_wait3A_9 = arith.constant 0 : i32
      %dma_wait3A_10 = tpu.memref_slice %arg3[%add3A, %dma_wait3A, %dma_wait3A_9] : memref<16x1x512xf32, #tpu.memory_space<hbm>> -> memref<1x1x512xf32, #tpu.memory_space<hbm>>
      %dma_wait3A_11 = tpu.memref_squeeze %dma_wait3A_10 : memref<1x1x512xf32, #tpu.memory_space<hbm>> -> memref<512xf32, #tpu.memory_space<hbm>>
      %dma_wait3A_12 = arith.constant 0 : i32
      %dma_wait3A_13 = tpu.memref_slice %arg3[%add3A, %dma_wait3A, %dma_wait3A_12] : memref<16x1x512xf32, #tpu.memory_space<hbm>> -> memref<1x1x512xf32, #tpu.memory_space<hbm>>
      %dma_wait3A_14 = tpu.memref_squeeze %dma_wait3A_13 : memref<1x1x512xf32, #tpu.memory_space<hbm>> -> memref<512xf32, #tpu.memory_space<hbm>>
      tpu.wait_dma2 semaphore(%arg17 : memref<!tpu.dma_semaphore, #tpu.memory_space<semaphore_mem>>) src(%dma_wait3A_14 : memref<512xf32, #tpu.memory_space<hbm>>) dst(%arg7 : memref<512xf32, #tpu.memory_space<vmem>>)
      %dma_start3A_15 = arith.constant 0 : i32
      %dma_start3A_16 = arith.constant 0 : i32
      %dma_start3A_17 = tpu.memref_slice %arg4[%add3A, %dma_start3A_15, %dma_start3A_16] : memref<16x1x512xi32, #tpu.memory_space<hbm>> -> memref<1x1x512xi32, #tpu.memory_space<hbm>>
      %dma_start3A_18 = tpu.memref_squeeze %dma_start3A_17 : memref<1x1x512xi32, #tpu.memory_space<hbm>> -> memref<512xi32, #tpu.memory_space<hbm>>
      %dma_start3A_19 = arith.constant 0 : i32
      %dma_start3A_20 = tpu.memref_slice %arg4[%add3A, %dma_start3A_15, %dma_start3A_19] : memref<16x1x512xi32, #tpu.memory_space<hbm>> -> memref<1x1x512xi32, #tpu.memory_space<hbm>>
      %dma_start3A_21 = tpu.memref_squeeze %dma_start3A_20 : memref<1x1x512xi32, #tpu.memory_space<hbm>> -> memref<512xi32, #tpu.memory_space<hbm>>
      tpu.enqueue_dma source(%dma_start3A_21 : memref<512xi32, #tpu.memory_space<hbm>>) target(%arg8 : memref<512xi32, #tpu.memory_space<vmem>>) target_semaphore(%arg17 : memref<!tpu.dma_semaphore, #tpu.memory_space<semaphore_mem>>)
      %dma_wait3A_22 = arith.constant 0 : i32
      %dma_wait3A_23 = arith.constant 0 : i32
      %dma_wait3A_24 = tpu.memref_slice %arg4[%add3A, %dma_wait3A_22, %dma_wait3A_23] : memref<16x1x512xi32, #tpu.memory_space<hbm>> -> memref<1x1x512xi32, #tpu.memory_space<hbm>>
      %dma_wait3A_25 = tpu.memref_squeeze %dma_wait3A_24 : memref<1x1x512xi32, #tpu.memory_space<hbm>> -> memref<512xi32, #tpu.memory_space<hbm>>
      %dma_wait3A_26 = arith.constant 0 : i32
      %dma_wait3A_27 = tpu.memref_slice %arg4[%add3A, %dma_wait3A_22, %dma_wait3A_26] : memref<16x1x512xi32, #tpu.memory_space<hbm>> -> memref<1x1x512xi32, #tpu.memory_space<hbm>>
      %dma_wait3A_28 = tpu.memref_squeeze %dma_wait3A_27 : memref<1x1x512xi32, #tpu.memory_space<hbm>> -> memref<512xi32, #tpu.memory_space<hbm>>
      tpu.wait_dma2 semaphore(%arg17 : memref<!tpu.dma_semaphore, #tpu.memory_space<semaphore_mem>>) src(%dma_wait3A_28 : memref<512xi32, #tpu.memory_space<hbm>>) dst(%arg8 : memref<512xi32, #tpu.memory_space<vmem>>)
      %dma_start3A_29 = arith.constant 0 : i32
      %dma_start3A_30 = arith.constant 0 : i32
      %dma_start3A_31 = tpu.memref_slice %arg5[%add3A, %dma_start3A_29, %dma_start3A_30] : memref<16x1x512xf32, #tpu.memory_space<hbm>> -> memref<1x1x512xf32, #tpu.memory_space<hbm>>
      %dma_start3A_32 = tpu.memref_squeeze %dma_start3A_31 : memref<1x1x512xf32, #tpu.memory_space<hbm>> -> memref<512xf32, #tpu.memory_space<hbm>>
      %dma_start3A_33 = arith.constant 0 : i32
      %dma_start3A_34 = tpu.memref_slice %arg5[%add3A, %dma_start3A_29, %dma_start3A_33] : memref<16x1x512xf32, #tpu.memory_space<hbm>> -> memref<1x1x512xf32, #tpu.memory_space<hbm>>
      %dma_start3A_35 = tpu.memref_squeeze %dma_start3A_34 : memref<1x1x512xf32, #tpu.memory_space<hbm>> -> memref<512xf32, #tpu.memory_space<hbm>>
      tpu.enqueue_dma source(%dma_start3A_35 : memref<512xf32, #tpu.memory_space<hbm>>) target(%arg9 : memref<512xf32, #tpu.memory_space<vmem>>) target_semaphore(%arg17 : memref<!tpu.dma_semaphore, #tpu.memory_space<semaphore_mem>>)
      %dma_wait3A_36 = arith.constant 0 : i32
      %dma_wait3A_37 = arith.constant 0 : i32
      %dma_wait3A_38 = tpu.memref_slice %arg5[%add3A, %dma_wait3A_36, %dma_wait3A_37] : memref<16x1x512xf32, #tpu.memory_space<hbm>> -> memref<1x1x512xf32, #tpu.memory_space<hbm>>
      %dma_wait3A_39 = tpu.memref_squeeze %dma_wait3A_38 : memref<1x1x512xf32, #tpu.memory_space<hbm>> -> memref<512xf32, #tpu.memory_space<hbm>>
      %dma_wait3A_40 = arith.constant 0 : i32
      %dma_wait3A_41 = tpu.memref_slice %arg5[%add3A, %dma_wait3A_36, %dma_wait3A_40] : memref<16x1x512xf32, #tpu.memory_space<hbm>> -> memref<1x1x512xf32, #tpu.memory_space<hbm>>
      %dma_wait3A_42 = tpu.memref_squeeze %dma_wait3A_41 : memref<1x1x512xf32, #tpu.memory_space<hbm>> -> memref<512xf32, #tpu.memory_space<hbm>>
      tpu.wait_dma2 semaphore(%arg17 : memref<!tpu.dma_semaphore, #tpu.memory_space<semaphore_mem>>) src(%dma_wait3A_42 : memref<512xf32, #tpu.memory_space<hbm>>) dst(%arg9 : memref<512xf32, #tpu.memory_space<vmem>>)
      %broadcast_in_dim3A = arith.constant 0.000000e+00 : f32
      %broadcast_in_dim3A_43 = vector.broadcast %broadcast_in_dim3A : f32 to vector<16xf32>
      %swap3A = arith.constant 0 : i32
      %swap3A_44 = arith.index_cast %swap3A : i32 to index
      %swap3A_45 = arith.constant 0 : index
      %swap3A_46 = tpu.vector_load %arg16[%swap3A_44, %swap3A_45] {strides = array<i32>} : memref<8x16xf32, #tpu.memory_space<vmem>>, vector<16xf32>,
      tpu.vector_store %arg16[%swap3A_44, %swap3A_45], %broadcast_in_dim3A_43 {strides = array<i32>} : memref<8x16xf32, #tpu.memory_space<vmem>>, vector<16xf32>,
      %broadcast_in_dim3A_47 = arith.constant 0.000000e+00 : f32
      %broadcast_in_dim3A_48 = vector.broadcast %broadcast_in_dim3A_47 : f32 to vector<16xf32>
      %swap3A_49 = arith.constant 1 : i32
      %swap3A_50 = arith.index_cast %swap3A_49 : i32 to index
      %swap3A_51 = arith.constant 0 : index
      %swap3A_52 = tpu.vector_load %arg16[%swap3A_50, %swap3A_51] {strides = array<i32>} : memref<8x16xf32, #tpu.memory_space<vmem>>, vector<16xf32>,
      tpu.vector_store %arg16[%swap3A_50, %swap3A_51], %broadcast_in_dim3A_48 {strides = array<i32>} : memref<8x16xf32, #tpu.memory_space<vmem>>, vector<16xf32>,
      %broadcast_in_dim3A_53 = arith.constant 0.000000e+00 : f32
      %broadcast_in_dim3A_54 = vector.broadcast %broadcast_in_dim3A_53 : f32 to vector<16xf32>
      %swap3A_55 = arith.constant 2 : i32
      %swap3A_56 = arith.index_cast %swap3A_55 : i32 to index
      %swap3A_57 = arith.constant 0 : index
      %swap3A_58 = tpu.vector_load %arg16[%swap3A_56, %swap3A_57] {strides = array<i32>} : memref<8x16xf32, #tpu.memory_space<vmem>>, vector<16xf32>,
      tpu.vector_store %arg16[%swap3A_56, %swap3A_57], %broadcast_in_dim3A_54 {strides = array<i32>} : memref<8x16xf32, #tpu.memory_space<vmem>>, vector<16xf32>,
      %broadcast_in_dim3A_59 = arith.constant 0.000000e+00 : f32
      %broadcast_in_dim3A_60 = vector.broadcast %broadcast_in_dim3A_59 : f32 to vector<16xf32>
      %swap3A_61 = arith.constant 3 : i32
      %swap3A_62 = arith.index_cast %swap3A_61 : i32 to index
      %swap3A_63 = arith.constant 0 : index
      %swap3A_64 = tpu.vector_load %arg16[%swap3A_62, %swap3A_63] {strides = array<i32>} : memref<8x16xf32, #tpu.memory_space<vmem>>, vector<16xf32>,
      tpu.vector_store %arg16[%swap3A_62, %swap3A_63], %broadcast_in_dim3A_60 {strides = array<i32>} : memref<8x16xf32, #tpu.memory_space<vmem>>, vector<16xf32>,
      %broadcast_in_dim3A_65 = arith.constant 0.000000e+00 : f32
      %broadcast_in_dim3A_66 = vector.broadcast %broadcast_in_dim3A_65 : f32 to vector<16xf32>
      %swap3A_67 = arith.constant 4 : i32
      %swap3A_68 = arith.index_cast %swap3A_67 : i32 to index
      %swap3A_69 = arith.constant 0 : index
      %swap3A_70 = tpu.vector_load %arg16[%swap3A_68, %swap3A_69] {strides = array<i32>} : memref<8x16xf32, #tpu.memory_space<vmem>>, vector<16xf32>,
      tpu.vector_store %arg16[%swap3A_68, %swap3A_69], %broadcast_in_dim3A_66 {strides = array<i32>} : memref<8x16xf32, #tpu.memory_space<vmem>>, vector<16xf32>,
      %broadcast_in_dim3A_71 = arith.constant 0.000000e+00 : f32
      %broadcast_in_dim3A_72 = vector.broadcast %broadcast_in_dim3A_71 : f32 to vector<16xf32>
      %swap3A_73 = arith.constant 5 : i32
      %swap3A_74 = arith.index_cast %swap3A_73 : i32 to index
      %swap3A_75 = arith.constant 0 : index
      %swap3A_76 = tpu.vector_load %arg16[%swap3A_74, %swap3A_75] {strides = array<i32>} : memref<8x16xf32, #tpu.memory_space<vmem>>, vector<16xf32>,
      tpu.vector_store %arg16[%swap3A_74, %swap3A_75], %broadcast_in_dim3A_72 {strides = array<i32>} : memref<8x16xf32, #tpu.memory_space<vmem>>, vector<16xf32>,
      %broadcast_in_dim3A_77 = arith.constant 0.000000e+00 : f32
      %broadcast_in_dim3A_78 = vector.broadcast %broadcast_in_dim3A_77 : f32 to vector<16xf32>
      %swap3A_79 = arith.constant 6 : i32
      %swap3A_80 = arith.index_cast %swap3A_79 : i32 to index
      %swap3A_81 = arith.constant 0 : index
      %swap3A_82 = tpu.vector_load %arg16[%swap3A_80, %swap3A_81] {strides = array<i32>} : memref<8x16xf32, #tpu.memory_space<vmem>>, vector<16xf32>,
      tpu.vector_store %arg16[%swap3A_80, %swap3A_81], %broadcast_in_dim3A_78 {strides = array<i32>} : memref<8x16xf32, #tpu.memory_space<vmem>>, vector<16xf32>,
      %broadcast_in_dim3A_83 = arith.constant 0.000000e+00 : f32
      %broadcast_in_dim3A_84 = vector.broadcast %broadcast_in_dim3A_83 : f32 to vector<16xf32>
      %swap3A_85 = arith.constant 7 : i32
      %swap3A_86 = arith.index_cast %swap3A_85 : i32 to index
      %swap3A_87 = arith.constant 0 : index
      %swap3A_88 = tpu.vector_load %arg16[%swap3A_86, %swap3A_87] {strides = array<i32>} : memref<8x16xf32, #tpu.memory_space<vmem>>, vector<16xf32>,
      tpu.vector_store %arg16[%swap3A_86, %swap3A_87], %broadcast_in_dim3A_84 {strides = array<i32>} : memref<8x16xf32, #tpu.memory_space<vmem>>, vector<16xf32>,
      %scan3A = arith.constant 0 : i32
      %scan3A_89 = arith.constant 0 : i32
      %scan3A_90 = arith.constant 6 : i32
      %scan3A_91 = arith.addi %scan3A_89, %scan3A_90 : i32
      %scan3A_92 = arith.constant 1 : i32
      scf.for %scan3A_110 = %scan3A_89 to %scan3A_91 step %scan3A_92  : i32 {
        %scan3A_111 = arith.constant -2.000000e+00 : f32
        %scan3A_112 = arith.constant 0 : i32
        %scan3A_113 = arith.constant 32 : i32
        %scan3A_114 = arith.addi %scan3A_112, %scan3A_113 : i32
        %scan3A_115 = arith.constant 1 : i32
        %scan3A_116 = scf.for %scan3A_422 = %scan3A_112 to %scan3A_114 step %scan3A_115 iter_args(%scan3A_423 = %scan3A_111) -> (f32)  : i32 {
          %mul3A_424 = arith.constant 16 : i32
          %mul3A_425 = arith.muli %scan3A_422, %mul3A_424 : i32
          %get3A_426 = arith.index_cast %mul3A_425 : i32 to index
          %get3A_427 = tpu.vector_load %arg7[%get3A_426] {strides = array<i32>} : memref<512xf32, #tpu.memory_space<vmem>>, vector<16xf32>,
          %reduce_max3A = arith.constant true
          %reduce_max3A_428 = vector.broadcast %reduce_max3A : i1 to vector<16xi1>
          %reduce_max3A_429 = tpu.scan <max>, %get3A_427 masked %reduce_max3A_428 : vector<16xf32>, vector<16xi1> -> vector<16xf32>
          %reduce_max3A_430 = vector.extract %reduce_max3A_429[15] : f32 from vector<16xf32>
          %max3A_431 = arith.maximumf %scan3A_423, %reduce_max3A_430 : f32
          scf.yield %max3A_431 : f32
        }
        %scan3A_117 = arith.constant 32 : i32
        %scan3A_118 = arith.constant 512 : i32
        %scan3A_119 = arith.constant 0 : i32
        %scan3A_120 = arith.constant 32 : i32
        %scan3A_121 = arith.addi %scan3A_119, %scan3A_120 : i32
        %scan3A_122 = arith.constant 1 : i32
        %scan3A_123 = scf.for %scan3A_422 = %scan3A_119 to %scan3A_121 step %scan3A_122 iter_args(%scan3A_423 = %scan3A_118) -> (i32)  : i32 {
          %mul3A_424 = arith.constant 16 : i32
          %mul3A_425 = arith.muli %scan3A_422, %mul3A_424 : i32
          %get3A_426 = arith.index_cast %mul3A_425 : i32 to index
          %get3A_427 = tpu.vector_load %arg7[%get3A_426] {strides = array<i32>} : memref<512xf32, #tpu.memory_space<vmem>>, vector<16xf32>,
          %eq3A_428 = vector.broadcast %scan3A_116 : f32 to vector<16xf32>
          %eq3A_429 = arith.cmpf oeq, %get3A_427, %eq3A_428 : vector<16xf32>
          %mul3A_430 = arith.constant 16 : i32
          %mul3A_431 = arith.muli %scan3A_422, %mul3A_430 : i32
          %add3A_432 = vector.broadcast %mul3A_431 : i32 to vector<16xi32>
          %add3A_433 = arith.addi %add3A_432, %iota3A : vector<16xi32>
          %jit3A_434 = arith.constant 512 : i32
          %broadcast_in_dim3A_435 = vector.broadcast %jit3A_434 : i32 to vector<16xi32>
          %select_n3A_436 = arith.select %eq3A_429, %add3A_433, %broadcast_in_dim3A_435 : vector<16xi1>, vector<16xi32>
          %reduce_min3A = arith.constant true
          %reduce_min3A_437 = vector.broadcast %reduce_min3A : i1 to vector<16xi1>
          %reduce_min3A_438 = arith.constant -2147483648 : i32
          %reduce_min3A_439 = vector.broadcast %reduce_min3A_438 : i32 to vector<16xi32>
          %reduce_min3A_440 = arith.xori %select_n3A_436, %reduce_min3A_439 : vector<16xi32>
          %reduce_min3A_441 = tpu.scan <min>, %reduce_min3A_440 masked %reduce_min3A_437 : vector<16xi32>, vector<16xi1> -> vector<16xi32>
          %reduce_min3A_442 = arith.xori %reduce_min3A_441, %reduce_min3A_439 : vector<16xi32>
          %reduce_min3A_443 = vector.extract %reduce_min3A_442[15] : i32 from vector<16xi32>
          %min3A_444 = arith.minsi %scan3A_423, %reduce_min3A_443 : i32
          scf.yield %min3A_444 : i32
        }
        %scan3A_124 = arith.constant 32 : i32
        %jit3A = arith.constant 16 : i32
        %div3A = arith.divsi %scan3A_123, %jit3A : i32
        %sign3A = arith.constant 0 : i32
        %sign3A_125 = arith.cmpi sgt, %scan3A_123, %sign3A : i32
        %sign3A_126 = arith.extui %sign3A_125 : i1 to i32
        %sign3A_127 = arith.constant 0 : i32
        %sign3A_128 = arith.cmpi slt, %scan3A_123, %sign3A_127 : i32
        %sign3A_129 = arith.extui %sign3A_128 : i1 to i32
        %sign3A_130 = arith.subi %sign3A_126, %sign3A_129 : i32
        %sign3A_131 = arith.constant 0 : i32
        %sign3A_132 = arith.cmpi sgt, %jit3A, %sign3A_131 : i32
        %sign3A_133 = arith.extui %sign3A_132 : i1 to i32
        %sign3A_134 = arith.constant 0 : i32
        %sign3A_135 = arith.cmpi slt, %jit3A, %sign3A_134 : i32
        %sign3A_136 = arith.extui %sign3A_135 : i1 to i32
        %sign3A_137 = arith.subi %sign3A_133, %sign3A_136 : i32
        %ne3A = arith.cmpi ne, %sign3A_130, %sign3A_137 : i32
        %rem3A = arith.remsi %scan3A_123, %jit3A : i32
        %ne3A_138 = arith.constant 0 : i32
        %ne3A_139 = arith.cmpi ne, %rem3A, %ne3A_138 : i32
        %and3A = arith.andi %ne3A, %ne3A_139 : i1
        %sub3A = arith.constant 1 : i32
        %sub3A_140 = arith.subi %div3A, %sub3A : i32
        %select_n3A = arith.select %and3A, %sub3A_140, %div3A : i32
        %mul3A_141 = arith.constant 16 : i32
        %mul3A_142 = arith.muli %select_n3A, %mul3A_141 : i32
        %get3A = arith.index_cast %mul3A_142 : i32 to index
        %get3A_143 = tpu.vector_load %arg8[%get3A] {strides = array<i32>} : memref<512xi32, #tpu.memory_space<vmem>>, vector<16xi32>,
        %sub3A_144 = arith.subi %scan3A_123, %mul3A_142 : i32
        %eq3A = vector.broadcast %sub3A_144 : i32 to vector<16xi32>
        %eq3A_145 = arith.cmpi eq, %iota3A, %eq3A : vector<16xi32>
        %jit3A_146 = arith.constant 0 : i32
        %broadcast_in_dim3A_147 = vector.broadcast %jit3A_146 : i32 to vector<16xi32>
        %select_n3A_148 = arith.select %eq3A_145, %get3A_143, %broadcast_in_dim3A_147 : vector<16xi1>, vector<16xi32>
        %reduce_sum3A = arith.constant true
        %reduce_sum3A_149 = vector.broadcast %reduce_sum3A : i1 to vector<16xi1>
        %reduce_sum3A_150 = tpu.scan <sum>, %select_n3A_148 masked %reduce_sum3A_149 : vector<16xi32>, vector<16xi1> -> vector<16xi32>
        %reduce_sum3A_151 = vector.extract %reduce_sum3A_150[15] : i32 from vector<16xi32>
        %sub3A_152 = arith.constant 4 : i32
        %sub3A_153 = arith.subi %scan3A_123, %sub3A_152 : i32
        %max3A = arith.constant 0 : i32
        %max3A_154 = arith.maxsi %sub3A_153, %max3A : i32
        %min3A = arith.constant 499 : i32
        %min3A_155 = arith.minsi %max3A_154, %min3A : i32
        %jit3A_156 = arith.constant 8 : i32
        %div3A_157 = arith.divsi %min3A_155, %jit3A_156 : i32
        %sign3A_158 = arith.constant 0 : i32
        %sign3A_159 = arith.cmpi sgt, %min3A_155, %sign3A_158 : i32
        %sign3A_160 = arith.extui %sign3A_159 : i1 to i32
        %sign3A_161 = arith.constant 0 : i32
        %sign3A_162 = arith.cmpi slt, %min3A_155, %sign3A_161 : i32
        %sign3A_163 = arith.extui %sign3A_162 : i1 to i32
        %sign3A_164 = arith.subi %sign3A_160, %sign3A_163 : i32
        %sign3A_165 = arith.constant 0 : i32
        %sign3A_166 = arith.cmpi sgt, %jit3A_156, %sign3A_165 : i32
        %sign3A_167 = arith.extui %sign3A_166 : i1 to i32
        %sign3A_168 = arith.constant 0 : i32
        %sign3A_169 = arith.cmpi slt, %jit3A_156, %sign3A_168 : i32
        %sign3A_170 = arith.extui %sign3A_169 : i1 to i32
        %sign3A_171 = arith.subi %sign3A_167, %sign3A_170 : i32
        %ne3A_172 = arith.cmpi ne, %sign3A_164, %sign3A_171 : i32
        %rem3A_173 = arith.remsi %min3A_155, %jit3A_156 : i32
        %ne3A_174 = arith.constant 0 : i32
        %ne3A_175 = arith.cmpi ne, %rem3A_173, %ne3A_174 : i32
        %and3A_176 = arith.andi %ne3A_172, %ne3A_175 : i1
        %sub3A_177 = arith.constant 1 : i32
        %sub3A_178 = arith.subi %div3A_157, %sub3A_177 : i32
        %select_n3A_179 = arith.select %and3A_176, %sub3A_178, %div3A_157 : i32
        %mul3A_180 = arith.constant 8 : i32
        %mul3A_181 = arith.muli %select_n3A_179, %mul3A_180 : i32
        %min3A_182 = arith.constant 488 : i32
        %min3A_183 = arith.minsi %mul3A_181, %min3A_182 : i32
        %multiple_of3A = tpu.assume_multiple %min3A_183, 8 : i32
        %sub3A_184 = arith.subi %min3A_155, %multiple_of3A : i32
        %mul3A_185 = arith.constant 512 : i32
        %mul3A_186 = arith.muli %add3A, %mul3A_185 : i32
        %add3A_187 = arith.addi %mul3A_186, %multiple_of3A : i32
        %dma_start3A_188 = arith.constant 0 : i32
        %dma_start3A_189 = tpu.memref_slice %arg2[%add3A_187, %dma_start3A_188] : memref<8192x512xf32, #tpu.memory_space<hbm>> -> memref<24x512xf32, #tpu.memory_space<hbm>>
        %dma_start3A_190 = arith.constant 0 : i32
        %dma_start3A_191 = tpu.memref_slice %arg2[%add3A_187, %dma_start3A_190] : memref<8192x512xf32, #tpu.memory_space<hbm>> -> memref<24x512xf32, #tpu.memory_space<hbm>>
        tpu.enqueue_dma source(%dma_start3A_191 : memref<24x512xf32, #tpu.memory_space<hbm>>) target(%arg10 : memref<24x512xf32, #tpu.memory_space<vmem>>) target_semaphore(%arg17 : memref<!tpu.dma_semaphore, #tpu.memory_space<semaphore_mem>>)
        %dma_wait3A_192 = arith.constant 0 : i32
        %dma_wait3A_193 = tpu.memref_slice %arg2[%add3A_187, %dma_wait3A_192] : memref<8192x512xf32, #tpu.memory_space<hbm>> -> memref<24x512xf32, #tpu.memory_space<hbm>>
        %dma_wait3A_194 = arith.constant 0 : i32
        %dma_wait3A_195 = tpu.memref_slice %arg2[%add3A_187, %dma_wait3A_194] : memref<8192x512xf32, #tpu.memory_space<hbm>> -> memref<24x512xf32, #tpu.memory_space<hbm>>
        tpu.wait_dma2 semaphore(%arg17 : memref<!tpu.dma_semaphore, #tpu.memory_space<semaphore_mem>>) src(%dma_wait3A_195 : memref<24x512xf32, #tpu.memory_space<hbm>>) dst(%arg10 : memref<24x512xf32, #tpu.memory_space<vmem>>)
        %while3A = arith.constant 0 : i32
        %while3A_196 = arith.constant 0 : i32
        %while3A_197 = arith.subi %scan3A_110, %while3A : i32
        %while3A_198 = arith.addi %while3A, %while3A_197 : i32
        %while3A_199 = arith.constant 1 : i32
        %while3A_200 = arith.divsi %while3A_197, %while3A_199 : i32
        %while3A_201 = arith.muli %while3A_200, %while3A_199 : i32
        %while3A_202 = arith.addi %while3A, %while3A_201 : i32
        %while3A_203 = arith.constant 1 : i32
        %while3A_204 = scf.for %while3A_422 = %while3A to %while3A_202 step %while3A_203 iter_args(%while3A_423 = %while3A_196) -> (i32)  : i32 {
          %jit3A_424 = arith.constant 16 : i32
          %div3A_425 = arith.divsi %while3A_422, %jit3A_424 : i32
          %sign3A_426 = arith.constant 0 : i32
          %sign3A_427 = arith.cmpi sgt, %while3A_422, %sign3A_426 : i32
          %sign3A_428 = arith.extui %sign3A_427 : i1 to i32
          %sign3A_429 = arith.constant 0 : i32
          %sign3A_430 = arith.cmpi slt, %while3A_422, %sign3A_429 : i32
          %sign3A_431 = arith.extui %sign3A_430 : i1 to i32
          %sign3A_432 = arith.subi %sign3A_428, %sign3A_431 : i32
          %sign3A_433 = arith.constant 0 : i32
          %sign3A_434 = arith.cmpi sgt, %jit3A_424, %sign3A_433 : i32
          %sign3A_435 = arith.extui %sign3A_434 : i1 to i32
          %sign3A_436 = arith.constant 0 : i32
          %sign3A_437 = arith.cmpi slt, %jit3A_424, %sign3A_436 : i32
          %sign3A_438 = arith.extui %sign3A_437 : i1 to i32
          %sign3A_439 = arith.subi %sign3A_435, %sign3A_438 : i32
          %ne3A_440 = arith.cmpi ne, %sign3A_432, %sign3A_439 : i32
          %rem3A_441 = arith.remsi %while3A_422, %jit3A_424 : i32
          %ne3A_442 = arith.constant 0 : i32
          %ne3A_443 = arith.cmpi ne, %rem3A_441, %ne3A_442 : i32
          %and3A_444 = arith.andi %ne3A_440, %ne3A_443 : i1
          %sub3A_445 = arith.constant 1 : i32
          %sub3A_446 = arith.subi %div3A_425, %sub3A_445 : i32
          %select_n3A_447 = arith.select %and3A_444, %sub3A_446, %div3A_425 : i32
          %mul3A_448 = arith.constant 16 : i32
          %mul3A_449 = arith.muli %select_n3A_447, %mul3A_448 : i32
          %get3A_450 = arith.index_cast %mul3A_449 : i32 to index
          %get3A_451 = tpu.vector_load %arg14[%get3A_450] {strides = array<i32>} : memref<16xi32, #tpu.memory_space<vmem>>, vector<16xi32>,
          %sub3A_452 = arith.subi %while3A_422, %mul3A_449 : i32
          %eq3A_453 = vector.broadcast %sub3A_452 : i32 to vector<16xi32>
          %eq3A_454 = arith.cmpi eq, %iota3A, %eq3A_453 : vector<16xi32>
          %jit3A_455 = arith.constant 0 : i32
          %broadcast_in_dim3A_456 = vector.broadcast %jit3A_455 : i32 to vector<16xi32>
          %select_n3A_457 = arith.select %eq3A_454, %get3A_451, %broadcast_in_dim3A_456 : vector<16xi1>, vector<16xi32>
          %reduce_sum3A_458 = arith.constant true
          %reduce_sum3A_459 = vector.broadcast %reduce_sum3A_458 : i1 to vector<16xi1>
          %reduce_sum3A_460 = tpu.scan <sum>, %select_n3A_457 masked %reduce_sum3A_459 : vector<16xi32>, vector<16xi1> -> vector<16xi32>
          %reduce_sum3A_461 = vector.extract %reduce_sum3A_460[15] : i32 from vector<16xi32>
          %jit3A_462 = arith.constant 16 : i32
          %div3A_463 = arith.divsi %while3A_422, %jit3A_462 : i32
          %sign3A_464 = arith.constant 0 : i32
          %sign3A_465 = arith.cmpi sgt, %while3A_422, %sign3A_464 : i32
          %sign3A_466 = arith.extui %sign3A_465 : i1 to i32
          %sign3A_467 = arith.constant 0 : i32
          %sign3A_468 = arith.cmpi slt, %while3A_422, %sign3A_467 : i32
          %sign3A_469 = arith.extui %sign3A_468 : i1 to i32
          %sign3A_470 = arith.subi %sign3A_466, %sign3A_469 : i32
          %sign3A_471 = arith.constant 0 : i32
          %sign3A_472 = arith.cmpi sgt, %jit3A_462, %sign3A_471 : i32
          %sign3A_473 = arith.extui %sign3A_472 : i1 to i32
          %sign3A_474 = arith.constant 0 : i32
          %sign3A_475 = arith.cmpi slt, %jit3A_462, %sign3A_474 : i32
          %sign3A_476 = arith.extui %sign3A_475 : i1 to i32
          %sign3A_477 = arith.subi %sign3A_473, %sign3A_476 : i32
          %ne3A_478 = arith.cmpi ne, %sign3A_470, %sign3A_477 : i32
          %rem3A_479 = arith.remsi %while3A_422, %jit3A_462 : i32
          %ne3A_480 = arith.constant 0 : i32
          %ne3A_481 = arith.cmpi ne, %rem3A_479, %ne3A_480 : i32
          %and3A_482 = arith.andi %ne3A_478, %ne3A_481 : i1
          %sub3A_483 = arith.constant 1 : i32
          %sub3A_484 = arith.subi %div3A_463, %sub3A_483 : i32
          %select_n3A_485 = arith.select %and3A_482, %sub3A_484, %div3A_463 : i32
          %mul3A_486 = arith.constant 16 : i32
          %mul3A_487 = arith.muli %select_n3A_485, %mul3A_486 : i32
          %get3A_488 = arith.index_cast %mul3A_487 : i32 to index
          %get3A_489 = tpu.vector_load %arg15[%get3A_488] {strides = array<i32>} : memref<16xi32, #tpu.memory_space<vmem>>, vector<16xi32>,
          %sub3A_490 = arith.subi %while3A_422, %mul3A_487 : i32
          %eq3A_491 = vector.broadcast %sub3A_490 : i32 to vector<16xi32>
          %eq3A_492 = arith.cmpi eq, %iota3A, %eq3A_491 : vector<16xi32>
          %jit3A_493 = arith.constant 0 : i32
          %broadcast_in_dim3A_494 = vector.broadcast %jit3A_493 : i32 to vector<16xi32>
          %select_n3A_495 = arith.select %eq3A_492, %get3A_489, %broadcast_in_dim3A_494 : vector<16xi1>, vector<16xi32>
          %reduce_sum3A_496 = arith.constant true
          %reduce_sum3A_497 = vector.broadcast %reduce_sum3A_496 : i1 to vector<16xi1>
          %reduce_sum3A_498 = tpu.scan <sum>, %select_n3A_495 masked %reduce_sum3A_497 : vector<16xi32>, vector<16xi1> -> vector<16xi32>
          %reduce_sum3A_499 = vector.extract %reduce_sum3A_498[15] : i32 from vector<16xi32>
          %add3A_500 = arith.constant 5 : i32
          %add3A_501 = arith.addi %reduce_sum3A_461, %add3A_500 : i32
          %while3A_502 = arith.constant 0 : i32
          %while3A_503 = arith.subi %add3A_501, %reduce_sum3A_461 : i32
          %while3A_504 = arith.addi %reduce_sum3A_461, %while3A_503 : i32
          %while3A_505 = arith.constant 1 : i32
          %while3A_506 = arith.divsi %while3A_503, %while3A_505 : i32
          %while3A_507 = arith.muli %while3A_506, %while3A_505 : i32
          %while3A_508 = arith.addi %reduce_sum3A_461, %while3A_507 : i32
          %while3A_509 = arith.constant 1 : i32
          %while3A_510 = scf.for %while3A_514 = %reduce_sum3A_461 to %while3A_508 step %while3A_509 iter_args(%while3A_515 = %while3A_502) -> (i32)  : i32 {
            %ge3A = arith.cmpi sge, %while3A_514, %multiple_of3A : i32
            %add3A_516 = arith.constant 24 : i32
            %add3A_517 = arith.addi %multiple_of3A, %add3A_516 : i32
            %lt3A_518 = arith.cmpi slt, %while3A_514, %add3A_517 : i32
            %and3A_519 = arith.andi %ge3A, %lt3A_518 : i1
            %convert_element_type3A_520 = arith.extui %and3A_519 : i1 to i32
            %cond3A_521 = arith.constant 0 : i32
            %cond3A_522 = arith.cmpi ne, %convert_element_type3A_520, %cond3A_521 : i32
            scf.if %cond3A_522 {
              %sub3A_524 = arith.subi %while3A_514, %multiple_of3A : i32
              %broadcast_in_dim3A_525 = arith.constant 1 : i32
              %broadcast_in_dim3A_526 = vector.broadcast %broadcast_in_dim3A_525 : i32 to vector<16xi32>
              %mul3A_527 = vector.broadcast %sub3A_524 : i32 to vector<16xi32>
              %mul3A_528 = arith.muli %broadcast_in_dim3A_526, %mul3A_527 : vector<16xi32>
              %add3A_529 = vector.broadcast %reduce_sum3A_499 : i32 to vector<16xi32>
              %add3A_530 = arith.addi %add3A_529, %iota3A : vector<16xi32>
              %min3A_531 = arith.constant 511 : i32
              %min3A_532 = vector.broadcast %min3A_531 : i32 to vector<16xi32>
              %min3A_533 = arith.minsi %add3A_530, %min3A_532 : vector<16xi32>
              %broadcast_in_dim3A_534 = arith.constant 0.000000e+00 : f32
              %broadcast_in_dim3A_535 = vector.broadcast %broadcast_in_dim3A_534 : f32 to vector<16xf32>
              %lt3A_536 = arith.constant 5 : i32
              %lt3A_537 = vector.broadcast %lt3A_536 : i32 to vector<16xi32>
              %lt3A_538 = arith.cmpi slt, %iota3A, %lt3A_537 : vector<16xi32>
              tpu.vector_store_idx %arg10[%mul3A_528, %min3A_533], %broadcast_in_dim3A_535 masked %lt3A_538 : memref<24x512xf32, #tpu.memory_space<vmem>>[vector<16xi32>, vector<16xi32>], vector<16xf32>, vector<16xi1>
            } else {
            }
            %while3A_523 = arith.constant 0 : i32
            scf.yield %while3A_523 : i32
          }
          %while3A_511 = arith.constant 1 : i32
          %while3A_512 = scf.for %while3A_514 = %while3A_508 to %while3A_504 step %while3A_511 iter_args(%while3A_515 = %while3A_510) -> (i32)  : i32 {
            %ge3A = arith.cmpi sge, %while3A_514, %multiple_of3A : i32
            %add3A_516 = arith.constant 24 : i32
            %add3A_517 = arith.addi %multiple_of3A, %add3A_516 : i32
            %lt3A_518 = arith.cmpi slt, %while3A_514, %add3A_517 : i32
            %and3A_519 = arith.andi %ge3A, %lt3A_518 : i1
            %convert_element_type3A_520 = arith.extui %and3A_519 : i1 to i32
            %cond3A_521 = arith.constant 0 : i32
            %cond3A_522 = arith.cmpi ne, %convert_element_type3A_520, %cond3A_521 : i32
            scf.if %cond3A_522 {
              %sub3A_524 = arith.subi %while3A_514, %multiple_of3A : i32
              %broadcast_in_dim3A_525 = arith.constant 1 : i32
              %broadcast_in_dim3A_526 = vector.broadcast %broadcast_in_dim3A_525 : i32 to vector<16xi32>
              %mul3A_527 = vector.broadcast %sub3A_524 : i32 to vector<16xi32>
              %mul3A_528 = arith.muli %broadcast_in_dim3A_526, %mul3A_527 : vector<16xi32>
              %add3A_529 = vector.broadcast %reduce_sum3A_499 : i32 to vector<16xi32>
              %add3A_530 = arith.addi %add3A_529, %iota3A : vector<16xi32>
              %min3A_531 = arith.constant 511 : i32
              %min3A_532 = vector.broadcast %min3A_531 : i32 to vector<16xi32>
              %min3A_533 = arith.minsi %add3A_530, %min3A_532 : vector<16xi32>
              %broadcast_in_dim3A_534 = arith.constant 0.000000e+00 : f32
              %broadcast_in_dim3A_535 = vector.broadcast %broadcast_in_dim3A_534 : f32 to vector<16xf32>
              %lt3A_536 = arith.constant 5 : i32
              %lt3A_537 = vector.broadcast %lt3A_536 : i32 to vector<16xi32>
              %lt3A_538 = arith.cmpi slt, %iota3A, %lt3A_537 : vector<16xi32>
              tpu.vector_store_idx %arg10[%mul3A_528, %min3A_533], %broadcast_in_dim3A_535 masked %lt3A_538 : memref<24x512xf32, #tpu.memory_space<vmem>>[vector<16xi32>, vector<16xi32>], vector<16xf32>, vector<16xi1>
            } else {
            }
            %while3A_523 = arith.constant 0 : i32
            scf.yield %while3A_523 : i32
          }
          %while3A_513 = arith.constant 0 : i32
          scf.yield %while3A_513 : i32
        }
        %while3A_205 = arith.constant 1 : i32
        %while3A_206 = scf.for %while3A_422 = %while3A_202 to %while3A_198 step %while3A_205 iter_args(%while3A_423 = %while3A_204) -> (i32)  : i32 {
          %jit3A_424 = arith.constant 16 : i32
          %div3A_425 = arith.divsi %while3A_422, %jit3A_424 : i32
          %sign3A_426 = arith.constant 0 : i32
          %sign3A_427 = arith.cmpi sgt, %while3A_422, %sign3A_426 : i32
          %sign3A_428 = arith.extui %sign3A_427 : i1 to i32
          %sign3A_429 = arith.constant 0 : i32
          %sign3A_430 = arith.cmpi slt, %while3A_422, %sign3A_429 : i32
          %sign3A_431 = arith.extui %sign3A_430 : i1 to i32
          %sign3A_432 = arith.subi %sign3A_428, %sign3A_431 : i32
          %sign3A_433 = arith.constant 0 : i32
          %sign3A_434 = arith.cmpi sgt, %jit3A_424, %sign3A_433 : i32
          %sign3A_435 = arith.extui %sign3A_434 : i1 to i32
          %sign3A_436 = arith.constant 0 : i32
          %sign3A_437 = arith.cmpi slt, %jit3A_424, %sign3A_436 : i32
          %sign3A_438 = arith.extui %sign3A_437 : i1 to i32
          %sign3A_439 = arith.subi %sign3A_435, %sign3A_438 : i32
          %ne3A_440 = arith.cmpi ne, %sign3A_432, %sign3A_439 : i32
          %rem3A_441 = arith.remsi %while3A_422, %jit3A_424 : i32
          %ne3A_442 = arith.constant 0 : i32
          %ne3A_443 = arith.cmpi ne, %rem3A_441, %ne3A_442 : i32
          %and3A_444 = arith.andi %ne3A_440, %ne3A_443 : i1
          %sub3A_445 = arith.constant 1 : i32
          %sub3A_446 = arith.subi %div3A_425, %sub3A_445 : i32
          %select_n3A_447 = arith.select %and3A_444, %sub3A_446, %div3A_425 : i32
          %mul3A_448 = arith.constant 16 : i32
          %mul3A_449 = arith.muli %select_n3A_447, %mul3A_448 : i32
          %get3A_450 = arith.index_cast %mul3A_449 : i32 to index
          %get3A_451 = tpu.vector_load %arg14[%get3A_450] {strides = array<i32>} : memref<16xi32, #tpu.memory_space<vmem>>, vector<16xi32>,
          %sub3A_452 = arith.subi %while3A_422, %mul3A_449 : i32
          %eq3A_453 = vector.broadcast %sub3A_452 : i32 to vector<16xi32>
          %eq3A_454 = arith.cmpi eq, %iota3A, %eq3A_453 : vector<16xi32>
          %jit3A_455 = arith.constant 0 : i32
          %broadcast_in_dim3A_456 = vector.broadcast %jit3A_455 : i32 to vector<16xi32>
          %select_n3A_457 = arith.select %eq3A_454, %get3A_451, %broadcast_in_dim3A_456 : vector<16xi1>, vector<16xi32>
          %reduce_sum3A_458 = arith.constant true
          %reduce_sum3A_459 = vector.broadcast %reduce_sum3A_458 : i1 to vector<16xi1>
          %reduce_sum3A_460 = tpu.scan <sum>, %select_n3A_457 masked %reduce_sum3A_459 : vector<16xi32>, vector<16xi1> -> vector<16xi32>
          %reduce_sum3A_461 = vector.extract %reduce_sum3A_460[15] : i32 from vector<16xi32>
          %jit3A_462 = arith.constant 16 : i32
          %div3A_463 = arith.divsi %while3A_422, %jit3A_462 : i32
          %sign3A_464 = arith.constant 0 : i32
          %sign3A_465 = arith.cmpi sgt, %while3A_422, %sign3A_464 : i32
          %sign3A_466 = arith.extui %sign3A_465 : i1 to i32
          %sign3A_467 = arith.constant 0 : i32
          %sign3A_468 = arith.cmpi slt, %while3A_422, %sign3A_467 : i32
          %sign3A_469 = arith.extui %sign3A_468 : i1 to i32
          %sign3A_470 = arith.subi %sign3A_466, %sign3A_469 : i32
          %sign3A_471 = arith.constant 0 : i32
          %sign3A_472 = arith.cmpi sgt, %jit3A_462, %sign3A_471 : i32
          %sign3A_473 = arith.extui %sign3A_472 : i1 to i32
          %sign3A_474 = arith.constant 0 : i32
          %sign3A_475 = arith.cmpi slt, %jit3A_462, %sign3A_474 : i32
          %sign3A_476 = arith.extui %sign3A_475 : i1 to i32
          %sign3A_477 = arith.subi %sign3A_473, %sign3A_476 : i32
          %ne3A_478 = arith.cmpi ne, %sign3A_470, %sign3A_477 : i32
          %rem3A_479 = arith.remsi %while3A_422, %jit3A_462 : i32
          %ne3A_480 = arith.constant 0 : i32
          %ne3A_481 = arith.cmpi ne, %rem3A_479, %ne3A_480 : i32
          %and3A_482 = arith.andi %ne3A_478, %ne3A_481 : i1
          %sub3A_483 = arith.constant 1 : i32
          %sub3A_484 = arith.subi %div3A_463, %sub3A_483 : i32
          %select_n3A_485 = arith.select %and3A_482, %sub3A_484, %div3A_463 : i32
          %mul3A_486 = arith.constant 16 : i32
          %mul3A_487 = arith.muli %select_n3A_485, %mul3A_486 : i32
          %get3A_488 = arith.index_cast %mul3A_487 : i32 to index
          %get3A_489 = tpu.vector_load %arg15[%get3A_488] {strides = array<i32>} : memref<16xi32, #tpu.memory_space<vmem>>, vector<16xi32>,
          %sub3A_490 = arith.subi %while3A_422, %mul3A_487 : i32
          %eq3A_491 = vector.broadcast %sub3A_490 : i32 to vector<16xi32>
          %eq3A_492 = arith.cmpi eq, %iota3A, %eq3A_491 : vector<16xi32>
          %jit3A_493 = arith.constant 0 : i32
          %broadcast_in_dim3A_494 = vector.broadcast %jit3A_493 : i32 to vector<16xi32>
          %select_n3A_495 = arith.select %eq3A_492, %get3A_489, %broadcast_in_dim3A_494 : vector<16xi1>, vector<16xi32>
          %reduce_sum3A_496 = arith.constant true
          %reduce_sum3A_497 = vector.broadcast %reduce_sum3A_496 : i1 to vector<16xi1>
          %reduce_sum3A_498 = tpu.scan <sum>, %select_n3A_495 masked %reduce_sum3A_497 : vector<16xi32>, vector<16xi1> -> vector<16xi32>
          %reduce_sum3A_499 = vector.extract %reduce_sum3A_498[15] : i32 from vector<16xi32>
          %add3A_500 = arith.constant 5 : i32
          %add3A_501 = arith.addi %reduce_sum3A_461, %add3A_500 : i32
          %while3A_502 = arith.constant 0 : i32
          %while3A_503 = arith.subi %add3A_501, %reduce_sum3A_461 : i32
          %while3A_504 = arith.addi %reduce_sum3A_461, %while3A_503 : i32
          %while3A_505 = arith.constant 1 : i32
          %while3A_506 = arith.divsi %while3A_503, %while3A_505 : i32
          %while3A_507 = arith.muli %while3A_506, %while3A_505 : i32
          %while3A_508 = arith.addi %reduce_sum3A_461, %while3A_507 : i32
          %while3A_509 = arith.constant 1 : i32
          %while3A_510 = scf.for %while3A_514 = %reduce_sum3A_461 to %while3A_508 step %while3A_509 iter_args(%while3A_515 = %while3A_502) -> (i32)  : i32 {
            %ge3A = arith.cmpi sge, %while3A_514, %multiple_of3A : i32
            %add3A_516 = arith.constant 24 : i32
            %add3A_517 = arith.addi %multiple_of3A, %add3A_516 : i32
            %lt3A_518 = arith.cmpi slt, %while3A_514, %add3A_517 : i32
            %and3A_519 = arith.andi %ge3A, %lt3A_518 : i1
            %convert_element_type3A_520 = arith.extui %and3A_519 : i1 to i32
            %cond3A_521 = arith.constant 0 : i32
            %cond3A_522 = arith.cmpi ne, %convert_element_type3A_520, %cond3A_521 : i32
            scf.if %cond3A_522 {
              %sub3A_524 = arith.subi %while3A_514, %multiple_of3A : i32
              %broadcast_in_dim3A_525 = arith.constant 1 : i32
              %broadcast_in_dim3A_526 = vector.broadcast %broadcast_in_dim3A_525 : i32 to vector<16xi32>
              %mul3A_527 = vector.broadcast %sub3A_524 : i32 to vector<16xi32>
              %mul3A_528 = arith.muli %broadcast_in_dim3A_526, %mul3A_527 : vector<16xi32>
              %add3A_529 = vector.broadcast %reduce_sum3A_499 : i32 to vector<16xi32>
              %add3A_530 = arith.addi %add3A_529, %iota3A : vector<16xi32>
              %min3A_531 = arith.constant 511 : i32
              %min3A_532 = vector.broadcast %min3A_531 : i32 to vector<16xi32>
              %min3A_533 = arith.minsi %add3A_530, %min3A_532 : vector<16xi32>
              %broadcast_in_dim3A_534 = arith.constant 0.000000e+00 : f32
              %broadcast_in_dim3A_535 = vector.broadcast %broadcast_in_dim3A_534 : f32 to vector<16xf32>
              %lt3A_536 = arith.constant 5 : i32
              %lt3A_537 = vector.broadcast %lt3A_536 : i32 to vector<16xi32>
              %lt3A_538 = arith.cmpi slt, %iota3A, %lt3A_537 : vector<16xi32>
              tpu.vector_store_idx %arg10[%mul3A_528, %min3A_533], %broadcast_in_dim3A_535 masked %lt3A_538 : memref<24x512xf32, #tpu.memory_space<vmem>>[vector<16xi32>, vector<16xi32>], vector<16xf32>, vector<16xi1>
            } else {
            }
            %while3A_523 = arith.constant 0 : i32
            scf.yield %while3A_523 : i32
          }
          %while3A_511 = arith.constant 1 : i32
          %while3A_512 = scf.for %while3A_514 = %while3A_508 to %while3A_504 step %while3A_511 iter_args(%while3A_515 = %while3A_510) -> (i32)  : i32 {
            %ge3A = arith.cmpi sge, %while3A_514, %multiple_of3A : i32
            %add3A_516 = arith.constant 24 : i32
            %add3A_517 = arith.addi %multiple_of3A, %add3A_516 : i32
            %lt3A_518 = arith.cmpi slt, %while3A_514, %add3A_517 : i32
            %and3A_519 = arith.andi %ge3A, %lt3A_518 : i1
            %convert_element_type3A_520 = arith.extui %and3A_519 : i1 to i32
            %cond3A_521 = arith.constant 0 : i32
            %cond3A_522 = arith.cmpi ne, %convert_element_type3A_520, %cond3A_521 : i32
            scf.if %cond3A_522 {
              %sub3A_524 = arith.subi %while3A_514, %multiple_of3A : i32
              %broadcast_in_dim3A_525 = arith.constant 1 : i32
              %broadcast_in_dim3A_526 = vector.broadcast %broadcast_in_dim3A_525 : i32 to vector<16xi32>
              %mul3A_527 = vector.broadcast %sub3A_524 : i32 to vector<16xi32>
              %mul3A_528 = arith.muli %broadcast_in_dim3A_526, %mul3A_527 : vector<16xi32>
              %add3A_529 = vector.broadcast %reduce_sum3A_499 : i32 to vector<16xi32>
              %add3A_530 = arith.addi %add3A_529, %iota3A : vector<16xi32>
              %min3A_531 = arith.constant 511 : i32
              %min3A_532 = vector.broadcast %min3A_531 : i32 to vector<16xi32>
              %min3A_533 = arith.minsi %add3A_530, %min3A_532 : vector<16xi32>
              %broadcast_in_dim3A_534 = arith.constant 0.000000e+00 : f32
              %broadcast_in_dim3A_535 = vector.broadcast %broadcast_in_dim3A_534 : f32 to vector<16xf32>
              %lt3A_536 = arith.constant 5 : i32
              %lt3A_537 = vector.broadcast %lt3A_536 : i32 to vector<16xi32>
              %lt3A_538 = arith.cmpi slt, %iota3A, %lt3A_537 : vector<16xi32>
              tpu.vector_store_idx %arg10[%mul3A_528, %min3A_533], %broadcast_in_dim3A_535 masked %lt3A_538 : memref<24x512xf32, #tpu.memory_space<vmem>>[vector<16xi32>, vector<16xi32>], vector<16xf32>, vector<16xi1>
            } else {
            }
            %while3A_523 = arith.constant 0 : i32
            scf.yield %while3A_523 : i32
          }
          %while3A_513 = arith.constant 0 : i32
          scf.yield %while3A_513 : i32
        }
        %scan3A_207 = arith.constant -1.000000e+00 : f32
        %scan3A_208 = arith.constant 0.000000e+00 : f32
        %scan3A_209 = arith.constant 0 : i32
        %scan3A_210 = arith.constant 5 : i32
        %scan3A_211 = arith.addi %scan3A_209, %scan3A_210 : i32
        %scan3A_212 = arith.constant 1 : i32
        %scan3A_213:2 = scf.for %scan3A_422 = %scan3A_209 to %scan3A_211 step %scan3A_212 iter_args(%scan3A_423 = %scan3A_207, %scan3A_424 = %scan3A_208) -> (f32, f32)  : i32 {
          %sub3A_425 = arith.subi %scan3A_123, %multiple_of3A : i32
          %add3A_426 = arith.addi %sub3A_425, %scan3A_422 : i32
          %add3A_427 = vector.broadcast %reduce_sum3A_151 : i32 to vector<16xi32>
          %add3A_428 = arith.addi %add3A_427, %iota3A : vector<16xi32>
          %broadcast_in_dim3A_429 = arith.constant 1 : i32
          %broadcast_in_dim3A_430 = vector.broadcast %broadcast_in_dim3A_429 : i32 to vector<16xi32>
          %mul3A_431 = vector.broadcast %add3A_426 : i32 to vector<16xi32>
          %mul3A_432 = arith.muli %broadcast_in_dim3A_430, %mul3A_431 : vector<16xi32>
          %min3A_433 = arith.constant 511 : i32
          %min3A_434 = vector.broadcast %min3A_433 : i32 to vector<16xi32>
          %min3A_435 = arith.minsi %add3A_428, %min3A_434 : vector<16xi32>
          %gather3A = tpu.vector_load_idx %arg10[%mul3A_432, %min3A_435] : memref<24x512xf32, #tpu.memory_space<vmem>>[vector<16xi32>, vector<16xi32>], vector<16xf32>,
          %lt3A_436 = arith.constant 5 : i32
          %lt3A_437 = vector.broadcast %lt3A_436 : i32 to vector<16xi32>
          %lt3A_438 = arith.cmpi slt, %iota3A, %lt3A_437 : vector<16xi32>
          %jit3A_439 = arith.constant -1.000000e+00 : f32
          %broadcast_in_dim3A_440 = vector.broadcast %jit3A_439 : f32 to vector<16xf32>
          %select_n3A_441 = arith.select %lt3A_438, %gather3A, %broadcast_in_dim3A_440 : vector<16xi1>, vector<16xf32>
          %reduce_max3A = arith.constant true
          %reduce_max3A_442 = vector.broadcast %reduce_max3A : i1 to vector<16xi1>
          %reduce_max3A_443 = tpu.scan <max>, %select_n3A_441 masked %reduce_max3A_442 : vector<16xf32>, vector<16xi1> -> vector<16xf32>
          %reduce_max3A_444 = vector.extract %reduce_max3A_443[15] : f32 from vector<16xf32>
          %max3A_445 = arith.maximumf %scan3A_423, %reduce_max3A_444 : f32
          %lt3A_446 = arith.constant 5 : i32
          %lt3A_447 = vector.broadcast %lt3A_446 : i32 to vector<16xi32>
          %lt3A_448 = arith.cmpi slt, %iota3A, %lt3A_447 : vector<16xi32>
          %jit3A_449 = arith.constant 0.000000e+00 : f32
          %broadcast_in_dim3A_450 = vector.broadcast %jit3A_449 : f32 to vector<16xf32>
          %select_n3A_451 = arith.select %lt3A_448, %gather3A, %broadcast_in_dim3A_450 : vector<16xi1>, vector<16xf32>
          %reduce_sum3A_452 = arith.constant true
          %reduce_sum3A_453 = vector.broadcast %reduce_sum3A_452 : i1 to vector<16xi1>
          %reduce_sum3A_454 = tpu.scan <sum>, %select_n3A_451 masked %reduce_sum3A_453 : vector<16xf32>, vector<16xi1> -> vector<16xf32>
          %reduce_sum3A_455 = vector.extract %reduce_sum3A_454[15] : f32 from vector<16xf32>
          %add3A_456 = arith.addf %scan3A_424, %reduce_sum3A_455 : f32
          scf.yield %max3A_445, %add3A_456 : f32, f32
        }
        %scan3A_214 = arith.constant 5 : i32
        %while3A_215 = arith.constant false
        %while3A_216 = arith.constant 0 : i32
        %while3A_217 = arith.constant 0 : i32
        %while3A_218 = arith.constant 0 : i32
        %while3A_219:4 = scf.while (%while3A_422 = %while3A_215, %while3A_423 = %while3A_216, %while3A_424 = %while3A_217, %while3A_425 = %while3A_218) : (i1, i32, i32, i32) -> (i1, i32, i32, i32) {
          %not3A = arith.constant true
          %not3A_426 = arith.xori %while3A_422, %not3A : i1
          %lt3A_427 = arith.constant 512 : i32
          %lt3A_428 = arith.cmpi slt, %while3A_425, %lt3A_427 : i32
          %and3A_429 = arith.andi %not3A_426, %lt3A_428 : i1
          scf.condition(%and3A_429) %while3A_422, %while3A_423, %while3A_424, %while3A_425 : i1, i32, i32, i32
        } do {
        ^bb0(%while3A_422: i1, %while3A_423: i32, %while3A_424: i32, %while3A_425: i32):
          %broadcast_in_dim3A_426 = arith.constant 512 : i32
          %broadcast_in_dim3A_427 = vector.broadcast %broadcast_in_dim3A_426 : i32 to vector<16xi32>
          %swap3A_428 = arith.constant 0 : index
          %swap3A_429 = tpu.vector_load %arg13[%swap3A_428] {strides = array<i32>} : memref<16xi32, #tpu.memory_space<vmem>>, vector<16xi32>,
          tpu.vector_store %arg13[%swap3A_428], %broadcast_in_dim3A_427 {strides = array<i32>} : memref<16xi32, #tpu.memory_space<vmem>>, vector<16xi32>,
          %scan3A_430 = arith.constant 0 : i32
          %scan3A_431 = arith.constant 0 : i32
          %scan3A_432 = arith.constant 32 : i32
          %scan3A_433 = arith.addi %scan3A_431, %scan3A_432 : i32
          %scan3A_434 = arith.constant 1 : i32
          %scan3A_435 = scf.for %scan3A_509 = %scan3A_431 to %scan3A_433 step %scan3A_434 iter_args(%scan3A_510 = %scan3A_430) -> (i32)  : i32 {
            %mul3A_511 = arith.constant 16 : i32
            %mul3A_512 = arith.muli %scan3A_509, %mul3A_511 : i32
            %get3A_513 = arith.index_cast %mul3A_512 : i32 to index
            %get3A_514 = tpu.vector_load %arg9[%get3A_513] {strides = array<i32>} : memref<512xf32, #tpu.memory_space<vmem>>, vector<16xf32>,
            %mul3A_515 = arith.constant 16 : i32
            %mul3A_516 = arith.muli %scan3A_509, %mul3A_515 : i32
            %add3A_517 = vector.broadcast %mul3A_516 : i32 to vector<16xi32>
            %add3A_518 = arith.addi %add3A_517, %iota3A : vector<16xi32>
            %ge3A = vector.broadcast %scan3A_213#0 : f32 to vector<16xf32>
            %ge3A_519 = arith.cmpf oge, %get3A_514, %ge3A : vector<16xf32>
            %ge3A_520 = vector.broadcast %while3A_425 : i32 to vector<16xi32>
            %ge3A_521 = arith.cmpi sge, %add3A_518, %ge3A_520 : vector<16xi32>
            %and3A_522 = arith.andi %ge3A_519, %ge3A_521 : vector<16xi1>
            %while3A_523:2 = scf.while (%while3A_524 = %scan3A_510, %while3A_525 = %and3A_522) : (i32, vector<16xi1>) -> (i32, vector<16xi1>) {
              %lt3A_526 = arith.constant 16 : i32
              %lt3A_527 = arith.cmpi slt, %while3A_524, %lt3A_526 : i32
              %convert_element_type3A_528 = arith.extui %while3A_525 : vector<16xi1> to vector<16xi32>
              %reduce_sum3A_529 = arith.constant true
              %reduce_sum3A_530 = vector.broadcast %reduce_sum3A_529 : i1 to vector<16xi1>
              %reduce_sum3A_531 = tpu.scan <sum>, %convert_element_type3A_528 masked %reduce_sum3A_530 : vector<16xi32>, vector<16xi1> -> vector<16xi32>
              %reduce_sum3A_532 = vector.extract %reduce_sum3A_531[15] : i32 from vector<16xi32>
              %gt3A_533 = arith.constant 0 : i32
              %gt3A_534 = arith.cmpi sgt, %reduce_sum3A_532, %gt3A_533 : i32
              %and3A_535 = arith.andi %lt3A_527, %gt3A_534 : i1
              scf.condition(%and3A_535) %while3A_524, %while3A_525 : i32, vector<16xi1>
            } do {
            ^bb0(%while3A_524: i32, %while3A_525: vector<16xi1>):
              %jit3A_526 = arith.constant 512 : i32
              %broadcast_in_dim3A_527 = vector.broadcast %jit3A_526 : i32 to vector<16xi32>
              %select_n3A_528 = arith.select %while3A_525, %add3A_518, %broadcast_in_dim3A_527 : vector<16xi1>, vector<16xi32>
              %reduce_min3A = arith.constant true
              %reduce_min3A_529 = vector.broadcast %reduce_min3A : i1 to vector<16xi1>
              %reduce_min3A_530 = arith.constant -2147483648 : i32
              %reduce_min3A_531 = vector.broadcast %reduce_min3A_530 : i32 to vector<16xi32>
              %reduce_min3A_532 = arith.xori %select_n3A_528, %reduce_min3A_531 : vector<16xi32>
              %reduce_min3A_533 = tpu.scan <min>, %reduce_min3A_532 masked %reduce_min3A_529 : vector<16xi32>, vector<16xi1> -> vector<16xi32>
              %reduce_min3A_534 = arith.xori %reduce_min3A_533, %reduce_min3A_531 : vector<16xi32>
              %reduce_min3A_535 = vector.extract %reduce_min3A_534[15] : i32 from vector<16xi32>
              %jit3A_536 = arith.constant 16 : i32
              %div3A_537 = arith.divsi %while3A_524, %jit3A_536 : i32
              %sign3A_538 = arith.constant 0 : i32
              %sign3A_539 = arith.cmpi sgt, %while3A_524, %sign3A_538 : i32
              %sign3A_540 = arith.extui %sign3A_539 : i1 to i32
              %sign3A_541 = arith.constant 0 : i32
              %sign3A_542 = arith.cmpi slt, %while3A_524, %sign3A_541 : i32
              %sign3A_543 = arith.extui %sign3A_542 : i1 to i32
              %sign3A_544 = arith.subi %sign3A_540, %sign3A_543 : i32
              %sign3A_545 = arith.constant 0 : i32
              %sign3A_546 = arith.cmpi sgt, %jit3A_536, %sign3A_545 : i32
              %sign3A_547 = arith.extui %sign3A_546 : i1 to i32
              %sign3A_548 = arith.constant 0 : i32
              %sign3A_549 = arith.cmpi slt, %jit3A_536, %sign3A_548 : i32
              %sign3A_550 = arith.extui %sign3A_549 : i1 to i32
              %sign3A_551 = arith.subi %sign3A_547, %sign3A_550 : i32
              %ne3A_552 = arith.cmpi ne, %sign3A_544, %sign3A_551 : i32
              %rem3A_553 = arith.remsi %while3A_524, %jit3A_536 : i32
              %ne3A_554 = arith.constant 0 : i32
              %ne3A_555 = arith.cmpi ne, %rem3A_553, %ne3A_554 : i32
              %and3A_556 = arith.andi %ne3A_552, %ne3A_555 : i1
              %sub3A_557 = arith.constant 1 : i32
              %sub3A_558 = arith.subi %div3A_537, %sub3A_557 : i32
              %select_n3A_559 = arith.select %and3A_556, %sub3A_558, %div3A_537 : i32
              %mul3A_560 = arith.constant 16 : i32
              %mul3A_561 = arith.muli %select_n3A_559, %mul3A_560 : i32
              %get3A_562 = arith.index_cast %mul3A_561 : i32 to index
              %get3A_563 = tpu.vector_load %arg13[%get3A_562] {strides = array<i32>} : memref<16xi32, #tpu.memory_space<vmem>>, vector<16xi32>,
              %sub3A_564 = arith.subi %while3A_524, %mul3A_561 : i32
              %eq3A_565 = vector.broadcast %sub3A_564 : i32 to vector<16xi32>
              %eq3A_566 = arith.cmpi eq, %iota3A, %eq3A_565 : vector<16xi32>
              %broadcast_in_dim3A_567 = vector.broadcast %reduce_min3A_535 : i32 to vector<16xi32>
              %select_n3A_568 = arith.select %eq3A_566, %broadcast_in_dim3A_567, %get3A_563 : vector<16xi1>, vector<16xi32>
              %swap3A_569 = arith.index_cast %mul3A_561 : i32 to index
              %swap3A_570 = tpu.vector_load %arg13[%swap3A_569] {strides = array<i32>} : memref<16xi32, #tpu.memory_space<vmem>>, vector<16xi32>,
              tpu.vector_store %arg13[%swap3A_569], %select_n3A_568 {strides = array<i32>} : memref<16xi32, #tpu.memory_space<vmem>>, vector<16xi32>,
              %add3A_571 = arith.constant 1 : i32
              %add3A_572 = arith.addi %while3A_524, %add3A_571 : i32
              %gt3A_573 = vector.broadcast %reduce_min3A_535 : i32 to vector<16xi32>
              %gt3A_574 = arith.cmpi sgt, %add3A_518, %gt3A_573 : vector<16xi32>
              %and3A_575 = arith.andi %while3A_525, %gt3A_574 : vector<16xi1>
              scf.yield %add3A_572, %and3A_575 : i32, vector<16xi1>
            }
            scf.yield %while3A_523#0 : i32
          }
          %scan3A_436 = arith.constant 32 : i32
          %get3A_437 = arith.constant 0 : index
          %get3A_438 = tpu.vector_load %arg13[%get3A_437] {strides = array<i32>} : memref<16xi32, #tpu.memory_space<vmem>>, vector<16xi32>,
          %lt3A_439 = arith.constant 512 : i32
          %lt3A_440 = vector.broadcast %lt3A_439 : i32 to vector<16xi32>
          %lt3A_441 = arith.cmpi slt, %get3A_438, %lt3A_440 : vector<16xi32>
          %mul3A_442 = arith.constant 512 : i32
          %mul3A_443 = arith.muli %add3A, %mul3A_442 : i32
          %add3A_444 = vector.broadcast %mul3A_443 : i32 to vector<16xi32>
          %add3A_445 = arith.addi %add3A_444, %get3A_438 : vector<16xi32>
          %mul3A_446 = arith.constant 512 : i32
          %mul3A_447 = arith.muli %add3A, %mul3A_446 : i32
          %broadcast_in_dim3A_448 = vector.broadcast %mul3A_447 : i32 to vector<16xi32>
          %select_n3A_449 = arith.select %lt3A_441, %add3A_445, %broadcast_in_dim3A_448 : vector<16xi1>, vector<16xi32>
          %dma_start3A_450 = arith.constant 0 : i32
          %dma_start3A_451 = arith.constant 0 : i32
          %dma_start3A_452 = tpu.memref_slice %arg2[%dma_start3A_450, %dma_start3A_451] : memref<8192x512xf32, #tpu.memory_space<hbm>> -> memref<8192x512xf32, #tpu.memory_space<hbm>>
          tpu.enqueue_indirect_dma source(%dma_start3A_452 : memref<8192x512xf32, #tpu.memory_space<hbm>>) target(%arg12 : memref<16x512xf32, #tpu.memory_space<vmem>>) offsets(%select_n3A_449 : vector<16xi32>) semaphore(%arg17 : memref<!tpu.dma_semaphore, #tpu.memory_space<semaphore_mem>>)
          %dma_wait3A_453 = arith.constant 0 : i32
          %dma_wait3A_454 = arith.constant 0 : i32
          %dma_wait3A_455 = tpu.memref_slice %arg2[%dma_wait3A_453, %dma_wait3A_454] : memref<8192x512xf32, #tpu.memory_space<hbm>> -> memref<8192x512xf32, #tpu.memory_space<hbm>>
          tpu.wait_indirect_dma semaphore(%arg17 : memref<!tpu.dma_semaphore, #tpu.memory_space<semaphore_mem>>) src(%dma_wait3A_455 : memref<8192x512xf32, #tpu.memory_space<hbm>>) dst(%arg12 : memref<16x512xf32, #tpu.memory_space<vmem>>)
          %scan3A_456 = arith.constant 0 : i32
          %scan3A_457 = arith.constant 16 : i32
          %scan3A_458 = arith.addi %scan3A_456, %scan3A_457 : i32
          %scan3A_459 = arith.constant 1 : i32
          %scan3A_460:3 = scf.for %scan3A_509 = %scan3A_456 to %scan3A_458 step %scan3A_459 iter_args(%scan3A_510 = %while3A_422, %scan3A_511 = %while3A_423, %scan3A_512 = %while3A_424) -> (i1, i32, i32)  : i32 {
            %jit3A_513 = arith.constant 16 : i32
            %div3A_514 = arith.divsi %scan3A_509, %jit3A_513 : i32
            %sign3A_515 = arith.constant 0 : i32
            %sign3A_516 = arith.cmpi sgt, %scan3A_509, %sign3A_515 : i32
            %sign3A_517 = arith.extui %sign3A_516 : i1 to i32
            %sign3A_518 = arith.constant 0 : i32
            %sign3A_519 = arith.cmpi slt, %scan3A_509, %sign3A_518 : i32
            %sign3A_520 = arith.extui %sign3A_519 : i1 to i32
            %sign3A_521 = arith.subi %sign3A_517, %sign3A_520 : i32
            %sign3A_522 = arith.constant 0 : i32
            %sign3A_523 = arith.cmpi sgt, %jit3A_513, %sign3A_522 : i32
            %sign3A_524 = arith.extui %sign3A_523 : i1 to i32
            %sign3A_525 = arith.constant 0 : i32
            %sign3A_526 = arith.cmpi slt, %jit3A_513, %sign3A_525 : i32
            %sign3A_527 = arith.extui %sign3A_526 : i1 to i32
            %sign3A_528 = arith.subi %sign3A_524, %sign3A_527 : i32
            %ne3A_529 = arith.cmpi ne, %sign3A_521, %sign3A_528 : i32
            %rem3A_530 = arith.remsi %scan3A_509, %jit3A_513 : i32
            %ne3A_531 = arith.constant 0 : i32
            %ne3A_532 = arith.cmpi ne, %rem3A_530, %ne3A_531 : i32
            %and3A_533 = arith.andi %ne3A_529, %ne3A_532 : i1
            %sub3A_534 = arith.constant 1 : i32
            %sub3A_535 = arith.subi %div3A_514, %sub3A_534 : i32
            %select_n3A_536 = arith.select %and3A_533, %sub3A_535, %div3A_514 : i32
            %mul3A_537 = arith.constant 16 : i32
            %mul3A_538 = arith.muli %select_n3A_536, %mul3A_537 : i32
            %get3A_539 = arith.index_cast %mul3A_538 : i32 to index
            %get3A_540 = tpu.vector_load %arg13[%get3A_539] {strides = array<i32>} : memref<16xi32, #tpu.memory_space<vmem>>, vector<16xi32>,
            %sub3A_541 = arith.subi %scan3A_509, %mul3A_538 : i32
            %eq3A_542 = vector.broadcast %sub3A_541 : i32 to vector<16xi32>
            %eq3A_543 = arith.cmpi eq, %iota3A, %eq3A_542 : vector<16xi32>
            %jit3A_544 = arith.constant 0 : i32
            %broadcast_in_dim3A_545 = vector.broadcast %jit3A_544 : i32 to vector<16xi32>
            %select_n3A_546 = arith.select %eq3A_543, %get3A_540, %broadcast_in_dim3A_545 : vector<16xi1>, vector<16xi32>
            %reduce_sum3A_547 = arith.constant true
            %reduce_sum3A_548 = vector.broadcast %reduce_sum3A_547 : i1 to vector<16xi1>
            %reduce_sum3A_549 = tpu.scan <sum>, %select_n3A_546 masked %reduce_sum3A_548 : vector<16xi32>, vector<16xi1> -> vector<16xi32>
            %reduce_sum3A_550 = vector.extract %reduce_sum3A_549[15] : i32 from vector<16xi32>
            %not3A = arith.constant true
            %not3A_551 = arith.xori %scan3A_510, %not3A : i1
            %lt3A_552 = arith.cmpi slt, %scan3A_509, %scan3A_435 : i32
            %and3A_553 = arith.andi %not3A_551, %lt3A_552 : i1
            %lt3A_554 = arith.constant 512 : i32
            %lt3A_555 = arith.cmpi slt, %reduce_sum3A_550, %lt3A_554 : i32
            %and3A_556 = arith.andi %and3A_553, %lt3A_555 : i1
            %convert_element_type3A_557 = arith.extui %and3A_556 : i1 to i32
            %cond3A_558 = arith.constant 0 : i32
            %cond3A_559 = arith.cmpi ne, %convert_element_type3A_557, %cond3A_558 : i32
            %cond3A_560:3 = scf.if %cond3A_559 -> (i1, i32, i32) {
              %while3A_561 = arith.constant 0 : i32
              %while3A_562 = arith.constant 0 : i32
              %while3A_563 = arith.subi %scan3A_110, %while3A_561 : i32
              %while3A_564 = arith.addi %while3A_561, %while3A_563 : i32
              %while3A_565 = arith.constant 1 : i32
              %while3A_566 = arith.divsi %while3A_563, %while3A_565 : i32
              %while3A_567 = arith.muli %while3A_566, %while3A_565 : i32
              %while3A_568 = arith.addi %while3A_561, %while3A_567 : i32
              %while3A_569 = arith.constant 1 : i32
              %while3A_570 = scf.for %while3A_583 = %while3A_561 to %while3A_568 step %while3A_569 iter_args(%while3A_584 = %while3A_562) -> (i32)  : i32 {
                %jit3A_585 = arith.constant 16 : i32
                %div3A_586 = arith.divsi %while3A_583, %jit3A_585 : i32
                %sign3A_587 = arith.constant 0 : i32
                %sign3A_588 = arith.cmpi sgt, %while3A_583, %sign3A_587 : i32
                %sign3A_589 = arith.extui %sign3A_588 : i1 to i32
                %sign3A_590 = arith.constant 0 : i32
                %sign3A_591 = arith.cmpi slt, %while3A_583, %sign3A_590 : i32
                %sign3A_592 = arith.extui %sign3A_591 : i1 to i32
                %sign3A_593 = arith.subi %sign3A_589, %sign3A_592 : i32
                %sign3A_594 = arith.constant 0 : i32
                %sign3A_595 = arith.cmpi sgt, %jit3A_585, %sign3A_594 : i32
                %sign3A_596 = arith.extui %sign3A_595 : i1 to i32
                %sign3A_597 = arith.constant 0 : i32
                %sign3A_598 = arith.cmpi slt, %jit3A_585, %sign3A_597 : i32
                %sign3A_599 = arith.extui %sign3A_598 : i1 to i32
                %sign3A_600 = arith.subi %sign3A_596, %sign3A_599 : i32
                %ne3A_601 = arith.cmpi ne, %sign3A_593, %sign3A_600 : i32
                %rem3A_602 = arith.remsi %while3A_583, %jit3A_585 : i32
                %ne3A_603 = arith.constant 0 : i32
                %ne3A_604 = arith.cmpi ne, %rem3A_602, %ne3A_603 : i32
                %and3A_605 = arith.andi %ne3A_601, %ne3A_604 : i1
                %sub3A_606 = arith.constant 1 : i32
                %sub3A_607 = arith.subi %div3A_586, %sub3A_606 : i32
                %select_n3A_608 = arith.select %and3A_605, %sub3A_607, %div3A_586 : i32
                %mul3A_609 = arith.constant 16 : i32
                %mul3A_610 = arith.muli %select_n3A_608, %mul3A_609 : i32
                %get3A_611 = arith.index_cast %mul3A_610 : i32 to index
                %get3A_612 = tpu.vector_load %arg14[%get3A_611] {strides = array<i32>} : memref<16xi32, #tpu.memory_space<vmem>>, vector<16xi32>,
                %sub3A_613 = arith.subi %while3A_583, %mul3A_610 : i32
                %eq3A_614 = vector.broadcast %sub3A_613 : i32 to vector<16xi32>
                %eq3A_615 = arith.cmpi eq, %iota3A, %eq3A_614 : vector<16xi32>
                %jit3A_616 = arith.constant 0 : i32
                %broadcast_in_dim3A_617 = vector.broadcast %jit3A_616 : i32 to vector<16xi32>
                %select_n3A_618 = arith.select %eq3A_615, %get3A_612, %broadcast_in_dim3A_617 : vector<16xi1>, vector<16xi32>
                %reduce_sum3A_619 = arith.constant true
                %reduce_sum3A_620 = vector.broadcast %reduce_sum3A_619 : i1 to vector<16xi1>
                %reduce_sum3A_621 = tpu.scan <sum>, %select_n3A_618 masked %reduce_sum3A_620 : vector<16xi32>, vector<16xi1> -> vector<16xi32>
                %reduce_sum3A_622 = vector.extract %reduce_sum3A_621[15] : i32 from vector<16xi32>
                %jit3A_623 = arith.constant 16 : i32
                %div3A_624 = arith.divsi %while3A_583, %jit3A_623 : i32
                %sign3A_625 = arith.constant 0 : i32
                %sign3A_626 = arith.cmpi sgt, %while3A_583, %sign3A_625 : i32
                %sign3A_627 = arith.extui %sign3A_626 : i1 to i32
                %sign3A_628 = arith.constant 0 : i32
                %sign3A_629 = arith.cmpi slt, %while3A_583, %sign3A_628 : i32
                %sign3A_630 = arith.extui %sign3A_629 : i1 to i32
                %sign3A_631 = arith.subi %sign3A_627, %sign3A_630 : i32
                %sign3A_632 = arith.constant 0 : i32
                %sign3A_633 = arith.cmpi sgt, %jit3A_623, %sign3A_632 : i32
                %sign3A_634 = arith.extui %sign3A_633 : i1 to i32
                %sign3A_635 = arith.constant 0 : i32
                %sign3A_636 = arith.cmpi slt, %jit3A_623, %sign3A_635 : i32
                %sign3A_637 = arith.extui %sign3A_636 : i1 to i32
                %sign3A_638 = arith.subi %sign3A_634, %sign3A_637 : i32
                %ne3A_639 = arith.cmpi ne, %sign3A_631, %sign3A_638 : i32
                %rem3A_640 = arith.remsi %while3A_583, %jit3A_623 : i32
                %ne3A_641 = arith.constant 0 : i32
                %ne3A_642 = arith.cmpi ne, %rem3A_640, %ne3A_641 : i32
                %and3A_643 = arith.andi %ne3A_639, %ne3A_642 : i1
                %sub3A_644 = arith.constant 1 : i32
                %sub3A_645 = arith.subi %div3A_624, %sub3A_644 : i32
                %select_n3A_646 = arith.select %and3A_643, %sub3A_645, %div3A_624 : i32
                %mul3A_647 = arith.constant 16 : i32
                %mul3A_648 = arith.muli %select_n3A_646, %mul3A_647 : i32
                %get3A_649 = arith.index_cast %mul3A_648 : i32 to index
                %get3A_650 = tpu.vector_load %arg15[%get3A_649] {strides = array<i32>} : memref<16xi32, #tpu.memory_space<vmem>>, vector<16xi32>,
                %sub3A_651 = arith.subi %while3A_583, %mul3A_648 : i32
                %eq3A_652 = vector.broadcast %sub3A_651 : i32 to vector<16xi32>
                %eq3A_653 = arith.cmpi eq, %iota3A, %eq3A_652 : vector<16xi32>
                %jit3A_654 = arith.constant 0 : i32
                %broadcast_in_dim3A_655 = vector.broadcast %jit3A_654 : i32 to vector<16xi32>
                %select_n3A_656 = arith.select %eq3A_653, %get3A_650, %broadcast_in_dim3A_655 : vector<16xi1>, vector<16xi32>
                %reduce_sum3A_657 = arith.constant true
                %reduce_sum3A_658 = vector.broadcast %reduce_sum3A_657 : i1 to vector<16xi1>
                %reduce_sum3A_659 = tpu.scan <sum>, %select_n3A_656 masked %reduce_sum3A_658 : vector<16xi32>, vector<16xi1> -> vector<16xi32>
                %reduce_sum3A_660 = vector.extract %reduce_sum3A_659[15] : i32 from vector<16xi32>
                %ge3A = arith.cmpi sge, %reduce_sum3A_550, %reduce_sum3A_622 : i32
                %add3A_661 = arith.constant 5 : i32
                %add3A_662 = arith.addi %reduce_sum3A_622, %add3A_661 : i32
                %lt3A_663 = arith.cmpi slt, %reduce_sum3A_550, %add3A_662 : i32
                %and3A_664 = arith.andi %ge3A, %lt3A_663 : i1
                %convert_element_type3A_665 = arith.extui %and3A_664 : i1 to i32
                %cond3A_666 = arith.constant 0 : i32
                %cond3A_667 = arith.cmpi ne, %convert_element_type3A_665, %cond3A_666 : i32
                scf.if %cond3A_667 {
                  %broadcast_in_dim3A_669 = arith.constant 1 : i32
                  %broadcast_in_dim3A_670 = vector.broadcast %broadcast_in_dim3A_669 : i32 to vector<16xi32>
                  %mul3A_671 = vector.broadcast %scan3A_509 : i32 to vector<16xi32>
                  %mul3A_672 = arith.muli %broadcast_in_dim3A_670, %mul3A_671 : vector<16xi32>
                  %add3A_673 = vector.broadcast %reduce_sum3A_660 : i32 to vector<16xi32>
                  %add3A_674 = arith.addi %add3A_673, %iota3A : vector<16xi32>
                  %min3A_675 = arith.constant 511 : i32
                  %min3A_676 = vector.broadcast %min3A_675 : i32 to vector<16xi32>
                  %min3A_677 = arith.minsi %add3A_674, %min3A_676 : vector<16xi32>
                  %broadcast_in_dim3A_678 = arith.constant 0.000000e+00 : f32
                  %broadcast_in_dim3A_679 = vector.broadcast %broadcast_in_dim3A_678 : f32 to vector<16xf32>
                  %lt3A_680 = arith.constant 5 : i32
                  %lt3A_681 = vector.broadcast %lt3A_680 : i32 to vector<16xi32>
                  %lt3A_682 = arith.cmpi slt, %iota3A, %lt3A_681 : vector<16xi32>
                  tpu.vector_store_idx %arg12[%mul3A_672, %min3A_677], %broadcast_in_dim3A_679 masked %lt3A_682 : memref<16x512xf32, #tpu.memory_space<vmem>>[vector<16xi32>, vector<16xi32>], vector<16xf32>, vector<16xi1>
                } else {
                }
                %while3A_668 = arith.constant 0 : i32
                scf.yield %while3A_668 : i32
              }
              %while3A_571 = arith.constant 1 : i32
              %while3A_572 = scf.for %while3A_583 = %while3A_568 to %while3A_564 step %while3A_571 iter_args(%while3A_584 = %while3A_570) -> (i32)  : i32 {
                %jit3A_585 = arith.constant 16 : i32
                %div3A_586 = arith.divsi %while3A_583, %jit3A_585 : i32
                %sign3A_587 = arith.constant 0 : i32
                %sign3A_588 = arith.cmpi sgt, %while3A_583, %sign3A_587 : i32
                %sign3A_589 = arith.extui %sign3A_588 : i1 to i32
                %sign3A_590 = arith.constant 0 : i32
                %sign3A_591 = arith.cmpi slt, %while3A_583, %sign3A_590 : i32
                %sign3A_592 = arith.extui %sign3A_591 : i1 to i32
                %sign3A_593 = arith.subi %sign3A_589, %sign3A_592 : i32
                %sign3A_594 = arith.constant 0 : i32
                %sign3A_595 = arith.cmpi sgt, %jit3A_585, %sign3A_594 : i32
                %sign3A_596 = arith.extui %sign3A_595 : i1 to i32
                %sign3A_597 = arith.constant 0 : i32
                %sign3A_598 = arith.cmpi slt, %jit3A_585, %sign3A_597 : i32
                %sign3A_599 = arith.extui %sign3A_598 : i1 to i32
                %sign3A_600 = arith.subi %sign3A_596, %sign3A_599 : i32
                %ne3A_601 = arith.cmpi ne, %sign3A_593, %sign3A_600 : i32
                %rem3A_602 = arith.remsi %while3A_583, %jit3A_585 : i32
                %ne3A_603 = arith.constant 0 : i32
                %ne3A_604 = arith.cmpi ne, %rem3A_602, %ne3A_603 : i32
                %and3A_605 = arith.andi %ne3A_601, %ne3A_604 : i1
                %sub3A_606 = arith.constant 1 : i32
                %sub3A_607 = arith.subi %div3A_586, %sub3A_606 : i32
                %select_n3A_608 = arith.select %and3A_605, %sub3A_607, %div3A_586 : i32
                %mul3A_609 = arith.constant 16 : i32
                %mul3A_610 = arith.muli %select_n3A_608, %mul3A_609 : i32
                %get3A_611 = arith.index_cast %mul3A_610 : i32 to index
                %get3A_612 = tpu.vector_load %arg14[%get3A_611] {strides = array<i32>} : memref<16xi32, #tpu.memory_space<vmem>>, vector<16xi32>,
                %sub3A_613 = arith.subi %while3A_583, %mul3A_610 : i32
                %eq3A_614 = vector.broadcast %sub3A_613 : i32 to vector<16xi32>
                %eq3A_615 = arith.cmpi eq, %iota3A, %eq3A_614 : vector<16xi32>
                %jit3A_616 = arith.constant 0 : i32
                %broadcast_in_dim3A_617 = vector.broadcast %jit3A_616 : i32 to vector<16xi32>
                %select_n3A_618 = arith.select %eq3A_615, %get3A_612, %broadcast_in_dim3A_617 : vector<16xi1>, vector<16xi32>
                %reduce_sum3A_619 = arith.constant true
                %reduce_sum3A_620 = vector.broadcast %reduce_sum3A_619 : i1 to vector<16xi1>
                %reduce_sum3A_621 = tpu.scan <sum>, %select_n3A_618 masked %reduce_sum3A_620 : vector<16xi32>, vector<16xi1> -> vector<16xi32>
                %reduce_sum3A_622 = vector.extract %reduce_sum3A_621[15] : i32 from vector<16xi32>
                %jit3A_623 = arith.constant 16 : i32
                %div3A_624 = arith.divsi %while3A_583, %jit3A_623 : i32
                %sign3A_625 = arith.constant 0 : i32
                %sign3A_626 = arith.cmpi sgt, %while3A_583, %sign3A_625 : i32
                %sign3A_627 = arith.extui %sign3A_626 : i1 to i32
                %sign3A_628 = arith.constant 0 : i32
                %sign3A_629 = arith.cmpi slt, %while3A_583, %sign3A_628 : i32
                %sign3A_630 = arith.extui %sign3A_629 : i1 to i32
                %sign3A_631 = arith.subi %sign3A_627, %sign3A_630 : i32
                %sign3A_632 = arith.constant 0 : i32
                %sign3A_633 = arith.cmpi sgt, %jit3A_623, %sign3A_632 : i32
                %sign3A_634 = arith.extui %sign3A_633 : i1 to i32
                %sign3A_635 = arith.constant 0 : i32
                %sign3A_636 = arith.cmpi slt, %jit3A_623, %sign3A_635 : i32
                %sign3A_637 = arith.extui %sign3A_636 : i1 to i32
                %sign3A_638 = arith.subi %sign3A_634, %sign3A_637 : i32
                %ne3A_639 = arith.cmpi ne, %sign3A_631, %sign3A_638 : i32
                %rem3A_640 = arith.remsi %while3A_583, %jit3A_623 : i32
                %ne3A_641 = arith.constant 0 : i32
                %ne3A_642 = arith.cmpi ne, %rem3A_640, %ne3A_641 : i32
                %and3A_643 = arith.andi %ne3A_639, %ne3A_642 : i1
                %sub3A_644 = arith.constant 1 : i32
                %sub3A_645 = arith.subi %div3A_624, %sub3A_644 : i32
                %select_n3A_646 = arith.select %and3A_643, %sub3A_645, %div3A_624 : i32
                %mul3A_647 = arith.constant 16 : i32
                %mul3A_648 = arith.muli %select_n3A_646, %mul3A_647 : i32
                %get3A_649 = arith.index_cast %mul3A_648 : i32 to index
                %get3A_650 = tpu.vector_load %arg15[%get3A_649] {strides = array<i32>} : memref<16xi32, #tpu.memory_space<vmem>>, vector<16xi32>,
                %sub3A_651 = arith.subi %while3A_583, %mul3A_648 : i32
                %eq3A_652 = vector.broadcast %sub3A_651 : i32 to vector<16xi32>
                %eq3A_653 = arith.cmpi eq, %iota3A, %eq3A_652 : vector<16xi32>
                %jit3A_654 = arith.constant 0 : i32
                %broadcast_in_dim3A_655 = vector.broadcast %jit3A_654 : i32 to vector<16xi32>
                %select_n3A_656 = arith.select %eq3A_653, %get3A_650, %broadcast_in_dim3A_655 : vector<16xi1>, vector<16xi32>
                %reduce_sum3A_657 = arith.constant true
                %reduce_sum3A_658 = vector.broadcast %reduce_sum3A_657 : i1 to vector<16xi1>
                %reduce_sum3A_659 = tpu.scan <sum>, %select_n3A_656 masked %reduce_sum3A_658 : vector<16xi32>, vector<16xi1> -> vector<16xi32>
                %reduce_sum3A_660 = vector.extract %reduce_sum3A_659[15] : i32 from vector<16xi32>
                %ge3A = arith.cmpi sge, %reduce_sum3A_550, %reduce_sum3A_622 : i32
                %add3A_661 = arith.constant 5 : i32
                %add3A_662 = arith.addi %reduce_sum3A_622, %add3A_661 : i32
                %lt3A_663 = arith.cmpi slt, %reduce_sum3A_550, %add3A_662 : i32
                %and3A_664 = arith.andi %ge3A, %lt3A_663 : i1
                %convert_element_type3A_665 = arith.extui %and3A_664 : i1 to i32
                %cond3A_666 = arith.constant 0 : i32
                %cond3A_667 = arith.cmpi ne, %convert_element_type3A_665, %cond3A_666 : i32
                scf.if %cond3A_667 {
                  %broadcast_in_dim3A_669 = arith.constant 1 : i32
                  %broadcast_in_dim3A_670 = vector.broadcast %broadcast_in_dim3A_669 : i32 to vector<16xi32>
                  %mul3A_671 = vector.broadcast %scan3A_509 : i32 to vector<16xi32>
                  %mul3A_672 = arith.muli %broadcast_in_dim3A_670, %mul3A_671 : vector<16xi32>
                  %add3A_673 = vector.broadcast %reduce_sum3A_660 : i32 to vector<16xi32>
                  %add3A_674 = arith.addi %add3A_673, %iota3A : vector<16xi32>
                  %min3A_675 = arith.constant 511 : i32
                  %min3A_676 = vector.broadcast %min3A_675 : i32 to vector<16xi32>
                  %min3A_677 = arith.minsi %add3A_674, %min3A_676 : vector<16xi32>
                  %broadcast_in_dim3A_678 = arith.constant 0.000000e+00 : f32
                  %broadcast_in_dim3A_679 = vector.broadcast %broadcast_in_dim3A_678 : f32 to vector<16xf32>
                  %lt3A_680 = arith.constant 5 : i32
                  %lt3A_681 = vector.broadcast %lt3A_680 : i32 to vector<16xi32>
                  %lt3A_682 = arith.cmpi slt, %iota3A, %lt3A_681 : vector<16xi32>
                  tpu.vector_store_idx %arg12[%mul3A_672, %min3A_677], %broadcast_in_dim3A_679 masked %lt3A_682 : memref<16x512xf32, #tpu.memory_space<vmem>>[vector<16xi32>, vector<16xi32>], vector<16xf32>, vector<16xi1>
                } else {
                }
                %while3A_668 = arith.constant 0 : i32
                scf.yield %while3A_668 : i32
              }
              %scan3A_573 = arith.constant false
              %scan3A_574 = arith.constant 0 : i32
              %scan3A_575 = arith.constant 0 : i32
              %scan3A_576 = arith.constant 32 : i32
              %scan3A_577 = arith.addi %scan3A_575, %scan3A_576 : i32
              %scan3A_578 = arith.constant 1 : i32
              %scan3A_579:2 = scf.for %scan3A_583 = %scan3A_575 to %scan3A_577 step %scan3A_578 iter_args(%scan3A_584 = %scan3A_573, %scan3A_585 = %scan3A_574) -> (i1, i32)  : i32 {
                %convert_element_type3A_586 = arith.extui %scan3A_584 : i1 to i32
                %cond3A_587 = arith.constant 0 : i32
                %cond3A_588 = arith.cmpi ne, %convert_element_type3A_586, %cond3A_587 : i32
                %cond3A_589:2 = scf.if %cond3A_588 -> (i1, i32) {
                  scf.yield %scan3A_584, %scan3A_585 : i1, i32
                } else {
                  %mul3A_590 = arith.constant 16 : i32
                  %mul3A_591 = arith.muli %scan3A_583, %mul3A_590 : i32
                  %get3A_592 = arith.index_cast %scan3A_509 : i32 to index
                  %get3A_593 = arith.index_cast %mul3A_591 : i32 to index
                  %get3A_594 = tpu.vector_load %arg12[%get3A_592, %get3A_593] {strides = array<i32>} : memref<16x512xf32, #tpu.memory_space<vmem>>, vector<16xf32>,
                  %eq3A_595 = vector.broadcast %scan3A_213#0 : f32 to vector<16xf32>
                  %eq3A_596 = arith.cmpf oeq, %get3A_594, %eq3A_595 : vector<16xf32>
                  %jit3A_597 = arith.constant 16 : i32
                  %broadcast_in_dim3A_598 = vector.broadcast %jit3A_597 : i32 to vector<16xi32>
                  %select_n3A_599 = arith.select %eq3A_596, %iota3A, %broadcast_in_dim3A_598 : vector<16xi1>, vector<16xi32>
                  %reduce_min3A = arith.constant true
                  %reduce_min3A_600 = vector.broadcast %reduce_min3A : i1 to vector<16xi1>
                  %reduce_min3A_601 = arith.constant -2147483648 : i32
                  %reduce_min3A_602 = vector.broadcast %reduce_min3A_601 : i32 to vector<16xi32>
                  %reduce_min3A_603 = arith.xori %select_n3A_599, %reduce_min3A_602 : vector<16xi32>
                  %reduce_min3A_604 = tpu.scan <min>, %reduce_min3A_603 masked %reduce_min3A_600 : vector<16xi32>, vector<16xi1> -> vector<16xi32>
                  %reduce_min3A_605 = arith.xori %reduce_min3A_604, %reduce_min3A_602 : vector<16xi32>
                  %reduce_min3A_606 = vector.extract %reduce_min3A_605[15] : i32 from vector<16xi32>
                  %lt3A_607 = arith.constant 16 : i32
                  %lt3A_608 = arith.cmpi slt, %reduce_min3A_606, %lt3A_607 : i32
                  %or3A_609 = arith.ori %scan3A_584, %lt3A_608 : i1
                  %mul3A_610 = arith.constant 16 : i32
                  %mul3A_611 = arith.muli %scan3A_583, %mul3A_610 : i32
                  %add3A_612 = arith.addi %mul3A_611, %reduce_min3A_606 : i32
                  %select_n3A_613 = arith.select %lt3A_608, %add3A_612, %scan3A_585 : i32
                  scf.yield %or3A_609, %select_n3A_613 : i1, i32
                }
                scf.yield %cond3A_589#0, %cond3A_589#1 : i1, i32
              }
              %scan3A_580 = arith.constant 32 : i32
              %select_n3A_581 = arith.select %scan3A_579#0, %reduce_sum3A_550, %scan3A_511 : i32
              %select_n3A_582 = arith.select %scan3A_579#0, %scan3A_579#1, %scan3A_512 : i32
              %or3A = arith.ori %scan3A_510, %scan3A_579#0 : i1
              scf.yield %or3A, %select_n3A_581, %select_n3A_582 : i1, i32, i32
            } else {
              scf.yield %scan3A_510, %scan3A_511, %scan3A_512 : i1, i32, i32
            }
            scf.yield %cond3A_560#0, %cond3A_560#1, %cond3A_560#2 : i1, i32, i32
          }
          %scan3A_461 = arith.constant 16 : i32
          %sub3A_462 = arith.constant 1 : i32
          %sub3A_463 = arith.subi %scan3A_435, %sub3A_462 : i32
          %max3A_464 = arith.constant 0 : i32
          %max3A_465 = arith.maxsi %sub3A_463, %max3A_464 : i32
          %jit3A_466 = arith.constant 16 : i32
          %div3A_467 = arith.divsi %max3A_465, %jit3A_466 : i32
          %sign3A_468 = arith.constant 0 : i32
          %sign3A_469 = arith.cmpi sgt, %max3A_465, %sign3A_468 : i32
          %sign3A_470 = arith.extui %sign3A_469 : i1 to i32
          %sign3A_471 = arith.constant 0 : i32
          %sign3A_472 = arith.cmpi slt, %max3A_465, %sign3A_471 : i32
          %sign3A_473 = arith.extui %sign3A_472 : i1 to i32
          %sign3A_474 = arith.subi %sign3A_470, %sign3A_473 : i32
          %sign3A_475 = arith.constant 0 : i32
          %sign3A_476 = arith.cmpi sgt, %jit3A_466, %sign3A_475 : i32
          %sign3A_477 = arith.extui %sign3A_476 : i1 to i32
          %sign3A_478 = arith.constant 0 : i32
          %sign3A_479 = arith.cmpi slt, %jit3A_466, %sign3A_478 : i32
          %sign3A_480 = arith.extui %sign3A_479 : i1 to i32
          %sign3A_481 = arith.subi %sign3A_477, %sign3A_480 : i32
          %ne3A_482 = arith.cmpi ne, %sign3A_474, %sign3A_481 : i32
          %rem3A_483 = arith.remsi %max3A_465, %jit3A_466 : i32
          %ne3A_484 = arith.constant 0 : i32
          %ne3A_485 = arith.cmpi ne, %rem3A_483, %ne3A_484 : i32
          %and3A_486 = arith.andi %ne3A_482, %ne3A_485 : i1
          %sub3A_487 = arith.constant 1 : i32
          %sub3A_488 = arith.subi %div3A_467, %sub3A_487 : i32
          %select_n3A_489 = arith.select %and3A_486, %sub3A_488, %div3A_467 : i32
          %mul3A_490 = arith.constant 16 : i32
          %mul3A_491 = arith.muli %select_n3A_489, %mul3A_490 : i32
          %get3A_492 = arith.index_cast %mul3A_491 : i32 to index
          %get3A_493 = tpu.vector_load %arg13[%get3A_492] {strides = array<i32>} : memref<16xi32, #tpu.memory_space<vmem>>, vector<16xi32>,
          %sub3A_494 = arith.subi %max3A_465, %mul3A_491 : i32
          %eq3A_495 = vector.broadcast %sub3A_494 : i32 to vector<16xi32>
          %eq3A_496 = arith.cmpi eq, %iota3A, %eq3A_495 : vector<16xi32>
          %jit3A_497 = arith.constant 0 : i32
          %broadcast_in_dim3A_498 = vector.broadcast %jit3A_497 : i32 to vector<16xi32>
          %select_n3A_499 = arith.select %eq3A_496, %get3A_493, %broadcast_in_dim3A_498 : vector<16xi1>, vector<16xi32>
          %reduce_sum3A_500 = arith.constant true
          %reduce_sum3A_501 = vector.broadcast %reduce_sum3A_500 : i1 to vector<16xi1>
          %reduce_sum3A_502 = tpu.scan <sum>, %select_n3A_499 masked %reduce_sum3A_501 : vector<16xi32>, vector<16xi1> -> vector<16xi32>
          %reduce_sum3A_503 = vector.extract %reduce_sum3A_502[15] : i32 from vector<16xi32>
          %gt3A = arith.constant 0 : i32
          %gt3A_504 = arith.cmpi sgt, %scan3A_435, %gt3A : i32
          %add3A_505 = arith.constant 1 : i32
          %add3A_506 = arith.addi %reduce_sum3A_503, %add3A_505 : i32
          %jit3A_507 = arith.constant 512 : i32
          %select_n3A_508 = arith.select %gt3A_504, %add3A_506, %jit3A_507 : i32
          scf.yield %scan3A_460#0, %scan3A_460#1, %scan3A_460#2, %select_n3A_508 : i1, i32, i32, i32
        }
        %scan3A_220 = arith.constant 0 : i32
        %scan3A_221 = arith.constant 0 : i32
        %scan3A_222 = arith.constant 5 : i32
        %scan3A_223 = arith.addi %scan3A_221, %scan3A_222 : i32
        %scan3A_224 = arith.constant 1 : i32
        %scan3A_225 = scf.for %scan3A_422 = %scan3A_221 to %scan3A_223 step %scan3A_224 iter_args(%scan3A_423 = %scan3A_220) -> (i32)  : i32 {
          %sub3A_424 = arith.subi %scan3A_123, %multiple_of3A : i32
          %add3A_425 = arith.addi %sub3A_424, %scan3A_422 : i32
          %broadcast_in_dim3A_426 = arith.constant 1 : i32
          %broadcast_in_dim3A_427 = vector.broadcast %broadcast_in_dim3A_426 : i32 to vector<16xi32>
          %mul3A_428 = vector.broadcast %add3A_425 : i32 to vector<16xi32>
          %mul3A_429 = arith.muli %broadcast_in_dim3A_427, %mul3A_428 : vector<16xi32>
          %add3A_430 = vector.broadcast %reduce_sum3A_151 : i32 to vector<16xi32>
          %add3A_431 = arith.addi %add3A_430, %iota3A : vector<16xi32>
          %min3A_432 = arith.constant 511 : i32
          %min3A_433 = vector.broadcast %min3A_432 : i32 to vector<16xi32>
          %min3A_434 = arith.minsi %add3A_431, %min3A_433 : vector<16xi32>
          %broadcast_in_dim3A_435 = arith.constant 0.000000e+00 : f32
          %broadcast_in_dim3A_436 = vector.broadcast %broadcast_in_dim3A_435 : f32 to vector<16xf32>
          %lt3A_437 = arith.constant 5 : i32
          %lt3A_438 = vector.broadcast %lt3A_437 : i32 to vector<16xi32>
          %lt3A_439 = arith.cmpi slt, %iota3A, %lt3A_438 : vector<16xi32>
          tpu.vector_store_idx %arg10[%mul3A_429, %min3A_434], %broadcast_in_dim3A_436 masked %lt3A_439 : memref<24x512xf32, #tpu.memory_space<vmem>>[vector<16xi32>, vector<16xi32>], vector<16xf32>, vector<16xi1>
          %scan3A_440 = arith.constant 0 : i32
          scf.yield %scan3A_440 : i32
        }
        %scan3A_226 = arith.constant 5 : i32
        %jit3A_227 = arith.constant 16 : i32
        %div3A_228 = arith.divsi %scan3A_110, %jit3A_227 : i32
        %sign3A_229 = arith.constant 0 : i32
        %sign3A_230 = arith.cmpi sgt, %scan3A_110, %sign3A_229 : i32
        %sign3A_231 = arith.extui %sign3A_230 : i1 to i32
        %sign3A_232 = arith.constant 0 : i32
        %sign3A_233 = arith.cmpi slt, %scan3A_110, %sign3A_232 : i32
        %sign3A_234 = arith.extui %sign3A_233 : i1 to i32
        %sign3A_235 = arith.subi %sign3A_231, %sign3A_234 : i32
        %sign3A_236 = arith.constant 0 : i32
        %sign3A_237 = arith.cmpi sgt, %jit3A_227, %sign3A_236 : i32
        %sign3A_238 = arith.extui %sign3A_237 : i1 to i32
        %sign3A_239 = arith.constant 0 : i32
        %sign3A_240 = arith.cmpi slt, %jit3A_227, %sign3A_239 : i32
        %sign3A_241 = arith.extui %sign3A_240 : i1 to i32
        %sign3A_242 = arith.subi %sign3A_238, %sign3A_241 : i32
        %ne3A_243 = arith.cmpi ne, %sign3A_235, %sign3A_242 : i32
        %rem3A_244 = arith.remsi %scan3A_110, %jit3A_227 : i32
        %ne3A_245 = arith.constant 0 : i32
        %ne3A_246 = arith.cmpi ne, %rem3A_244, %ne3A_245 : i32
        %and3A_247 = arith.andi %ne3A_243, %ne3A_246 : i1
        %sub3A_248 = arith.constant 1 : i32
        %sub3A_249 = arith.subi %div3A_228, %sub3A_248 : i32
        %select_n3A_250 = arith.select %and3A_247, %sub3A_249, %div3A_228 : i32
        %mul3A_251 = arith.constant 16 : i32
        %mul3A_252 = arith.muli %select_n3A_250, %mul3A_251 : i32
        %get3A_253 = arith.index_cast %mul3A_252 : i32 to index
        %get3A_254 = tpu.vector_load %arg14[%get3A_253] {strides = array<i32>} : memref<16xi32, #tpu.memory_space<vmem>>, vector<16xi32>,
        %sub3A_255 = arith.subi %scan3A_110, %mul3A_252 : i32
        %eq3A_256 = vector.broadcast %sub3A_255 : i32 to vector<16xi32>
        %eq3A_257 = arith.cmpi eq, %iota3A, %eq3A_256 : vector<16xi32>
        %broadcast_in_dim3A_258 = vector.broadcast %scan3A_123 : i32 to vector<16xi32>
        %select_n3A_259 = arith.select %eq3A_257, %broadcast_in_dim3A_258, %get3A_254 : vector<16xi1>, vector<16xi32>
        %swap3A_260 = arith.index_cast %mul3A_252 : i32 to index
        %swap3A_261 = tpu.vector_load %arg14[%swap3A_260] {strides = array<i32>} : memref<16xi32, #tpu.memory_space<vmem>>, vector<16xi32>,
        tpu.vector_store %arg14[%swap3A_260], %select_n3A_259 {strides = array<i32>} : memref<16xi32, #tpu.memory_space<vmem>>, vector<16xi32>,
        %jit3A_262 = arith.constant 16 : i32
        %div3A_263 = arith.divsi %scan3A_110, %jit3A_262 : i32
        %sign3A_264 = arith.constant 0 : i32
        %sign3A_265 = arith.cmpi sgt, %scan3A_110, %sign3A_264 : i32
        %sign3A_266 = arith.extui %sign3A_265 : i1 to i32
        %sign3A_267 = arith.constant 0 : i32
        %sign3A_268 = arith.cmpi slt, %scan3A_110, %sign3A_267 : i32
        %sign3A_269 = arith.extui %sign3A_268 : i1 to i32
        %sign3A_270 = arith.subi %sign3A_266, %sign3A_269 : i32
        %sign3A_271 = arith.constant 0 : i32
        %sign3A_272 = arith.cmpi sgt, %jit3A_262, %sign3A_271 : i32
        %sign3A_273 = arith.extui %sign3A_272 : i1 to i32
        %sign3A_274 = arith.constant 0 : i32
        %sign3A_275 = arith.cmpi slt, %jit3A_262, %sign3A_274 : i32
        %sign3A_276 = arith.extui %sign3A_275 : i1 to i32
        %sign3A_277 = arith.subi %sign3A_273, %sign3A_276 : i32
        %ne3A_278 = arith.cmpi ne, %sign3A_270, %sign3A_277 : i32
        %rem3A_279 = arith.remsi %scan3A_110, %jit3A_262 : i32
        %ne3A_280 = arith.constant 0 : i32
        %ne3A_281 = arith.cmpi ne, %rem3A_279, %ne3A_280 : i32
        %and3A_282 = arith.andi %ne3A_278, %ne3A_281 : i1
        %sub3A_283 = arith.constant 1 : i32
        %sub3A_284 = arith.subi %div3A_263, %sub3A_283 : i32
        %select_n3A_285 = arith.select %and3A_282, %sub3A_284, %div3A_263 : i32
        %mul3A_286 = arith.constant 16 : i32
        %mul3A_287 = arith.muli %select_n3A_285, %mul3A_286 : i32
        %get3A_288 = arith.index_cast %mul3A_287 : i32 to index
        %get3A_289 = tpu.vector_load %arg15[%get3A_288] {strides = array<i32>} : memref<16xi32, #tpu.memory_space<vmem>>, vector<16xi32>,
        %sub3A_290 = arith.subi %scan3A_110, %mul3A_287 : i32
        %eq3A_291 = vector.broadcast %sub3A_290 : i32 to vector<16xi32>
        %eq3A_292 = arith.cmpi eq, %iota3A, %eq3A_291 : vector<16xi32>
        %broadcast_in_dim3A_293 = vector.broadcast %reduce_sum3A_151 : i32 to vector<16xi32>
        %select_n3A_294 = arith.select %eq3A_292, %broadcast_in_dim3A_293, %get3A_289 : vector<16xi1>, vector<16xi32>
        %swap3A_295 = arith.index_cast %mul3A_287 : i32 to index
        %swap3A_296 = tpu.vector_load %arg15[%swap3A_295] {strides = array<i32>} : memref<16xi32, #tpu.memory_space<vmem>>, vector<16xi32>,
        tpu.vector_store %arg15[%swap3A_295], %select_n3A_294 {strides = array<i32>} : memref<16xi32, #tpu.memory_space<vmem>>, vector<16xi32>,
        %scan3A_297 = arith.constant 0 : i32
        %scan3A_298 = arith.constant 0 : i32
        %scan3A_299 = arith.constant 5 : i32
        %scan3A_300 = arith.addi %scan3A_298, %scan3A_299 : i32
        %scan3A_301 = arith.constant 1 : i32
        %scan3A_302 = scf.for %scan3A_422 = %scan3A_298 to %scan3A_300 step %scan3A_301 iter_args(%scan3A_423 = %scan3A_297) -> (i32)  : i32 {
          %add3A_424 = arith.addi %scan3A_123, %scan3A_422 : i32
          %scan3A_425 = arith.constant -1.000000e+00 : f32
          %scan3A_426 = arith.constant 0 : i32
          %scan3A_427 = arith.constant 32 : i32
          %scan3A_428 = arith.addi %scan3A_426, %scan3A_427 : i32
          %scan3A_429 = arith.constant 1 : i32
          %scan3A_430 = scf.for %scan3A_468 = %scan3A_426 to %scan3A_428 step %scan3A_429 iter_args(%scan3A_469 = %scan3A_425) -> (f32)  : i32 {
            %sub3A_470 = arith.subi %scan3A_123, %multiple_of3A : i32
            %add3A_471 = arith.addi %sub3A_470, %scan3A_422 : i32
            %mul3A_472 = arith.constant 16 : i32
            %mul3A_473 = arith.muli %scan3A_468, %mul3A_472 : i32
            %get3A_474 = arith.index_cast %add3A_471 : i32 to index
            %get3A_475 = arith.index_cast %mul3A_473 : i32 to index
            %get3A_476 = tpu.vector_load %arg10[%get3A_474, %get3A_475] {strides = array<i32>} : memref<24x512xf32, #tpu.memory_space<vmem>>, vector<16xf32>,
            %reduce_max3A = arith.constant true
            %reduce_max3A_477 = vector.broadcast %reduce_max3A : i1 to vector<16xi1>
            %reduce_max3A_478 = tpu.scan <max>, %get3A_476 masked %reduce_max3A_477 : vector<16xf32>, vector<16xi1> -> vector<16xf32>
            %reduce_max3A_479 = vector.extract %reduce_max3A_478[15] : f32 from vector<16xf32>
            %max3A_480 = arith.maximumf %scan3A_469, %reduce_max3A_479 : f32
            scf.yield %max3A_480 : f32
          }
          %scan3A_431 = arith.constant 32 : i32
          %jit3A_432 = arith.constant 16 : i32
          %div3A_433 = arith.divsi %add3A_424, %jit3A_432 : i32
          %sign3A_434 = arith.constant 0 : i32
          %sign3A_435 = arith.cmpi sgt, %add3A_424, %sign3A_434 : i32
          %sign3A_436 = arith.extui %sign3A_435 : i1 to i32
          %sign3A_437 = arith.constant 0 : i32
          %sign3A_438 = arith.cmpi slt, %add3A_424, %sign3A_437 : i32
          %sign3A_439 = arith.extui %sign3A_438 : i1 to i32
          %sign3A_440 = arith.subi %sign3A_436, %sign3A_439 : i32
          %sign3A_441 = arith.constant 0 : i32
          %sign3A_442 = arith.cmpi sgt, %jit3A_432, %sign3A_441 : i32
          %sign3A_443 = arith.extui %sign3A_442 : i1 to i32
          %sign3A_444 = arith.constant 0 : i32
          %sign3A_445 = arith.cmpi slt, %jit3A_432, %sign3A_444 : i32
          %sign3A_446 = arith.extui %sign3A_445 : i1 to i32
          %sign3A_447 = arith.subi %sign3A_443, %sign3A_446 : i32
          %ne3A_448 = arith.cmpi ne, %sign3A_440, %sign3A_447 : i32
          %rem3A_449 = arith.remsi %add3A_424, %jit3A_432 : i32
          %ne3A_450 = arith.constant 0 : i32
          %ne3A_451 = arith.cmpi ne, %rem3A_449, %ne3A_450 : i32
          %and3A_452 = arith.andi %ne3A_448, %ne3A_451 : i1
          %sub3A_453 = arith.constant 1 : i32
          %sub3A_454 = arith.subi %div3A_433, %sub3A_453 : i32
          %select_n3A_455 = arith.select %and3A_452, %sub3A_454, %div3A_433 : i32
          %mul3A_456 = arith.constant 16 : i32
          %mul3A_457 = arith.muli %select_n3A_455, %mul3A_456 : i32
          %get3A_458 = arith.index_cast %mul3A_457 : i32 to index
          %get3A_459 = tpu.vector_load %arg9[%get3A_458] {strides = array<i32>} : memref<512xf32, #tpu.memory_space<vmem>>, vector<16xf32>,
          %sub3A_460 = arith.subi %add3A_424, %mul3A_457 : i32
          %eq3A_461 = vector.broadcast %sub3A_460 : i32 to vector<16xi32>
          %eq3A_462 = arith.cmpi eq, %iota3A, %eq3A_461 : vector<16xi32>
          %broadcast_in_dim3A_463 = vector.broadcast %scan3A_430 : f32 to vector<16xf32>
          %select_n3A_464 = arith.select %eq3A_462, %broadcast_in_dim3A_463, %get3A_459 : vector<16xi1>, vector<16xf32>
          %swap3A_465 = arith.index_cast %mul3A_457 : i32 to index
          %swap3A_466 = tpu.vector_load %arg9[%swap3A_465] {strides = array<i32>} : memref<512xf32, #tpu.memory_space<vmem>>, vector<16xf32>,
          tpu.vector_store %arg9[%swap3A_465], %select_n3A_464 {strides = array<i32>} : memref<512xf32, #tpu.memory_space<vmem>>, vector<16xf32>,
          %scan3A_467 = arith.constant 0 : i32
          scf.yield %scan3A_467 : i32
        }
        %scan3A_303 = arith.constant 5 : i32
        %scan3A_304 = arith.constant 0 : i32
        %scan3A_305 = arith.constant 0 : i32
        %scan3A_306 = arith.constant 13 : i32
        %scan3A_307 = arith.addi %scan3A_305, %scan3A_306 : i32
        %scan3A_308 = arith.constant 1 : i32
        %scan3A_309 = scf.for %scan3A_422 = %scan3A_305 to %scan3A_307 step %scan3A_308 iter_args(%scan3A_423 = %scan3A_304) -> (i32)  : i32 {
          %scan3A_424 = arith.constant 0 : i32
          %scan3A_425 = arith.constant 0 : i32
          %scan3A_426 = arith.constant 32 : i32
          %scan3A_427 = arith.addi %scan3A_425, %scan3A_426 : i32
          %scan3A_428 = arith.constant 1 : i32
          %scan3A_429 = scf.for %scan3A_432 = %scan3A_425 to %scan3A_427 step %scan3A_428 iter_args(%scan3A_433 = %scan3A_424) -> (i32)  : i32 {
            %add3A_434 = arith.addi %sub3A_184, %scan3A_422 : i32
            %mul3A_435 = arith.constant 16 : i32
            %mul3A_436 = arith.muli %scan3A_432, %mul3A_435 : i32
            %get3A_437 = arith.index_cast %add3A_434 : i32 to index
            %get3A_438 = arith.index_cast %mul3A_436 : i32 to index
            %get3A_439 = tpu.vector_load %arg10[%get3A_437, %get3A_438] {strides = array<i32>} : memref<24x512xf32, #tpu.memory_space<vmem>>, vector<16xf32>,
            %add3A_440 = arith.addi %sub3A_184, %scan3A_422 : i32
            %mul3A_441 = arith.constant 16 : i32
            %mul3A_442 = arith.muli %scan3A_432, %mul3A_441 : i32
            %add3A_443 = arith.constant 1 : i32
            %add3A_444 = arith.addi %mul3A_442, %add3A_443 : i32
            %add3A_445 = vector.broadcast %add3A_444 : i32 to vector<16xi32>
            %add3A_446 = arith.addi %add3A_445, %iota3A : vector<16xi32>
            %broadcast_in_dim3A_447 = arith.constant 1 : i32
            %broadcast_in_dim3A_448 = vector.broadcast %broadcast_in_dim3A_447 : i32 to vector<16xi32>
            %mul3A_449 = vector.broadcast %add3A_440 : i32 to vector<16xi32>
            %mul3A_450 = arith.muli %broadcast_in_dim3A_448, %mul3A_449 : vector<16xi32>
            %min3A_451 = arith.constant 511 : i32
            %min3A_452 = vector.broadcast %min3A_451 : i32 to vector<16xi32>
            %min3A_453 = arith.minsi %add3A_446, %min3A_452 : vector<16xi32>
            %gather3A = tpu.vector_load_idx %arg10[%mul3A_450, %min3A_453] : memref<24x512xf32, #tpu.memory_space<vmem>>[vector<16xi32>, vector<16xi32>], vector<16xf32>,
            %add3A_454 = arith.addf %get3A_439, %gather3A : vector<16xf32>
            %add3A_455 = arith.addi %sub3A_184, %scan3A_422 : i32
            %mul3A_456 = arith.constant 16 : i32
            %mul3A_457 = arith.muli %scan3A_432, %mul3A_456 : i32
            %add3A_458 = arith.constant 2 : i32
            %add3A_459 = arith.addi %mul3A_457, %add3A_458 : i32
            %add3A_460 = vector.broadcast %add3A_459 : i32 to vector<16xi32>
            %add3A_461 = arith.addi %add3A_460, %iota3A : vector<16xi32>
            %broadcast_in_dim3A_462 = arith.constant 1 : i32
            %broadcast_in_dim3A_463 = vector.broadcast %broadcast_in_dim3A_462 : i32 to vector<16xi32>
            %mul3A_464 = vector.broadcast %add3A_455 : i32 to vector<16xi32>
            %mul3A_465 = arith.muli %broadcast_in_dim3A_463, %mul3A_464 : vector<16xi32>
            %min3A_466 = arith.constant 511 : i32
            %min3A_467 = vector.broadcast %min3A_466 : i32 to vector<16xi32>
            %min3A_468 = arith.minsi %add3A_461, %min3A_467 : vector<16xi32>
            %gather3A_469 = tpu.vector_load_idx %arg10[%mul3A_465, %min3A_468] : memref<24x512xf32, #tpu.memory_space<vmem>>[vector<16xi32>, vector<16xi32>], vector<16xf32>,
            %add3A_470 = arith.addf %add3A_454, %gather3A_469 : vector<16xf32>
            %add3A_471 = arith.addi %sub3A_184, %scan3A_422 : i32
            %mul3A_472 = arith.constant 16 : i32
            %mul3A_473 = arith.muli %scan3A_432, %mul3A_472 : i32
            %add3A_474 = arith.constant 3 : i32
            %add3A_475 = arith.addi %mul3A_473, %add3A_474 : i32
            %add3A_476 = vector.broadcast %add3A_475 : i32 to vector<16xi32>
            %add3A_477 = arith.addi %add3A_476, %iota3A : vector<16xi32>
            %broadcast_in_dim3A_478 = arith.constant 1 : i32
            %broadcast_in_dim3A_479 = vector.broadcast %broadcast_in_dim3A_478 : i32 to vector<16xi32>
            %mul3A_480 = vector.broadcast %add3A_471 : i32 to vector<16xi32>
            %mul3A_481 = arith.muli %broadcast_in_dim3A_479, %mul3A_480 : vector<16xi32>
            %min3A_482 = arith.constant 511 : i32
            %min3A_483 = vector.broadcast %min3A_482 : i32 to vector<16xi32>
            %min3A_484 = arith.minsi %add3A_477, %min3A_483 : vector<16xi32>
            %gather3A_485 = tpu.vector_load_idx %arg10[%mul3A_481, %min3A_484] : memref<24x512xf32, #tpu.memory_space<vmem>>[vector<16xi32>, vector<16xi32>], vector<16xf32>,
            %add3A_486 = arith.addf %add3A_470, %gather3A_485 : vector<16xf32>
            %add3A_487 = arith.addi %sub3A_184, %scan3A_422 : i32
            %mul3A_488 = arith.constant 16 : i32
            %mul3A_489 = arith.muli %scan3A_432, %mul3A_488 : i32
            %add3A_490 = arith.constant 4 : i32
            %add3A_491 = arith.addi %mul3A_489, %add3A_490 : i32
            %add3A_492 = vector.broadcast %add3A_491 : i32 to vector<16xi32>
            %add3A_493 = arith.addi %add3A_492, %iota3A : vector<16xi32>
            %broadcast_in_dim3A_494 = arith.constant 1 : i32
            %broadcast_in_dim3A_495 = vector.broadcast %broadcast_in_dim3A_494 : i32 to vector<16xi32>
            %mul3A_496 = vector.broadcast %add3A_487 : i32 to vector<16xi32>
            %mul3A_497 = arith.muli %broadcast_in_dim3A_495, %mul3A_496 : vector<16xi32>
            %min3A_498 = arith.constant 511 : i32
            %min3A_499 = vector.broadcast %min3A_498 : i32 to vector<16xi32>
            %min3A_500 = arith.minsi %add3A_493, %min3A_499 : vector<16xi32>
            %gather3A_501 = tpu.vector_load_idx %arg10[%mul3A_497, %min3A_500] : memref<24x512xf32, #tpu.memory_space<vmem>>[vector<16xi32>, vector<16xi32>], vector<16xf32>,
            %add3A_502 = arith.addf %add3A_486, %gather3A_501 : vector<16xf32>
            %mul3A_503 = arith.constant 16 : i32
            %mul3A_504 = arith.muli %scan3A_432, %mul3A_503 : i32
            %swap3A_505 = arith.index_cast %scan3A_422 : i32 to index
            %swap3A_506 = arith.index_cast %mul3A_504 : i32 to index
            %swap3A_507 = tpu.vector_load %arg11[%swap3A_505, %swap3A_506] {strides = array<i32>} : memref<13x512xf32, #tpu.memory_space<vmem>>, vector<16xf32>,
            tpu.vector_store %arg11[%swap3A_505, %swap3A_506], %add3A_502 {strides = array<i32>} : memref<13x512xf32, #tpu.memory_space<vmem>>, vector<16xf32>,
            %scan3A_508 = arith.constant 0 : i32
            scf.yield %scan3A_508 : i32
          }
          %scan3A_430 = arith.constant 32 : i32
          %scan3A_431 = arith.constant 0 : i32
          scf.yield %scan3A_431 : i32
        }
        %scan3A_310 = arith.constant 13 : i32
        %sub3A_311 = arith.constant 4 : i32
        %sub3A_312 = arith.subi %scan3A_123, %sub3A_311 : i32
        %max3A_313 = arith.constant 0 : i32
        %max3A_314 = arith.maxsi %sub3A_312, %max3A_313 : i32
        %add3A_315 = arith.constant 4 : i32
        %add3A_316 = arith.addi %scan3A_123, %add3A_315 : i32
        %min3A_317 = arith.constant 507 : i32
        %min3A_318 = arith.minsi %add3A_316, %min3A_317 : i32
        %add3A_319 = arith.constant 1 : i32
        %add3A_320 = arith.addi %min3A_318, %add3A_319 : i32
        %while3A_321 = arith.constant 0 : i32
        %while3A_322 = arith.subi %add3A_320, %max3A_314 : i32
        %while3A_323 = arith.addi %max3A_314, %while3A_322 : i32
        %while3A_324 = arith.constant 1 : i32
        %while3A_325 = arith.divsi %while3A_322, %while3A_324 : i32
        %while3A_326 = arith.muli %while3A_325, %while3A_324 : i32
        %while3A_327 = arith.addi %max3A_314, %while3A_326 : i32
        %while3A_328 = arith.constant 1 : i32
        %while3A_329 = scf.for %while3A_422 = %max3A_314 to %while3A_327 step %while3A_328 iter_args(%while3A_423 = %while3A_321) -> (i32)  : i32 {
          %sub3A_424 = arith.subi %while3A_422, %min3A_155 : i32
          %scan3A_425 = arith.constant -2.000000e+00 : f32
          %scan3A_426 = arith.constant 0 : i32
          %scan3A_427 = arith.constant 32 : i32
          %scan3A_428 = arith.addi %scan3A_426, %scan3A_427 : i32
          %scan3A_429 = arith.constant 1 : i32
          %scan3A_430 = scf.for %scan3A_510 = %scan3A_426 to %scan3A_428 step %scan3A_429 iter_args(%scan3A_511 = %scan3A_425) -> (f32)  : i32 {
            %mul3A_512 = arith.constant 16 : i32
            %mul3A_513 = arith.muli %scan3A_510, %mul3A_512 : i32
            %get3A_514 = arith.index_cast %sub3A_424 : i32 to index
            %get3A_515 = arith.index_cast %mul3A_513 : i32 to index
            %get3A_516 = tpu.vector_load %arg11[%get3A_514, %get3A_515] {strides = array<i32>} : memref<13x512xf32, #tpu.memory_space<vmem>>, vector<16xf32>,
            %add3A_517 = arith.constant 1 : i32
            %add3A_518 = arith.addi %sub3A_424, %add3A_517 : i32
            %mul3A_519 = arith.constant 16 : i32
            %mul3A_520 = arith.muli %scan3A_510, %mul3A_519 : i32
            %get3A_521 = arith.index_cast %add3A_518 : i32 to index
            %get3A_522 = arith.index_cast %mul3A_520 : i32 to index
            %get3A_523 = tpu.vector_load %arg11[%get3A_521, %get3A_522] {strides = array<i32>} : memref<13x512xf32, #tpu.memory_space<vmem>>, vector<16xf32>,
            %add3A_524 = arith.addf %get3A_516, %get3A_523 : vector<16xf32>
            %add3A_525 = arith.constant 2 : i32
            %add3A_526 = arith.addi %sub3A_424, %add3A_525 : i32
            %mul3A_527 = arith.constant 16 : i32
            %mul3A_528 = arith.muli %scan3A_510, %mul3A_527 : i32
            %get3A_529 = arith.index_cast %add3A_526 : i32 to index
            %get3A_530 = arith.index_cast %mul3A_528 : i32 to index
            %get3A_531 = tpu.vector_load %arg11[%get3A_529, %get3A_530] {strides = array<i32>} : memref<13x512xf32, #tpu.memory_space<vmem>>, vector<16xf32>,
            %add3A_532 = arith.addf %add3A_524, %get3A_531 : vector<16xf32>
            %add3A_533 = arith.constant 3 : i32
            %add3A_534 = arith.addi %sub3A_424, %add3A_533 : i32
            %mul3A_535 = arith.constant 16 : i32
            %mul3A_536 = arith.muli %scan3A_510, %mul3A_535 : i32
            %get3A_537 = arith.index_cast %add3A_534 : i32 to index
            %get3A_538 = arith.index_cast %mul3A_536 : i32 to index
            %get3A_539 = tpu.vector_load %arg11[%get3A_537, %get3A_538] {strides = array<i32>} : memref<13x512xf32, #tpu.memory_space<vmem>>, vector<16xf32>,
            %add3A_540 = arith.addf %add3A_532, %get3A_539 : vector<16xf32>
            %add3A_541 = arith.constant 4 : i32
            %add3A_542 = arith.addi %sub3A_424, %add3A_541 : i32
            %mul3A_543 = arith.constant 16 : i32
            %mul3A_544 = arith.muli %scan3A_510, %mul3A_543 : i32
            %get3A_545 = arith.index_cast %add3A_542 : i32 to index
            %get3A_546 = arith.index_cast %mul3A_544 : i32 to index
            %get3A_547 = tpu.vector_load %arg11[%get3A_545, %get3A_546] {strides = array<i32>} : memref<13x512xf32, #tpu.memory_space<vmem>>, vector<16xf32>,
            %add3A_548 = arith.addf %add3A_540, %get3A_547 : vector<16xf32>
            %div3A_549 = arith.constant 2.500000e+01 : f32
            %div3A_550 = vector.broadcast %div3A_549 : f32 to vector<16xf32>
            %div3A_551 = arith.divf %add3A_548, %div3A_550 : vector<16xf32>
            %mul3A_552 = arith.constant 16 : i32
            %mul3A_553 = arith.muli %scan3A_510, %mul3A_552 : i32
            %add3A_554 = vector.broadcast %mul3A_553 : i32 to vector<16xi32>
            %add3A_555 = arith.addi %add3A_554, %iota3A : vector<16xi32>
            %lt3A_556 = arith.constant 508 : i32
            %lt3A_557 = vector.broadcast %lt3A_556 : i32 to vector<16xi32>
            %lt3A_558 = arith.cmpi slt, %add3A_555, %lt3A_557 : vector<16xi32>
            %jit3A_559 = arith.constant -1.000000e+00 : f32
            %broadcast_in_dim3A_560 = vector.broadcast %jit3A_559 : f32 to vector<16xf32>
            %select_n3A_561 = arith.select %lt3A_558, %div3A_551, %broadcast_in_dim3A_560 : vector<16xi1>, vector<16xf32>
            %reduce_max3A = arith.constant true
            %reduce_max3A_562 = vector.broadcast %reduce_max3A : i1 to vector<16xi1>
            %reduce_max3A_563 = tpu.scan <max>, %select_n3A_561 masked %reduce_max3A_562 : vector<16xf32>, vector<16xi1> -> vector<16xf32>
            %reduce_max3A_564 = vector.extract %reduce_max3A_563[15] : f32 from vector<16xf32>
            %max3A_565 = arith.maximumf %scan3A_511, %reduce_max3A_564 : f32
            scf.yield %max3A_565 : f32
          }
          %scan3A_431 = arith.constant 32 : i32
          %scan3A_432 = arith.constant 512 : i32
          %scan3A_433 = arith.constant 0 : i32
          %scan3A_434 = arith.constant 32 : i32
          %scan3A_435 = arith.addi %scan3A_433, %scan3A_434 : i32
          %scan3A_436 = arith.constant 1 : i32
          %scan3A_437 = scf.for %scan3A_510 = %scan3A_433 to %scan3A_435 step %scan3A_436 iter_args(%scan3A_511 = %scan3A_432) -> (i32)  : i32 {
            %mul3A_512 = arith.constant 16 : i32
            %mul3A_513 = arith.muli %scan3A_510, %mul3A_512 : i32
            %get3A_514 = arith.index_cast %sub3A_424 : i32 to index
            %get3A_515 = arith.index_cast %mul3A_513 : i32 to index
            %get3A_516 = tpu.vector_load %arg11[%get3A_514, %get3A_515] {strides = array<i32>} : memref<13x512xf32, #tpu.memory_space<vmem>>, vector<16xf32>,
            %add3A_517 = arith.constant 1 : i32
            %add3A_518 = arith.addi %sub3A_424, %add3A_517 : i32
            %mul3A_519 = arith.constant 16 : i32
            %mul3A_520 = arith.muli %scan3A_510, %mul3A_519 : i32
            %get3A_521 = arith.index_cast %add3A_518 : i32 to index
            %get3A_522 = arith.index_cast %mul3A_520 : i32 to index
            %get3A_523 = tpu.vector_load %arg11[%get3A_521, %get3A_522] {strides = array<i32>} : memref<13x512xf32, #tpu.memory_space<vmem>>, vector<16xf32>,
            %add3A_524 = arith.addf %get3A_516, %get3A_523 : vector<16xf32>
            %add3A_525 = arith.constant 2 : i32
            %add3A_526 = arith.addi %sub3A_424, %add3A_525 : i32
            %mul3A_527 = arith.constant 16 : i32
            %mul3A_528 = arith.muli %scan3A_510, %mul3A_527 : i32
            %get3A_529 = arith.index_cast %add3A_526 : i32 to index
            %get3A_530 = arith.index_cast %mul3A_528 : i32 to index
            %get3A_531 = tpu.vector_load %arg11[%get3A_529, %get3A_530] {strides = array<i32>} : memref<13x512xf32, #tpu.memory_space<vmem>>, vector<16xf32>,
            %add3A_532 = arith.addf %add3A_524, %get3A_531 : vector<16xf32>
            %add3A_533 = arith.constant 3 : i32
            %add3A_534 = arith.addi %sub3A_424, %add3A_533 : i32
            %mul3A_535 = arith.constant 16 : i32
            %mul3A_536 = arith.muli %scan3A_510, %mul3A_535 : i32
            %get3A_537 = arith.index_cast %add3A_534 : i32 to index
            %get3A_538 = arith.index_cast %mul3A_536 : i32 to index
            %get3A_539 = tpu.vector_load %arg11[%get3A_537, %get3A_538] {strides = array<i32>} : memref<13x512xf32, #tpu.memory_space<vmem>>, vector<16xf32>,
            %add3A_540 = arith.addf %add3A_532, %get3A_539 : vector<16xf32>
            %add3A_541 = arith.constant 4 : i32
            %add3A_542 = arith.addi %sub3A_424, %add3A_541 : i32
            %mul3A_543 = arith.constant 16 : i32
            %mul3A_544 = arith.muli %scan3A_510, %mul3A_543 : i32
            %get3A_545 = arith.index_cast %add3A_542 : i32 to index
            %get3A_546 = arith.index_cast %mul3A_544 : i32 to index
            %get3A_547 = tpu.vector_load %arg11[%get3A_545, %get3A_546] {strides = array<i32>} : memref<13x512xf32, #tpu.memory_space<vmem>>, vector<16xf32>,
            %add3A_548 = arith.addf %add3A_540, %get3A_547 : vector<16xf32>
            %div3A_549 = arith.constant 2.500000e+01 : f32
            %div3A_550 = vector.broadcast %div3A_549 : f32 to vector<16xf32>
            %div3A_551 = arith.divf %add3A_548, %div3A_550 : vector<16xf32>
            %mul3A_552 = arith.constant 16 : i32
            %mul3A_553 = arith.muli %scan3A_510, %mul3A_552 : i32
            %add3A_554 = vector.broadcast %mul3A_553 : i32 to vector<16xi32>
            %add3A_555 = arith.addi %add3A_554, %iota3A : vector<16xi32>
            %lt3A_556 = arith.constant 508 : i32
            %lt3A_557 = vector.broadcast %lt3A_556 : i32 to vector<16xi32>
            %lt3A_558 = arith.cmpi slt, %add3A_555, %lt3A_557 : vector<16xi32>
            %jit3A_559 = arith.constant -1.000000e+00 : f32
            %broadcast_in_dim3A_560 = vector.broadcast %jit3A_559 : f32 to vector<16xf32>
            %select_n3A_561 = arith.select %lt3A_558, %div3A_551, %broadcast_in_dim3A_560 : vector<16xi1>, vector<16xf32>
            %eq3A_562 = vector.broadcast %scan3A_430 : f32 to vector<16xf32>
            %eq3A_563 = arith.cmpf oeq, %select_n3A_561, %eq3A_562 : vector<16xf32>
            %jit3A_564 = arith.constant 512 : i32
            %broadcast_in_dim3A_565 = vector.broadcast %jit3A_564 : i32 to vector<16xi32>
            %select_n3A_566 = arith.select %eq3A_563, %add3A_555, %broadcast_in_dim3A_565 : vector<16xi1>, vector<16xi32>
            %reduce_min3A = arith.constant true
            %reduce_min3A_567 = vector.broadcast %reduce_min3A : i1 to vector<16xi1>
            %reduce_min3A_568 = arith.constant -2147483648 : i32
            %reduce_min3A_569 = vector.broadcast %reduce_min3A_568 : i32 to vector<16xi32>
            %reduce_min3A_570 = arith.xori %select_n3A_566, %reduce_min3A_569 : vector<16xi32>
            %reduce_min3A_571 = tpu.scan <min>, %reduce_min3A_570 masked %reduce_min3A_567 : vector<16xi32>, vector<16xi1> -> vector<16xi32>
            %reduce_min3A_572 = arith.xori %reduce_min3A_571, %reduce_min3A_569 : vector<16xi32>
            %reduce_min3A_573 = vector.extract %reduce_min3A_572[15] : i32 from vector<16xi32>
            %min3A_574 = arith.minsi %scan3A_511, %reduce_min3A_573 : i32
            scf.yield %min3A_574 : i32
          }
          %scan3A_438 = arith.constant 32 : i32
          %jit3A_439 = arith.constant 16 : i32
          %div3A_440 = arith.divsi %while3A_422, %jit3A_439 : i32
          %sign3A_441 = arith.constant 0 : i32
          %sign3A_442 = arith.cmpi sgt, %while3A_422, %sign3A_441 : i32
          %sign3A_443 = arith.extui %sign3A_442 : i1 to i32
          %sign3A_444 = arith.constant 0 : i32
          %sign3A_445 = arith.cmpi slt, %while3A_422, %sign3A_444 : i32
          %sign3A_446 = arith.extui %sign3A_445 : i1 to i32
          %sign3A_447 = arith.subi %sign3A_443, %sign3A_446 : i32
          %sign3A_448 = arith.constant 0 : i32
          %sign3A_449 = arith.cmpi sgt, %jit3A_439, %sign3A_448 : i32
          %sign3A_450 = arith.extui %sign3A_449 : i1 to i32
          %sign3A_451 = arith.constant 0 : i32
          %sign3A_452 = arith.cmpi slt, %jit3A_439, %sign3A_451 : i32
          %sign3A_453 = arith.extui %sign3A_452 : i1 to i32
          %sign3A_454 = arith.subi %sign3A_450, %sign3A_453 : i32
          %ne3A_455 = arith.cmpi ne, %sign3A_447, %sign3A_454 : i32
          %rem3A_456 = arith.remsi %while3A_422, %jit3A_439 : i32
          %ne3A_457 = arith.constant 0 : i32
          %ne3A_458 = arith.cmpi ne, %rem3A_456, %ne3A_457 : i32
          %and3A_459 = arith.andi %ne3A_455, %ne3A_458 : i1
          %sub3A_460 = arith.constant 1 : i32
          %sub3A_461 = arith.subi %div3A_440, %sub3A_460 : i32
          %select_n3A_462 = arith.select %and3A_459, %sub3A_461, %div3A_440 : i32
          %mul3A_463 = arith.constant 16 : i32
          %mul3A_464 = arith.muli %select_n3A_462, %mul3A_463 : i32
          %get3A_465 = arith.index_cast %mul3A_464 : i32 to index
          %get3A_466 = tpu.vector_load %arg7[%get3A_465] {strides = array<i32>} : memref<512xf32, #tpu.memory_space<vmem>>, vector<16xf32>,
          %sub3A_467 = arith.subi %while3A_422, %mul3A_464 : i32
          %eq3A_468 = vector.broadcast %sub3A_467 : i32 to vector<16xi32>
          %eq3A_469 = arith.cmpi eq, %iota3A, %eq3A_468 : vector<16xi32>
          %broadcast_in_dim3A_470 = vector.broadcast %scan3A_430 : f32 to vector<16xf32>
          %select_n3A_471 = arith.select %eq3A_469, %broadcast_in_dim3A_470, %get3A_466 : vector<16xi1>, vector<16xf32>
          %swap3A_472 = arith.index_cast %mul3A_464 : i32 to index
          %swap3A_473 = tpu.vector_load %arg7[%swap3A_472] {strides = array<i32>} : memref<512xf32, #tpu.memory_space<vmem>>, vector<16xf32>,
          tpu.vector_store %arg7[%swap3A_472], %select_n3A_471 {strides = array<i32>} : memref<512xf32, #tpu.memory_space<vmem>>, vector<16xf32>,
          %jit3A_474 = arith.constant 16 : i32
          %div3A_475 = arith.divsi %while3A_422, %jit3A_474 : i32
          %sign3A_476 = arith.constant 0 : i32
          %sign3A_477 = arith.cmpi sgt, %while3A_422, %sign3A_476 : i32
          %sign3A_478 = arith.extui %sign3A_477 : i1 to i32
          %sign3A_479 = arith.constant 0 : i32
          %sign3A_480 = arith.cmpi slt, %while3A_422, %sign3A_479 : i32
          %sign3A_481 = arith.extui %sign3A_480 : i1 to i32
          %sign3A_482 = arith.subi %sign3A_478, %sign3A_481 : i32
          %sign3A_483 = arith.constant 0 : i32
          %sign3A_484 = arith.cmpi sgt, %jit3A_474, %sign3A_483 : i32
          %sign3A_485 = arith.extui %sign3A_484 : i1 to i32
          %sign3A_486 = arith.constant 0 : i32
          %sign3A_487 = arith.cmpi slt, %jit3A_474, %sign3A_486 : i32
          %sign3A_488 = arith.extui %sign3A_487 : i1 to i32
          %sign3A_489 = arith.subi %sign3A_485, %sign3A_488 : i32
          %ne3A_490 = arith.cmpi ne, %sign3A_482, %sign3A_489 : i32
          %rem3A_491 = arith.remsi %while3A_422, %jit3A_474 : i32
          %ne3A_492 = arith.constant 0 : i32
          %ne3A_493 = arith.cmpi ne, %rem3A_491, %ne3A_492 : i32
          %and3A_494 = arith.andi %ne3A_490, %ne3A_493 : i1
          %sub3A_495 = arith.constant 1 : i32
          %sub3A_496 = arith.subi %div3A_475, %sub3A_495 : i32
          %select_n3A_497 = arith.select %and3A_494, %sub3A_496, %div3A_475 : i32
          %mul3A_498 = arith.constant 16 : i32
          %mul3A_499 = arith.muli %select_n3A_497, %mul3A_498 : i32
          %get3A_500 = arith.index_cast %mul3A_499 : i32 to index
          %get3A_501 = tpu.vector_load %arg8[%get3A_500] {strides = array<i32>} : memref<512xi32, #tpu.memory_space<vmem>>, vector<16xi32>,
          %sub3A_502 = arith.subi %while3A_422, %mul3A_499 : i32
          %eq3A_503 = vector.broadcast %sub3A_502 : i32 to vector<16xi32>
          %eq3A_504 = arith.cmpi eq, %iota3A, %eq3A_503 : vector<16xi32>
          %broadcast_in_dim3A_505 = vector.broadcast %scan3A_437 : i32 to vector<16xi32>
          %select_n3A_506 = arith.select %eq3A_504, %broadcast_in_dim3A_505, %get3A_501 : vector<16xi1>, vector<16xi32>
          %swap3A_507 = arith.index_cast %mul3A_499 : i32 to index
          %swap3A_508 = tpu.vector_load %arg8[%swap3A_507] {strides = array<i32>} : memref<512xi32, #tpu.memory_space<vmem>>, vector<16xi32>,
          tpu.vector_store %arg8[%swap3A_507], %select_n3A_506 {strides = array<i32>} : memref<512xi32, #tpu.memory_space<vmem>>, vector<16xi32>,
          %while3A_509 = arith.constant 0 : i32
          scf.yield %while3A_509 : i32
        }
        %while3A_330 = arith.constant 1 : i32
        %while3A_331 = scf.for %while3A_422 = %while3A_327 to %while3A_323 step %while3A_330 iter_args(%while3A_423 = %while3A_329) -> (i32)  : i32 {
          %sub3A_424 = arith.subi %while3A_422, %min3A_155 : i32
          %scan3A_425 = arith.constant -2.000000e+00 : f32
          %scan3A_426 = arith.constant 0 : i32
          %scan3A_427 = arith.constant 32 : i32
          %scan3A_428 = arith.addi %scan3A_426, %scan3A_427 : i32
          %scan3A_429 = arith.constant 1 : i32
          %scan3A_430 = scf.for %scan3A_510 = %scan3A_426 to %scan3A_428 step %scan3A_429 iter_args(%scan3A_511 = %scan3A_425) -> (f32)  : i32 {
            %mul3A_512 = arith.constant 16 : i32
            %mul3A_513 = arith.muli %scan3A_510, %mul3A_512 : i32
            %get3A_514 = arith.index_cast %sub3A_424 : i32 to index
            %get3A_515 = arith.index_cast %mul3A_513 : i32 to index
            %get3A_516 = tpu.vector_load %arg11[%get3A_514, %get3A_515] {strides = array<i32>} : memref<13x512xf32, #tpu.memory_space<vmem>>, vector<16xf32>,
            %add3A_517 = arith.constant 1 : i32
            %add3A_518 = arith.addi %sub3A_424, %add3A_517 : i32
            %mul3A_519 = arith.constant 16 : i32
            %mul3A_520 = arith.muli %scan3A_510, %mul3A_519 : i32
            %get3A_521 = arith.index_cast %add3A_518 : i32 to index
            %get3A_522 = arith.index_cast %mul3A_520 : i32 to index
            %get3A_523 = tpu.vector_load %arg11[%get3A_521, %get3A_522] {strides = array<i32>} : memref<13x512xf32, #tpu.memory_space<vmem>>, vector<16xf32>,
            %add3A_524 = arith.addf %get3A_516, %get3A_523 : vector<16xf32>
            %add3A_525 = arith.constant 2 : i32
            %add3A_526 = arith.addi %sub3A_424, %add3A_525 : i32
            %mul3A_527 = arith.constant 16 : i32
            %mul3A_528 = arith.muli %scan3A_510, %mul3A_527 : i32
            %get3A_529 = arith.index_cast %add3A_526 : i32 to index
            %get3A_530 = arith.index_cast %mul3A_528 : i32 to index
            %get3A_531 = tpu.vector_load %arg11[%get3A_529, %get3A_530] {strides = array<i32>} : memref<13x512xf32, #tpu.memory_space<vmem>>, vector<16xf32>,
            %add3A_532 = arith.addf %add3A_524, %get3A_531 : vector<16xf32>
            %add3A_533 = arith.constant 3 : i32
            %add3A_534 = arith.addi %sub3A_424, %add3A_533 : i32
            %mul3A_535 = arith.constant 16 : i32
            %mul3A_536 = arith.muli %scan3A_510, %mul3A_535 : i32
            %get3A_537 = arith.index_cast %add3A_534 : i32 to index
            %get3A_538 = arith.index_cast %mul3A_536 : i32 to index
            %get3A_539 = tpu.vector_load %arg11[%get3A_537, %get3A_538] {strides = array<i32>} : memref<13x512xf32, #tpu.memory_space<vmem>>, vector<16xf32>,
            %add3A_540 = arith.addf %add3A_532, %get3A_539 : vector<16xf32>
            %add3A_541 = arith.constant 4 : i32
            %add3A_542 = arith.addi %sub3A_424, %add3A_541 : i32
            %mul3A_543 = arith.constant 16 : i32
            %mul3A_544 = arith.muli %scan3A_510, %mul3A_543 : i32
            %get3A_545 = arith.index_cast %add3A_542 : i32 to index
            %get3A_546 = arith.index_cast %mul3A_544 : i32 to index
            %get3A_547 = tpu.vector_load %arg11[%get3A_545, %get3A_546] {strides = array<i32>} : memref<13x512xf32, #tpu.memory_space<vmem>>, vector<16xf32>,
            %add3A_548 = arith.addf %add3A_540, %get3A_547 : vector<16xf32>
            %div3A_549 = arith.constant 2.500000e+01 : f32
            %div3A_550 = vector.broadcast %div3A_549 : f32 to vector<16xf32>
            %div3A_551 = arith.divf %add3A_548, %div3A_550 : vector<16xf32>
            %mul3A_552 = arith.constant 16 : i32
            %mul3A_553 = arith.muli %scan3A_510, %mul3A_552 : i32
            %add3A_554 = vector.broadcast %mul3A_553 : i32 to vector<16xi32>
            %add3A_555 = arith.addi %add3A_554, %iota3A : vector<16xi32>
            %lt3A_556 = arith.constant 508 : i32
            %lt3A_557 = vector.broadcast %lt3A_556 : i32 to vector<16xi32>
            %lt3A_558 = arith.cmpi slt, %add3A_555, %lt3A_557 : vector<16xi32>
            %jit3A_559 = arith.constant -1.000000e+00 : f32
            %broadcast_in_dim3A_560 = vector.broadcast %jit3A_559 : f32 to vector<16xf32>
            %select_n3A_561 = arith.select %lt3A_558, %div3A_551, %broadcast_in_dim3A_560 : vector<16xi1>, vector<16xf32>
            %reduce_max3A = arith.constant true
            %reduce_max3A_562 = vector.broadcast %reduce_max3A : i1 to vector<16xi1>
            %reduce_max3A_563 = tpu.scan <max>, %select_n3A_561 masked %reduce_max3A_562 : vector<16xf32>, vector<16xi1> -> vector<16xf32>
            %reduce_max3A_564 = vector.extract %reduce_max3A_563[15] : f32 from vector<16xf32>
            %max3A_565 = arith.maximumf %scan3A_511, %reduce_max3A_564 : f32
            scf.yield %max3A_565 : f32
          }
          %scan3A_431 = arith.constant 32 : i32
          %scan3A_432 = arith.constant 512 : i32
          %scan3A_433 = arith.constant 0 : i32
          %scan3A_434 = arith.constant 32 : i32
          %scan3A_435 = arith.addi %scan3A_433, %scan3A_434 : i32
          %scan3A_436 = arith.constant 1 : i32
          %scan3A_437 = scf.for %scan3A_510 = %scan3A_433 to %scan3A_435 step %scan3A_436 iter_args(%scan3A_511 = %scan3A_432) -> (i32)  : i32 {
            %mul3A_512 = arith.constant 16 : i32
            %mul3A_513 = arith.muli %scan3A_510, %mul3A_512 : i32
            %get3A_514 = arith.index_cast %sub3A_424 : i32 to index
            %get3A_515 = arith.index_cast %mul3A_513 : i32 to index
            %get3A_516 = tpu.vector_load %arg11[%get3A_514, %get3A_515] {strides = array<i32>} : memref<13x512xf32, #tpu.memory_space<vmem>>, vector<16xf32>,
            %add3A_517 = arith.constant 1 : i32
            %add3A_518 = arith.addi %sub3A_424, %add3A_517 : i32
            %mul3A_519 = arith.constant 16 : i32
            %mul3A_520 = arith.muli %scan3A_510, %mul3A_519 : i32
            %get3A_521 = arith.index_cast %add3A_518 : i32 to index
            %get3A_522 = arith.index_cast %mul3A_520 : i32 to index
            %get3A_523 = tpu.vector_load %arg11[%get3A_521, %get3A_522] {strides = array<i32>} : memref<13x512xf32, #tpu.memory_space<vmem>>, vector<16xf32>,
            %add3A_524 = arith.addf %get3A_516, %get3A_523 : vector<16xf32>
            %add3A_525 = arith.constant 2 : i32
            %add3A_526 = arith.addi %sub3A_424, %add3A_525 : i32
            %mul3A_527 = arith.constant 16 : i32
            %mul3A_528 = arith.muli %scan3A_510, %mul3A_527 : i32
            %get3A_529 = arith.index_cast %add3A_526 : i32 to index
            %get3A_530 = arith.index_cast %mul3A_528 : i32 to index
            %get3A_531 = tpu.vector_load %arg11[%get3A_529, %get3A_530] {strides = array<i32>} : memref<13x512xf32, #tpu.memory_space<vmem>>, vector<16xf32>,
            %add3A_532 = arith.addf %add3A_524, %get3A_531 : vector<16xf32>
            %add3A_533 = arith.constant 3 : i32
            %add3A_534 = arith.addi %sub3A_424, %add3A_533 : i32
            %mul3A_535 = arith.constant 16 : i32
            %mul3A_536 = arith.muli %scan3A_510, %mul3A_535 : i32
            %get3A_537 = arith.index_cast %add3A_534 : i32 to index
            %get3A_538 = arith.index_cast %mul3A_536 : i32 to index
            %get3A_539 = tpu.vector_load %arg11[%get3A_537, %get3A_538] {strides = array<i32>} : memref<13x512xf32, #tpu.memory_space<vmem>>, vector<16xf32>,
            %add3A_540 = arith.addf %add3A_532, %get3A_539 : vector<16xf32>
            %add3A_541 = arith.constant 4 : i32
            %add3A_542 = arith.addi %sub3A_424, %add3A_541 : i32
            %mul3A_543 = arith.constant 16 : i32
            %mul3A_544 = arith.muli %scan3A_510, %mul3A_543 : i32
            %get3A_545 = arith.index_cast %add3A_542 : i32 to index
            %get3A_546 = arith.index_cast %mul3A_544 : i32 to index
            %get3A_547 = tpu.vector_load %arg11[%get3A_545, %get3A_546] {strides = array<i32>} : memref<13x512xf32, #tpu.memory_space<vmem>>, vector<16xf32>,
            %add3A_548 = arith.addf %add3A_540, %get3A_547 : vector<16xf32>
            %div3A_549 = arith.constant 2.500000e+01 : f32
            %div3A_550 = vector.broadcast %div3A_549 : f32 to vector<16xf32>
            %div3A_551 = arith.divf %add3A_548, %div3A_550 : vector<16xf32>
            %mul3A_552 = arith.constant 16 : i32
            %mul3A_553 = arith.muli %scan3A_510, %mul3A_552 : i32
            %add3A_554 = vector.broadcast %mul3A_553 : i32 to vector<16xi32>
            %add3A_555 = arith.addi %add3A_554, %iota3A : vector<16xi32>
            %lt3A_556 = arith.constant 508 : i32
            %lt3A_557 = vector.broadcast %lt3A_556 : i32 to vector<16xi32>
            %lt3A_558 = arith.cmpi slt, %add3A_555, %lt3A_557 : vector<16xi32>
            %jit3A_559 = arith.constant -1.000000e+00 : f32
            %broadcast_in_dim3A_560 = vector.broadcast %jit3A_559 : f32 to vector<16xf32>
            %select_n3A_561 = arith.select %lt3A_558, %div3A_551, %broadcast_in_dim3A_560 : vector<16xi1>, vector<16xf32>
            %eq3A_562 = vector.broadcast %scan3A_430 : f32 to vector<16xf32>
            %eq3A_563 = arith.cmpf oeq, %select_n3A_561, %eq3A_562 : vector<16xf32>
            %jit3A_564 = arith.constant 512 : i32
            %broadcast_in_dim3A_565 = vector.broadcast %jit3A_564 : i32 to vector<16xi32>
            %select_n3A_566 = arith.select %eq3A_563, %add3A_555, %broadcast_in_dim3A_565 : vector<16xi1>, vector<16xi32>
            %reduce_min3A = arith.constant true
            %reduce_min3A_567 = vector.broadcast %reduce_min3A : i1 to vector<16xi1>
            %reduce_min3A_568 = arith.constant -2147483648 : i32
            %reduce_min3A_569 = vector.broadcast %reduce_min3A_568 : i32 to vector<16xi32>
            %reduce_min3A_570 = arith.xori %select_n3A_566, %reduce_min3A_569 : vector<16xi32>
            %reduce_min3A_571 = tpu.scan <min>, %reduce_min3A_570 masked %reduce_min3A_567 : vector<16xi32>, vector<16xi1> -> vector<16xi32>
            %reduce_min3A_572 = arith.xori %reduce_min3A_571, %reduce_min3A_569 : vector<16xi32>
            %reduce_min3A_573 = vector.extract %reduce_min3A_572[15] : i32 from vector<16xi32>
            %min3A_574 = arith.minsi %scan3A_511, %reduce_min3A_573 : i32
            scf.yield %min3A_574 : i32
          }
          %scan3A_438 = arith.constant 32 : i32
          %jit3A_439 = arith.constant 16 : i32
          %div3A_440 = arith.divsi %while3A_422, %jit3A_439 : i32
          %sign3A_441 = arith.constant 0 : i32
          %sign3A_442 = arith.cmpi sgt, %while3A_422, %sign3A_441 : i32
          %sign3A_443 = arith.extui %sign3A_442 : i1 to i32
          %sign3A_444 = arith.constant 0 : i32
          %sign3A_445 = arith.cmpi slt, %while3A_422, %sign3A_444 : i32
          %sign3A_446 = arith.extui %sign3A_445 : i1 to i32
          %sign3A_447 = arith.subi %sign3A_443, %sign3A_446 : i32
          %sign3A_448 = arith.constant 0 : i32
          %sign3A_449 = arith.cmpi sgt, %jit3A_439, %sign3A_448 : i32
          %sign3A_450 = arith.extui %sign3A_449 : i1 to i32
          %sign3A_451 = arith.constant 0 : i32
          %sign3A_452 = arith.cmpi slt, %jit3A_439, %sign3A_451 : i32
          %sign3A_453 = arith.extui %sign3A_452 : i1 to i32
          %sign3A_454 = arith.subi %sign3A_450, %sign3A_453 : i32
          %ne3A_455 = arith.cmpi ne, %sign3A_447, %sign3A_454 : i32
          %rem3A_456 = arith.remsi %while3A_422, %jit3A_439 : i32
          %ne3A_457 = arith.constant 0 : i32
          %ne3A_458 = arith.cmpi ne, %rem3A_456, %ne3A_457 : i32
          %and3A_459 = arith.andi %ne3A_455, %ne3A_458 : i1
          %sub3A_460 = arith.constant 1 : i32
          %sub3A_461 = arith.subi %div3A_440, %sub3A_460 : i32
          %select_n3A_462 = arith.select %and3A_459, %sub3A_461, %div3A_440 : i32
          %mul3A_463 = arith.constant 16 : i32
          %mul3A_464 = arith.muli %select_n3A_462, %mul3A_463 : i32
          %get3A_465 = arith.index_cast %mul3A_464 : i32 to index
          %get3A_466 = tpu.vector_load %arg7[%get3A_465] {strides = array<i32>} : memref<512xf32, #tpu.memory_space<vmem>>, vector<16xf32>,
          %sub3A_467 = arith.subi %while3A_422, %mul3A_464 : i32
          %eq3A_468 = vector.broadcast %sub3A_467 : i32 to vector<16xi32>
          %eq3A_469 = arith.cmpi eq, %iota3A, %eq3A_468 : vector<16xi32>
          %broadcast_in_dim3A_470 = vector.broadcast %scan3A_430 : f32 to vector<16xf32>
          %select_n3A_471 = arith.select %eq3A_469, %broadcast_in_dim3A_470, %get3A_466 : vector<16xi1>, vector<16xf32>
          %swap3A_472 = arith.index_cast %mul3A_464 : i32 to index
          %swap3A_473 = tpu.vector_load %arg7[%swap3A_472] {strides = array<i32>} : memref<512xf32, #tpu.memory_space<vmem>>, vector<16xf32>,
          tpu.vector_store %arg7[%swap3A_472], %select_n3A_471 {strides = array<i32>} : memref<512xf32, #tpu.memory_space<vmem>>, vector<16xf32>,
          %jit3A_474 = arith.constant 16 : i32
          %div3A_475 = arith.divsi %while3A_422, %jit3A_474 : i32
          %sign3A_476 = arith.constant 0 : i32
          %sign3A_477 = arith.cmpi sgt, %while3A_422, %sign3A_476 : i32
          %sign3A_478 = arith.extui %sign3A_477 : i1 to i32
          %sign3A_479 = arith.constant 0 : i32
          %sign3A_480 = arith.cmpi slt, %while3A_422, %sign3A_479 : i32
          %sign3A_481 = arith.extui %sign3A_480 : i1 to i32
          %sign3A_482 = arith.subi %sign3A_478, %sign3A_481 : i32
          %sign3A_483 = arith.constant 0 : i32
          %sign3A_484 = arith.cmpi sgt, %jit3A_474, %sign3A_483 : i32
          %sign3A_485 = arith.extui %sign3A_484 : i1 to i32
          %sign3A_486 = arith.constant 0 : i32
          %sign3A_487 = arith.cmpi slt, %jit3A_474, %sign3A_486 : i32
          %sign3A_488 = arith.extui %sign3A_487 : i1 to i32
          %sign3A_489 = arith.subi %sign3A_485, %sign3A_488 : i32
          %ne3A_490 = arith.cmpi ne, %sign3A_482, %sign3A_489 : i32
          %rem3A_491 = arith.remsi %while3A_422, %jit3A_474 : i32
          %ne3A_492 = arith.constant 0 : i32
          %ne3A_493 = arith.cmpi ne, %rem3A_491, %ne3A_492 : i32
          %and3A_494 = arith.andi %ne3A_490, %ne3A_493 : i1
          %sub3A_495 = arith.constant 1 : i32
          %sub3A_496 = arith.subi %div3A_475, %sub3A_495 : i32
          %select_n3A_497 = arith.select %and3A_494, %sub3A_496, %div3A_475 : i32
          %mul3A_498 = arith.constant 16 : i32
          %mul3A_499 = arith.muli %select_n3A_497, %mul3A_498 : i32
          %get3A_500 = arith.index_cast %mul3A_499 : i32 to index
          %get3A_501 = tpu.vector_load %arg8[%get3A_500] {strides = array<i32>} : memref<512xi32, #tpu.memory_space<vmem>>, vector<16xi32>,
          %sub3A_502 = arith.subi %while3A_422, %mul3A_499 : i32
          %eq3A_503 = vector.broadcast %sub3A_502 : i32 to vector<16xi32>
          %eq3A_504 = arith.cmpi eq, %iota3A, %eq3A_503 : vector<16xi32>
          %broadcast_in_dim3A_505 = vector.broadcast %scan3A_437 : i32 to vector<16xi32>
          %select_n3A_506 = arith.select %eq3A_504, %broadcast_in_dim3A_505, %get3A_501 : vector<16xi1>, vector<16xi32>
          %swap3A_507 = arith.index_cast %mul3A_499 : i32 to index
          %swap3A_508 = tpu.vector_load %arg8[%swap3A_507] {strides = array<i32>} : memref<512xi32, #tpu.memory_space<vmem>>, vector<16xi32>,
          tpu.vector_store %arg8[%swap3A_507], %select_n3A_506 {strides = array<i32>} : memref<512xi32, #tpu.memory_space<vmem>>, vector<16xi32>,
          %while3A_509 = arith.constant 0 : i32
          scf.yield %while3A_509 : i32
        }
        %jit3A_332 = arith.constant 2 : i32
        %div3A_333 = arith.divsi %scan3A_110, %jit3A_332 : i32
        %sign3A_334 = arith.constant 0 : i32
        %sign3A_335 = arith.cmpi sgt, %scan3A_110, %sign3A_334 : i32
        %sign3A_336 = arith.extui %sign3A_335 : i1 to i32
        %sign3A_337 = arith.constant 0 : i32
        %sign3A_338 = arith.cmpi slt, %scan3A_110, %sign3A_337 : i32
        %sign3A_339 = arith.extui %sign3A_338 : i1 to i32
        %sign3A_340 = arith.subi %sign3A_336, %sign3A_339 : i32
        %sign3A_341 = arith.constant 0 : i32
        %sign3A_342 = arith.cmpi sgt, %jit3A_332, %sign3A_341 : i32
        %sign3A_343 = arith.extui %sign3A_342 : i1 to i32
        %sign3A_344 = arith.constant 0 : i32
        %sign3A_345 = arith.cmpi slt, %jit3A_332, %sign3A_344 : i32
        %sign3A_346 = arith.extui %sign3A_345 : i1 to i32
        %sign3A_347 = arith.subi %sign3A_343, %sign3A_346 : i32
        %ne3A_348 = arith.cmpi ne, %sign3A_340, %sign3A_347 : i32
        %rem3A_349 = arith.remsi %scan3A_110, %jit3A_332 : i32
        %ne3A_350 = arith.constant 0 : i32
        %ne3A_351 = arith.cmpi ne, %rem3A_349, %ne3A_350 : i32
        %and3A_352 = arith.andi %ne3A_348, %ne3A_351 : i1
        %sub3A_353 = arith.constant 1 : i32
        %sub3A_354 = arith.subi %div3A_333, %sub3A_353 : i32
        %select_n3A_355 = arith.select %and3A_352, %sub3A_354, %div3A_333 : i32
        %get3A_356 = arith.index_cast %select_n3A_355 : i32 to index
        %get3A_357 = arith.constant 0 : index
        %get3A_358 = tpu.vector_load %arg16[%get3A_356, %get3A_357] {strides = array<i32>} : memref<8x16xf32, #tpu.memory_space<vmem>>, vector<16xf32>,
        %jit3A_359 = arith.constant 2 : i32
        %eq3A_360 = arith.constant 0 : i32
        %eq3A_361 = arith.cmpi eq, %jit3A_359, %eq3A_360 : i32
        %jit3A_362 = arith.constant 1 : i32
        %select_n3A_363 = arith.select %eq3A_361, %jit3A_362, %jit3A_359 : i32
        %rem3A_364 = arith.remsi %scan3A_110, %select_n3A_363 : i32
        %ne3A_365 = arith.constant 0 : i32
        %ne3A_366 = arith.cmpi ne, %rem3A_364, %ne3A_365 : i32
        %lt3A_367 = arith.constant 0 : i32
        %lt3A_368 = arith.cmpi slt, %rem3A_364, %lt3A_367 : i32
        %lt3A_369 = arith.constant 0 : i32
        %lt3A_370 = arith.cmpi slt, %select_n3A_363, %lt3A_369 : i32
        %ne3A_371 = arith.xori %lt3A_368, %lt3A_370 : i1
        %and3A_372 = arith.andi %ne3A_371, %ne3A_366 : i1
        %add3A_373 = arith.addi %rem3A_364, %select_n3A_363 : i32
        %select_n3A_374 = arith.select %and3A_372, %add3A_373, %rem3A_364 : i32
        %mul3A_375 = arith.constant 8 : i32
        %mul3A_376 = arith.muli %select_n3A_374, %mul3A_375 : i32
        %eq3A_377 = vector.broadcast %mul3A_376 : i32 to vector<16xi32>
        %eq3A_378 = arith.cmpi eq, %iota3A, %eq3A_377 : vector<16xi32>
        %convert_element_type3A_379 = arith.sitofp %while3A_219#1 : i32 to f32
        %broadcast_in_dim3A_380 = vector.broadcast %convert_element_type3A_379 : f32 to vector<16xf32>
        %select_n3A_381 = arith.select %eq3A_378, %broadcast_in_dim3A_380, %get3A_358 : vector<16xi1>, vector<16xf32>
        %add3A_382 = arith.constant 1 : i32
        %add3A_383 = arith.addi %mul3A_376, %add3A_382 : i32
        %eq3A_384 = vector.broadcast %add3A_383 : i32 to vector<16xi32>
        %eq3A_385 = arith.cmpi eq, %iota3A, %eq3A_384 : vector<16xi32>
        %convert_element_type3A_386 = arith.sitofp %while3A_219#2 : i32 to f32
        %broadcast_in_dim3A_387 = vector.broadcast %convert_element_type3A_386 : f32 to vector<16xf32>
        %select_n3A_388 = arith.select %eq3A_385, %broadcast_in_dim3A_387, %select_n3A_381 : vector<16xi1>, vector<16xf32>
        %add3A_389 = arith.constant 2 : i32
        %add3A_390 = arith.addi %mul3A_376, %add3A_389 : i32
        %eq3A_391 = vector.broadcast %add3A_390 : i32 to vector<16xi32>
        %eq3A_392 = arith.cmpi eq, %iota3A, %eq3A_391 : vector<16xi32>
        %broadcast_in_dim3A_393 = vector.broadcast %scan3A_213#1 : f32 to vector<16xf32>
        %select_n3A_394 = arith.select %eq3A_392, %broadcast_in_dim3A_393, %select_n3A_388 : vector<16xi1>, vector<16xf32>
        %jit3A_395 = arith.constant 2 : i32
        %div3A_396 = arith.divsi %scan3A_110, %jit3A_395 : i32
        %sign3A_397 = arith.constant 0 : i32
        %sign3A_398 = arith.cmpi sgt, %scan3A_110, %sign3A_397 : i32
        %sign3A_399 = arith.extui %sign3A_398 : i1 to i32
        %sign3A_400 = arith.constant 0 : i32
        %sign3A_401 = arith.cmpi slt, %scan3A_110, %sign3A_400 : i32
        %sign3A_402 = arith.extui %sign3A_401 : i1 to i32
        %sign3A_403 = arith.subi %sign3A_399, %sign3A_402 : i32
        %sign3A_404 = arith.constant 0 : i32
        %sign3A_405 = arith.cmpi sgt, %jit3A_395, %sign3A_404 : i32
        %sign3A_406 = arith.extui %sign3A_405 : i1 to i32
        %sign3A_407 = arith.constant 0 : i32
        %sign3A_408 = arith.cmpi slt, %jit3A_395, %sign3A_407 : i32
        %sign3A_409 = arith.extui %sign3A_408 : i1 to i32
        %sign3A_410 = arith.subi %sign3A_406, %sign3A_409 : i32
        %ne3A_411 = arith.cmpi ne, %sign3A_403, %sign3A_410 : i32
        %rem3A_412 = arith.remsi %scan3A_110, %jit3A_395 : i32
        %ne3A_413 = arith.constant 0 : i32
        %ne3A_414 = arith.cmpi ne, %rem3A_412, %ne3A_413 : i32
        %and3A_415 = arith.andi %ne3A_411, %ne3A_414 : i1
        %sub3A_416 = arith.constant 1 : i32
        %sub3A_417 = arith.subi %div3A_396, %sub3A_416 : i32
        %select_n3A_418 = arith.select %and3A_415, %sub3A_417, %div3A_396 : i32
        %swap3A_419 = arith.index_cast %select_n3A_418 : i32 to index
        %swap3A_420 = arith.constant 0 : index
        %swap3A_421 = tpu.vector_load %arg16[%swap3A_419, %swap3A_420] {strides = array<i32>} : memref<8x16xf32, #tpu.memory_space<vmem>>, vector<16xf32>,
        tpu.vector_store %arg16[%swap3A_419, %swap3A_420], %select_n3A_394 {strides = array<i32>} : memref<8x16xf32, #tpu.memory_space<vmem>>, vector<16xf32>,
      }
      %scan3A_93 = arith.constant 6 : i32
      %dma_start3A_94 = arith.constant 0 : i32
      %dma_start3A_95 = arith.constant 0 : i32
      %dma_start3A_96 = tpu.memref_slice %arg6[%add3A, %dma_start3A_94, %dma_start3A_95] : memref<16x8x16xf32, #tpu.memory_space<hbm>> -> memref<1x8x16xf32, #tpu.memory_space<hbm>>
      %dma_start3A_97 = tpu.memref_squeeze %dma_start3A_96 : memref<1x8x16xf32, #tpu.memory_space<hbm>> -> memref<8x16xf32, #tpu.memory_space<hbm>>
      %dma_start3A_98 = arith.constant 0 : i32
      %dma_start3A_99 = arith.constant 0 : i32
      %dma_start3A_100 = tpu.memref_slice %arg6[%add3A, %dma_start3A_98, %dma_start3A_99] : memref<16x8x16xf32, #tpu.memory_space<hbm>> -> memref<1x8x16xf32, #tpu.memory_space<hbm>>
      %dma_start3A_101 = tpu.memref_squeeze %dma_start3A_100 : memref<1x8x16xf32, #tpu.memory_space<hbm>> -> memref<8x16xf32, #tpu.memory_space<hbm>>
      tpu.enqueue_dma source(%arg16 : memref<8x16xf32, #tpu.memory_space<vmem>>) target(%dma_start3A_101 : memref<8x16xf32, #tpu.memory_space<hbm>>) target_semaphore(%arg17 : memref<!tpu.dma_semaphore, #tpu.memory_space<semaphore_mem>>)
      %dma_wait3A_102 = arith.constant 0 : i32
      %dma_wait3A_103 = arith.constant 0 : i32
      %dma_wait3A_104 = tpu.memref_slice %arg6[%add3A, %dma_wait3A_102, %dma_wait3A_103] : memref<16x8x16xf32, #tpu.memory_space<hbm>> -> memref<1x8x16xf32, #tpu.memory_space<hbm>>
      %dma_wait3A_105 = tpu.memref_squeeze %dma_wait3A_104 : memref<1x8x16xf32, #tpu.memory_space<hbm>> -> memref<8x16xf32, #tpu.memory_space<hbm>>
      %dma_wait3A_106 = arith.constant 0 : i32
      %dma_wait3A_107 = arith.constant 0 : i32
      %dma_wait3A_108 = tpu.memref_slice %arg6[%add3A, %dma_wait3A_106, %dma_wait3A_107] : memref<16x8x16xf32, #tpu.memory_space<hbm>> -> memref<1x8x16xf32, #tpu.memory_space<hbm>>
      %dma_wait3A_109 = tpu.memref_squeeze %dma_wait3A_108 : memref<1x8x16xf32, #tpu.memory_space<hbm>> -> memref<8x16xf32, #tpu.memory_space<hbm>>
      tpu.wait_dma2 semaphore(%arg17 : memref<!tpu.dma_semaphore, #tpu.memory_space<semaphore_mem>>) src(%arg16 : memref<8x16xf32, #tpu.memory_space<vmem>>) dst(%dma_wait3A_109 : memref<8x16xf32, #tpu.memory_space<hbm>>)
    } else {
    }
    return
  }
}

module attributes {stable_mosaic.version = 14 : i64} {
  func.func @_prologue_kernel(%arg0: i32, %arg1: memref<1x512x512xf32, #tpu.memory_space<vmem>>, %arg2: memref<1x1x512xf32, #tpu.memory_space<vmem>>, %arg3: memref<1x1x512xi32, #tpu.memory_space<vmem>>, %arg4: memref<1x1x512xf32, #tpu.memory_space<vmem>>) attributes {dimension_semantics = [#tpu.dimension_semantics<parallel>], iteration_bounds = array<i64: 16>, scalar_prefetch = 0 : i64, scratch_operands = 0 : i64, tpu.core_type = #tpu.core_type<tc>, window_params = [{transform_indices = @transform_0, window_bounds = array<i64: 1, 512, 512>}, {transform_indices = @transform_1, window_bounds = array<i64: 1, 1, 512>}, {transform_indices = @transform_2, window_bounds = array<i64: 1, 1, 512>}, {transform_indices = @transform_3, window_bounds = array<i64: 1, 1, 512>}]} {
    %get3A = arith.constant 0 : index
    %get3A_0 = arith.constant 0 : index
    %get3A_1 = arith.constant 0 : index
    %get3A_2 = vector.load %arg1[%get3A, %get3A_0, %get3A_1] : memref<1x512x512xf32, #tpu.memory_space<vmem>>, vector<1x512x512xf32>
    %get3A_3 = vector.shape_cast %get3A_2 : vector<1x512x512xf32> to vector<512x512xf32>
    %slice3A = vector.extract_strided_slice %get3A_3 {offsets = [0, 1], sizes = [512, 511], strides = [1, 1]} : vector<512x512xf32> to vector<512x511xf32>
    %broadcast_in_dim3A = arith.constant 0.000000e+00 : f32
    %broadcast_in_dim3A_4 = vector.broadcast %broadcast_in_dim3A : f32 to vector<512x1xf32>
    %concatenate3A = tpu.concatenate %slice3A, %broadcast_in_dim3A_4 in 1 : vector<512x511xf32>, vector<512x1xf32> -> vector<512x512xf32>
    %add3A = arith.addf %get3A_3, %concatenate3A : vector<512x512xf32>
    %slice3A_5 = vector.extract_strided_slice %get3A_3 {offsets = [0, 2], sizes = [512, 510], strides = [1, 1]} : vector<512x512xf32> to vector<512x510xf32>
    %broadcast_in_dim3A_6 = arith.constant 0.000000e+00 : f32
    %broadcast_in_dim3A_7 = vector.broadcast %broadcast_in_dim3A_6 : f32 to vector<512x2xf32>
    %concatenate3A_8 = tpu.concatenate %slice3A_5, %broadcast_in_dim3A_7 in 1 : vector<512x510xf32>, vector<512x2xf32> -> vector<512x512xf32>
    %add3A_9 = arith.addf %add3A, %concatenate3A_8 : vector<512x512xf32>
    %slice3A_10 = vector.extract_strided_slice %get3A_3 {offsets = [0, 3], sizes = [512, 509], strides = [1, 1]} : vector<512x512xf32> to vector<512x509xf32>
    %broadcast_in_dim3A_11 = arith.constant 0.000000e+00 : f32
    %broadcast_in_dim3A_12 = vector.broadcast %broadcast_in_dim3A_11 : f32 to vector<512x3xf32>
    %concatenate3A_13 = tpu.concatenate %slice3A_10, %broadcast_in_dim3A_12 in 1 : vector<512x509xf32>, vector<512x3xf32> -> vector<512x512xf32>
    %add3A_14 = arith.addf %add3A_9, %concatenate3A_13 : vector<512x512xf32>
    %slice3A_15 = vector.extract_strided_slice %get3A_3 {offsets = [0, 4], sizes = [512, 508], strides = [1, 1]} : vector<512x512xf32> to vector<512x508xf32>
    %broadcast_in_dim3A_16 = arith.constant 0.000000e+00 : f32
    %broadcast_in_dim3A_17 = vector.broadcast %broadcast_in_dim3A_16 : f32 to vector<512x4xf32>
    %concatenate3A_18 = tpu.concatenate %slice3A_15, %broadcast_in_dim3A_17 in 1 : vector<512x508xf32>, vector<512x4xf32> -> vector<512x512xf32>
    %add3A_19 = arith.addf %add3A_14, %concatenate3A_18 : vector<512x512xf32>
    %slice3A_20 = vector.extract_strided_slice %add3A_19 {offsets = [0, 0], sizes = [508, 512], strides = [1, 1]} : vector<512x512xf32> to vector<508x512xf32>
    %slice3A_21 = vector.extract_strided_slice %add3A_19 {offsets = [1, 0], sizes = [508, 512], strides = [1, 1]} : vector<512x512xf32> to vector<508x512xf32>
    %add3A_22 = arith.addf %slice3A_20, %slice3A_21 : vector<508x512xf32>
    %slice3A_23 = vector.extract_strided_slice %add3A_19 {offsets = [2, 0], sizes = [508, 512], strides = [1, 1]} : vector<512x512xf32> to vector<508x512xf32>
    %add3A_24 = arith.addf %add3A_22, %slice3A_23 : vector<508x512xf32>
    %slice3A_25 = vector.extract_strided_slice %add3A_19 {offsets = [3, 0], sizes = [508, 512], strides = [1, 1]} : vector<512x512xf32> to vector<508x512xf32>
    %add3A_26 = arith.addf %add3A_24, %slice3A_25 : vector<508x512xf32>
    %slice3A_27 = vector.extract_strided_slice %add3A_19 {offsets = [4, 0], sizes = [508, 512], strides = [1, 1]} : vector<512x512xf32> to vector<508x512xf32>
    %add3A_28 = arith.addf %add3A_26, %slice3A_27 : vector<508x512xf32>
    %iota3A = tpu.iota {dimensions = array<i32: 1>} : vector<508x512xi32>
    %lt3A = arith.constant 508 : i32
    %lt3A_29 = vector.broadcast %lt3A : i32 to vector<508x512xi32>
    %lt3A_30 = arith.cmpi slt, %iota3A, %lt3A_29 : vector<508x512xi32>
    %div3A = arith.constant 2.500000e+01 : f32
    %div3A_31 = vector.broadcast %div3A : f32 to vector<508x512xf32>
    %div3A_32 = arith.divf %add3A_28, %div3A_31 : vector<508x512xf32>
    %jit3A = arith.constant -1.000000e+00 : f32
    %broadcast_in_dim3A_33 = vector.broadcast %jit3A : f32 to vector<508x512xf32>
    %select_n3A = arith.select %lt3A_30, %div3A_32, %broadcast_in_dim3A_33 : vector<508x512xi1>, vector<508x512xf32>
    %reduce_max3A = arith.constant dense<0xFF800000> : vector<508xf32>
    %reduce_max3A_34 = vector.multi_reduction <maximumf>, %select_n3A, %reduce_max3A [1] : vector<508x512xf32> to vector<508xf32>
    %broadcast_in_dim3A_35 = vector.shape_cast %reduce_max3A_34 : vector<508xf32> to vector<508x1xf32>
    %eq3A = vector.broadcast %broadcast_in_dim3A_35 : vector<508x1xf32> to vector<508x512xf32>
    %eq3A_36 = arith.cmpf oeq, %select_n3A, %eq3A : vector<508x512xf32>
    %jit3A_37 = arith.constant 512 : i32
    %broadcast_in_dim3A_38 = vector.broadcast %jit3A_37 : i32 to vector<508x512xi32>
    %select_n3A_39 = arith.select %eq3A_36, %iota3A, %broadcast_in_dim3A_38 : vector<508x512xi1>, vector<508x512xi32>
    %reduce_min3A = arith.constant dense<2147483647> : vector<508xi32>
    %reduce_min3A_40 = vector.multi_reduction <minsi>, %select_n3A_39, %reduce_min3A [1] : vector<508x512xi32> to vector<508xi32>
    %broadcast_in_dim3A_41 = arith.constant -1.000000e+00 : f32
    %broadcast_in_dim3A_42 = vector.broadcast %broadcast_in_dim3A_41 : f32 to vector<4xf32>
    %concatenate3A_43 = tpu.concatenate %reduce_max3A_34, %broadcast_in_dim3A_42 in 0 : vector<508xf32>, vector<4xf32> -> vector<512xf32>
    %swap3A = arith.constant 0 : index
    %swap3A_44 = arith.constant 0 : index
    %swap3A_45 = arith.constant 0 : index
    %swap3A_46 = vector.load %arg2[%swap3A, %swap3A_44, %swap3A_45] : memref<1x1x512xf32, #tpu.memory_space<vmem>>, vector<1x1x512xf32>
    %swap3A_47 = vector.shape_cast %swap3A_46 : vector<1x1x512xf32> to vector<512xf32>
    %swap3A_48 = vector.shape_cast %concatenate3A_43 : vector<512xf32> to vector<1x1x512xf32>
    tpu.vector_store %arg2[%swap3A, %swap3A_44, %swap3A_45], %swap3A_48 {strides = array<i32>} : memref<1x1x512xf32, #tpu.memory_space<vmem>>, vector<1x1x512xf32>,
    %broadcast_in_dim3A_49 = arith.constant 0 : i32
    %broadcast_in_dim3A_50 = vector.broadcast %broadcast_in_dim3A_49 : i32 to vector<4xi32>
    %concatenate3A_51 = tpu.concatenate %reduce_min3A_40, %broadcast_in_dim3A_50 in 0 : vector<508xi32>, vector<4xi32> -> vector<512xi32>
    %swap3A_52 = arith.constant 0 : index
    %swap3A_53 = arith.constant 0 : index
    %swap3A_54 = arith.constant 0 : index
    %swap3A_55 = vector.load %arg3[%swap3A_52, %swap3A_53, %swap3A_54] : memref<1x1x512xi32, #tpu.memory_space<vmem>>, vector<1x1x512xi32>
    %swap3A_56 = vector.shape_cast %swap3A_55 : vector<1x1x512xi32> to vector<512xi32>
    %swap3A_57 = vector.shape_cast %concatenate3A_51 : vector<512xi32> to vector<1x1x512xi32>
    tpu.vector_store %arg3[%swap3A_52, %swap3A_53, %swap3A_54], %swap3A_57 {strides = array<i32>} : memref<1x1x512xi32, #tpu.memory_space<vmem>>, vector<1x1x512xi32>,
    %reduce_max3A_58 = arith.constant dense<0xFF800000> : vector<512xf32>
    %reduce_max3A_59 = vector.multi_reduction <maximumf>, %get3A_3, %reduce_max3A_58 [1] : vector<512x512xf32> to vector<512xf32>
    %swap3A_60 = arith.constant 0 : index
    %swap3A_61 = arith.constant 0 : index
    %swap3A_62 = arith.constant 0 : index
    %swap3A_63 = vector.load %arg4[%swap3A_60, %swap3A_61, %swap3A_62] : memref<1x1x512xf32, #tpu.memory_space<vmem>>, vector<1x1x512xf32>
    %swap3A_64 = vector.shape_cast %swap3A_63 : vector<1x1x512xf32> to vector<512xf32>
    %swap3A_65 = vector.shape_cast %reduce_max3A_59 : vector<512xf32> to vector<1x1x512xf32>
    tpu.vector_store %arg4[%swap3A_60, %swap3A_61, %swap3A_62], %swap3A_65 {strides = array<i32>} : memref<1x1x512xf32, #tpu.memory_space<vmem>>, vector<1x1x512xf32>,
    return
  }
  func.func @transform_0(%arg0: i32) -> (i32, i32, i32) {
    %c0_i32 = arith.constant 0 : i32
    %c0_i32_0 = arith.constant 0 : i32
    %c0_i32_1 = arith.constant 0 : i32
    return %arg0, %c0_i32, %c0_i32_0 : i32, i32, i32
  }
  func.func @transform_1(%arg0: i32) -> (i32, i32, i32) {
    %c0_i32 = arith.constant 0 : i32
    %c0_i32_0 = arith.constant 0 : i32
    %c0_i32_1 = arith.constant 0 : i32
    return %arg0, %c0_i32, %c0_i32_0 : i32, i32, i32
  }
  func.func @transform_2(%arg0: i32) -> (i32, i32, i32) {
    %c0_i32 = arith.constant 0 : i32
    %c0_i32_0 = arith.constant 0 : i32
    %c0_i32_1 = arith.constant 0 : i32
    return %arg0, %c0_i32, %c0_i32_0 : i32, i32, i32
  }
  func.func @transform_3(%arg0: i32) -> (i32, i32, i32) {
    %c0_i32 = arith.constant 0 : i32
    %c0_i32_0 = arith.constant 0 : i32
    %c0_i32_1 = arith.constant 0 : i32
    return %arg0, %c0_i32, %c0_i32_0 : i32, i32, i32
  }
}

</mosaic_0001>

<sc_bundles>
// kernel: kernel.4.cloned.1.call-start
scs
__scs_entry_jumppad:
0x0: {  	(pc) =	sbr.rel $0x88, $3  }
0x1: {  	(tag) =	ssettag $0x0;
	lr =	simm.s32 $0x1  }
0x2: {  	[smem:$0x3FA0] =	sst lr;
	_ =	strace $0xD0000000  }
0x3: {  	_ = 	snop  }
0x4: {  	_ = 	snop  }
0x5: {  	_ = 	snop  }
0x6: {  	_ = 	snop  }
0x7: {  	_ = 	snop  }
__scs_overlays_trampoline_lowered:
0x8: {  	[smem:$0x3FAF] =	sst s0  }
0x9: {  	[smem:$0x3FB0] =	sst s1  }
0xa: {  	[smem:$0x3FB1] =	sst s2  }
0xb: {  	[smem:$0x3FB2] =	sst s3  }
0xc: {  	[smem:$0x3FB3] =	sst s4  }
0xd: {  	[smem:$0x3FB4] =	sst s5  }
0xe: {  	[smem:$0x3FB5] =	sst s6  }
0xf: {  	[smem:$0x3FB6] =	sst s7  }
0x10: {  	[smem:$0x3FB7] =	sst s8  }
0x11: {  	[smem:$0x3FB8] =	sst s9;
	s0 =	simm.s32 @!p0 $0x0  }
0x12: {  	s1 =	sld [smem:$0x3F9E];
	s0 =	simm.s32 @p0 $0x1  }
0x13: {  	[smem:$0x3FB9] =	sst s0;
	s0 =	simm.s32 @!p1 $0x0  }
0x14: {  	s2 =	sld [smem:$0x3F9D];
	s0 =	simm.s32 @p1 $0x1  }
0x15: {  	[smem:$0x3FBA] =	sst s0;
	s0 =	simm.s32 @!p2 $0x0  }
0x16: {  	s3 =	sld [smem:$0x3FDB];
	s0 =	simm.s32 @p2 $0x1  }
0x17: {  	s4 =	simm.s32 $0x1BF5;
	[smem:$0x3FBC] =	sst s0  }
0x18: {  	s0 =	sld [smem:$0x3F9F];
	_ =	swait.ge [sflag:s4], $0x0  }
0x19: {  	s7 =	sld [smem:$0x3FA0]  }
0x1a: {  	s8 =	sadd.s32 $0xFFFFE003, lr  }
0x1b: {  	s9 =	sadd.s32 $0xFFFFFEF7, lr;
	s5 =	simm.s32 $0xFFFFFFFF;
	p2 =	slt.u32 s8, $0xFFFFF086  }
0x1c: {  	p1 =	slt.u32 s9, $0xF7A;
	s5 =	simm.s32 @!p2 $0x0  }
0x1d: {  	s5 =	simm.s32 @p1 $0x1;
	p0 =	seq.s32 s7, s2  }
0x1e: {  	s7 =	smul.u32 @!p0 $0xF7A, s2;
	p2 =	seq.s32 @!p0 s5, $0x0  }
0x1f: {  	s9 =	smul.u32 $0xF7A, s1;
	s8 =	simm.s32 @!p0 $0x1BF5;
	p2 =	por !p2, p0  }
0x20: {  	[sflag:s8] =	ssyncset.s32 @!p0 $0xFFFFF086;
	s6 =	sadd.s32 @!p0 s3, s7;
	s7 =	simm.s32 @!p0 $0x108  }
0x21: {  	s3 =	sadd.s32 s3, s9;
	s6 =	sadd.s32 @!p0 $0x88, s6;
	s7 =	simm.s32 @p2 $0x1082  }
0x22: {  	[simem:s7], [sflag:s8] =	dma.local @!p0 [hbm:s6], $0xF7A  }
0x23: {  	s9 =	sor.u32 $0xD0000000, s2;
	s6 =	simm.s32 $0x108;
	_ =	swait.ge @!p0 [sflag:s8], $0x0  }
0x24: {  	s3 =	sadd.s32 $0x88, s3;
	s6 =	simm.s32 @!p1 $0x1082;
	[sflag:s4] =	ssyncset.s32 $0xFFFFF086  }
0x25: {  	[simem:s6], [sflag:s4] =	dma.local [hbm:s3], $0xF7A  }
0x26: {  	[smem:$0x3FA0] =	sst s1;
	(tag) =	ssettag s2;
	_ =	strace s9  }
0x27: {  	s1 =	sld [smem:$0x3FB0]  }
0x28: {  	s2 =	sld [smem:$0x3FB1]  }
0x29: {  	s4 =	sld [smem:$0x3FB3]  }
0x2a: {  	p0 =	seq.s32 s5, $0x0;
	s5 =	sld [smem:$0x3FB4]  }
0x2b: {  	s6 =	sld [smem:$0x3FB5]  }
0x2c: {  	s7 =	sld [smem:$0x3FB6]  }
0x2d: {  	s3 =	simm.s32 $0x108;
	s8 =	sld [smem:$0x3FB7]  }
0x2e: {  	s3 =	simm.s32 @!p0 $0x1082;
	s9 =	sld [smem:$0x3FB8]  }
0x2f: {  	lr =	sadd.s32 s0, s3;
	s0 =	sld [smem:$0x3FAF]  }
0x30: {  	s3 =	sld [smem:$0x3FB2]  }
0x31: {  	[smem:$0x3FBB] =	sst s10  }
0x32: {  	s10 =	sld [smem:$0x3FB9];
	_ =	sdelay $0x3  }
0x33: {  	p0 =	seq.s32 s10, $0x1;
	s10 =	sld [smem:$0x3FBB];
	_ =	sdelay $0x3  }
0x34: {  	[smem:$0x3FBB] =	sst s10  }
0x35: {  	s10 =	sld [smem:$0x3FBA];
	_ =	sdelay $0x3  }
0x36: {  	p1 =	seq.s32 s10, $0x1;
	s10 =	sld [smem:$0x3FBB];
	_ =	sdelay $0x3  }
0x37: {  	[smem:$0x3FBB] =	sst s10  }
0x38: {  	s10 =	sld [smem:$0x3FBC]  }
0x39: {  	_ = 	snop;
	(pc) =	sbr.ind lr, $3  }
0x3a: {  	_ = 	snop  }
0x3b: {  	_ = 	snop  }
0x3c: {  	p2 =	seq.s32 s10, $0x1;
	s10 =	sld [smem:$0x3FBB]  }
0x3d: {  	_ =	shalt  }
0x3e: {  	_ =	shalt  }
0x3f: {  	_ =	shalt  }
0x40: {  	_ =	shalt  }
0x41: {  	_ =	shalt  }
0x42: {  	_ =	shalt  }
0x43: {  	_ =	shalt  }
0x44: {  	_ =	shalt  }
0x45: {  	_ =	shalt  }
0x46: {  	_ =	shalt  }
0x47: {  	_ =	shalt  }
0x48: {  	_ =	shalt  }
0x49: {  	_ =	shalt  }
0x4a: {  	_ =	shalt  }
0x4b: {  	_ =	shalt  }
0x4c: {  	_ =	shalt  }
0x4d: {  	_ =	shalt  }
0x4e: {  	_ =	shalt  }
0x4f: {  	_ =	shalt  }
0x50: {  	_ =	shalt  }
0x51: {  	_ =	shalt  }
0x52: {  	_ =	shalt  }
0x53: {  	_ =	shalt  }
0x54: {  	_ =	shalt  }
0x55: {  	_ =	shalt  }
0x56: {  	_ =	shalt  }
0x57: {  	_ =	shalt  }
0x58: {  	_ =	shalt  }
0x59: {  	_ =	shalt  }
0x5a: {  	_ =	shalt  }
0x5b: {  	_ =	shalt  }
0x5c: {  	_ =	shalt  }
0x5d: {  	_ =	shalt  }
0x5e: {  	_ =	shalt  }
0x5f: {  	_ =	shalt  }
0x60: {  	_ =	shalt  }
0x61: {  	_ =	shalt  }
0x62: {  	_ =	shalt  }
0x63: {  	_ =	shalt  }
0x64: {  	_ =	shalt  }
0x65: {  	_ =	shalt  }
0x66: {  	_ =	shalt  }
0x67: {  	_ =	shalt  }
0x68: {  	_ =	shalt  }
0x69: {  	_ =	shalt  }
0x6a: {  	_ =	shalt  }
0x6b: {  	_ =	shalt  }
0x6c: {  	_ =	shalt  }
0x6d: {  	_ =	shalt  }
0x6e: {  	_ =	shalt  }
0x6f: {  	_ =	shalt  }
0x70: {  	_ =	shalt  }
0x71: {  	_ =	shalt  }
0x72: {  	_ =	shalt  }
0x73: {  	_ =	shalt  }
0x74: {  	_ =	shalt  }
0x75: {  	_ =	shalt  }
0x76: {  	_ =	shalt  }
0x77: {  	_ =	shalt  }
0x78: {  	_ =	shalt  }
0x79: {  	_ =	shalt  }
0x7a: {  	_ =	shalt  }
0x7b: {  	_ =	shalt  }
0x7c: {  	_ =	shalt  }
0x7d: {  	_ =	shalt  }
0x7e: {  	_ =	shalt  }
0x7f: {  	_ =	shalt  }
0x80: {  	_ =	shalt  }
0x81: {  	_ =	shalt  }
0x82: {  	_ =	shalt  }
0x83: {  	_ =	shalt  }
0x84: {  	_ =	shalt  }
0x85: {  	_ =	shalt  }
0x86: {  	_ =	shalt  }
0x87: {  	_ =	shalt  }
.Lfunc_end0:
.L_simem_size_0:
called_computation_lowered:
.L_overlay_start_0:
0x88: {  	s2 =	sld [smem:$0x3FD9]  }
0x89: {  	s3 =	sld [smem:$0x3FFE];
	_ =	sdelay $0x1  }
0x8a: {  	s1 =	srdreg.scid  }
0x8b: {  	s0 =	sand.u32 $0x1, s1  }
0x8c: {  	s17 =	sshll.u32 s0, $0xA;
	s2 =	sadd.s32 s3, s2  }
0x8d: {  	s2 =	sadd.s32 s2, s17  }
0x8e: {  	[smem:$0x3FC7] =	sst s2  }
0x8f: {  	_ = 	snop  }
0x90: {  	s2 =	sld [smem:$0x3FC9];
	(tm) =	ssettm $0x1  }
0x91: {  	s18 =	sld [smem:$0x3FFB];
	_ =	sdelay $0x3  }
0x92: {  	_ =	strace s18  }
0x93: {  	s3 =	sld [smem:$0x3FFC];
	_ =	sdelay $0x3  }
0x94: {  	_ =	strace s3  }
0x95: {  	s3 =	sld [smem:$0x3FFD];
	_ =	sdelay $0x3  }
0x96: {  	_ =	strace s3  }
0x97: {  	_ =	strace $0x8FFFFFFF  }
0x98: {  	s19 =	sld [smem:$0x3FDB];
	_ =	sdelay $0x1  }
0x99: {  	s4 =	simm.s32 $_scs_section_size  }
0x9a: {  	s5 =	simm.s32 $_size__tile_overlayer_lowered;
	s6 =	simm.s32 $_tile_overlayer_lowered  }
0x9b: {  	s22 =	simm.s32 $0x1BFF;
	s21 =	sshll.u32 s6, $0x1;
	s3 =	sadd.s32 s4, s19  }
0x9c: {  	s7 =	simm.s32 $0x0;
	s20 =	sshll.u32 s5, $0x1;
	s5 =	sadd.s32 s21, s3  }
0x9d: {  	[timem:s7], [sflag:s22] =	dma.local [hbm:s5], s20  }
0x9e: {  	_ =	swait.ge [sflag:s22], s20  }
0x9f: {  	s4 =	ssub.s32 $0x0, s20;
	[sflag:s22] =	ssyncset.done $0x0  }
0xa0: {  	[sflag:s22] =	ssyncadd.s32 s4;
	_ =	sdelay $0x1  }
0xa1: {  	s23 =	simm.s32 $0x1B8B  }
0xa2: {  	_ =	swait.ge [sflag:s23], $0x1  }
0xa3: {  	[sflag:s23] =	ssyncset.done $0x0  }
0xa4: {  	s25 =	simm.s32 $0x1B8E;
	s24 =	sld [smem:$0x3FFE];
	[sflag:s23] =	ssyncadd.s32 $0xFFFFFFFF  }
0xa5: {  	s26 =	simm.s32 $execute0_lowered;
	[smem:$0x3FD2] =	sst s25  }
0xa6: {  	s5 =	sshll.u32 s26, $0x1;
	_ =	strace $0x80000046;
	[dreg:$0x1] =	wrdreg $0xFFFFFFFF  }
0xa7: {  	s28 =	simm.s32 $_size_execute0_lowered;
	s3 =	sadd.s32 s3, s5;
	[dreg:$0x0] =	wrdreg $0x0  }
0xa8: {  	s5 =	sshll.u32 s28, $0x1;
	[dreg:$0x2] =	wrdreg s3  }
0xa9: {  	[dreg:$0x3] =	wrdreg s5  }
0xaa: {  	[dreg:$0x4] =	wrdreg $0xC0  }
0xab: {  	_ =	task [dreg:s7], $0x5FFFF  }
0xac: {  	[dreg:$0x1] =	wrdreg $0xFFFFFFFF  }
0xad: {  	[dreg:$0x0] =	wrdreg $0x60  }
0xae: {  	[dreg:$0x2] =	wrdreg s2  }
0xaf: {  	[dreg:$0x3] =	wrdreg s24  }
0xb0: {  	[dreg:$0x4] =	wrdreg $0x9  }
0xb1: {  	_ =	task.clear_ibuf [dreg:s7], $0x5FFFF;
	_ =	strace $0x90000046  }
0xb2: {  	s29 =	simm.s32 $0x9;
	_ =	strace $0x80000048  }
0xb3: {  	_ =	swait.ge [sflag:s29], $0x1  }
0xb4: {  	[sflag:s29] =	ssyncadd.s32 $0xFFFFFFFF  }
0xb5: {  	_ =	strace $0x90000048  }
0xb6: {  	_ =	sfence  }
0xb7: {  	s30 =	sld [smem:$0x0];
	_ =	sdelay $0x2  }
0xb8: {  	s31 =	sshll.u32 s1, $0xD;
	s1 =	sshrl.u32 s1, $0x2  }
0xb9: {  	s3 =	sand.u32 $0x4000, s31;
	s1 =	sadd.s32 s1, s30  }
0xba: {  	s0 =	sor.u32 s3, s0;
	s1 =	sshll.u32 s1, $0x11  }
0xbb: {  	s0 =	sor.u32 s1, s0  }
0xbc: {  	s0 =	sadd.s32 $0x8F2B, s0  }
0xbd: {  	[sflag:s0] =	ssyncadd.remote.s32 $0x1  }
0xbe: {  	_ =	sfence.sel $0xFFFF  }
0xbf: {  	[dreg:$0x0] =	wrdreg $0xFFFFFFFF;
	(pc) =	sbr.abs _section_cstart, $3  }
0xc0: {  	[dreg:$0x1] =	wrdreg $0xFFFFFFFF  }
0xc1: {  	_ =	task.clear_ibuf [dreg:s7], $0x2FFFF;
	_ =	strace $0x9FFFFFFF  }
0xc2: {  	(tm) =	ssettm $0x7FFFFFFF  }
0xc3: {  	_ =	shalt  }
tec
execute0_lowered:
.L_overlay_start_1:
0x0: {  	(tag) =	ssettag $0x1  }
0x1: {  	s1 =	rddreg [dreg:$0x0];
	s2 =	simm.s32 $0x0  }
0x2: {  	[smem:$0x7FF] =	sst s2  }
0x3: {  	s0 =	rddreg [dreg:$0x1];
	v0 =	vimm.f32 $2.500000000e+01;
	_ =	strace $0x80000047  }
0x4: {  	(erf) = vrcp.f32 v0;
	_ =	sdelay $0x2  }
0x5: {  	s31 =	stileid.u32  }
0x6: {  	p0 =	sgt.u32 s31, $0x7  }
.Ltmp0:
0x7: {  	_ = 	snop;
	(pc) =	sbr.rel @p0 .LBB2_52-.Ltmp0, $2  }
0x8: {  	_ =	sdelay $0x2  }
0x9: {  	v0 =	vpop (erf)  }
0xa: {  	s2 =	srdreg.scid  }
0xb: {  	s3 =	stileid.u32;
	s5 =	sadd.s32 $0xE00, s0;
	s11 =	simm.s32 $0x1  }
0xc: {  	s14 =	simm.s32 $0x600;
	s2 =	sand.u32 $0x1, s2;
	s3 =	sshll.u32 s3, $0x1  }
0xd: {  	s15 =	simm.s32 $0x5600;
	s16 =	simm.s32 $0x5E00;
	s3 =	sor.u32 s2, s3  }
0xe: {  	s17 =	simm.s32 $0x6600;
	s2 =	ssub.s32 $0x2, s2;
	s4 =	sshll.u32 s3, $0x6  }
0xf: {  	s7 =	sshll.u32 s3, $0x7;
	s25 =	sshll.u32 s3, $0x9;
	s29 =	sshrl.u32 s2, $0x1  }
0x10: {  	s6 =	sadd.s32 s4, s0;
	[dreg:$0x3] =	wrdreg s25;
	s31 =	sadd.s32 s5, s4  }
.Ltmp1:
0x11: {  	v2 =	vlaneseq.u32;
	v3 =	vimm.f32 $0.0e+00;
	s26 =	sadd.s32 $0x1200, s6;
	[dreg:$0x7] =	wrdreg s31;
	(pc) =	sbr.rel .LBB2_2-.Ltmp1, $4  }
0x12: {  	vm0 =	vmmov $0x1f;
	v5 =	vimm.s32 $0x200;
	v6 =	vimm.s32 $0x0;
	s24 =	sadd.s32 s7, s0;
	s28 =	sadd.s32 $0x1600, s6;
	[dreg:$0x4] =	wrdreg s26  }
0x13: {  	vm1 =	vmmov $0xffff;
	v4 =	vor.u32 $0x80000000, v2;
	v10 =	vmul.u32 $0xFFFFFFFF, v2;
	s30 =	ssub.s32 s2, s29;
	s0 =	sadd.s32 $0x1A00, s24;
	[dreg:$0x5] =	wrdreg s28  }
0x14: {  	s18 =	simm.s32 $0x6E00;
	v8 =	vshrl.u32 v2, $0x3;
	v7 =	vand.u32 $0x7, v2;
	v9 =	vor.u32 $0x8, v2;
	[dreg:$0x6] =	wrdreg s0;
	s0 =	smax.u32 s30, $0x1  }
0x15: {  	v8 =	vmul.u32 $0x8, v8;
	v10 =	vadd.s32 $0x1FC, v10;
	v1 =	vmov s25;
	s7 =	sadd.s32 $0x100, s1;
	s2 =	simm.s32 $0x0;
	[dreg:$0x8] =	wrdreg s0  }
.LBB2_51:
0x16: {  	s0 =	simm.s32 $0x0;
	s2 =	rddreg [dreg:$0x6];
	s3 =	simm.s32 $0x7780  }
0x17: {  	[hbm4b:s2+s0] =	stream.linear.scatter [tilespmem:s3], [sflag:$0x1], $0x400, $0x38;
	[tilespmem:$0x7B80] =	vst v63  }
0x18: {  	_ =	swait.ge [sflag:s11], $0x400  }
0x19: {  	s30 =	rddreg [dreg:$0x9]  }
0x1a: {  	s31 =	rddreg [dreg:$0x8];
	s2 =	sadd.s32 $0x1, s30  }
0x1b: {  	p0 =	sne.s32 s2, s31  }
.Ltmp2:
0x1c: {  	_ = 	snop;
	(pc) =	sbr.rel @!p0 .LBB2_52-.Ltmp2, $3  }
0x1d: {  	_ =	sdelay $0x1  }
0x1e: {  	[sflag:s11] =	ssyncset.done $0x0  }
0x1f: {  	[sflag:s11] =	ssyncadd.s32 $0xFFFFFC00  }
.LBB2_2:
0x20: {  	[dreg:$0x9] =	wrdreg s2  }
0x21: {  	s21 =	simm.s32 $0x0;
	s0 =	rddreg [dreg:$0x7]  }
0x22: {  	[tilespmem:s21], [sflag:$0x1] =	stream.linear.gather [hbm4b:s0+s21], $0x200, $0x38;
	[tilespmem:$0x7B80] =	vst v63  }
0x23: {  	_ =	swait.ge [sflag:s11], $0x200  }
0x24: {  	[sflag:s11] =	ssyncset.done $0x0  }
0x25: {  	s29 =	simm.s32 $0x200;
	s28 =	rddreg [dreg:$0x4];
	[sflag:s11] =	ssyncadd.s32 $0xFFFFFE00  }
0x26: {  	[tilespmem:s29], [sflag:$0x1] =	stream.linear.gather [hbm4b:s28+s21], $0x200, $0x38;
	[tilespmem:$0x7B80] =	vst v63  }
0x27: {  	_ =	swait.ge [sflag:s11], $0x200  }
0x28: {  	[sflag:s11] =	ssyncset.done $0x0  }
0x29: {  	s31 =	simm.s32 $0x400;
	s30 =	rddreg [dreg:$0x5];
	[sflag:s11] =	ssyncadd.s32 $0xFFFFFE00  }
0x2a: {  	[tilespmem:s31], [sflag:$0x1] =	stream.linear.gather [hbm4b:s30+s21], $0x200, $0x38;
	[tilespmem:$0x7B80] =	vst v63  }
0x2b: {  	_ =	swait.ge [sflag:s11], $0x200  }
0x2c: {  	[sflag:s11] =	ssyncset.done $0x0  }
0x2d: {  	[sflag:s11] =	ssyncadd.s32 $0xFFFFFE00  }
0x2e: {  	[tilespmem:$0x7780] =	vst v3  }
0x2f: {  	[tilespmem:$0x7800] =	vst v3  }
0x30: {  	[tilespmem:$0x7880] =	vst v3  }
.Ltmp3:
0x31: {  	[tilespmem:$0x7900] =	vst v3;
	(pc) =	sbr.rel .LBB2_3-.Ltmp3, $4  }
0x32: {  	[tilespmem:$0x7980] =	vst v3  }
0x33: {  	[tilespmem:$0x7A00] =	vst v3  }
0x34: {  	[tilespmem:$0x7A80] =	vst v3  }
0x35: {  	[tilespmem:$0x7B00] =	vst v3  }
.LBB2_50:
0x36: {  	s0 =	sshll.u32 s21, $0x6  }
0x37: {  	s0 =	sand.u32 $0x180, s0  }
0x38: {  	v11 =	vld [tilespmem:s0+$0x7780]  }
0x39: {  	s2 =	sshll.u32 s21, $0x3  }
0x3a: {  	s21 =	sadd.s32 $0x1, s21;
	s2 =	sand.u32 $0x8, s2  }
0x3b: {  	s3 =	scvt.s32.f32 s26;
	p0 =	sne.s32 s21, $0x6;
	v12 =	vmov s2;
	s4 =	sor.u32 $0x1, s2  }
.Ltmp4:
0x3c: {  	s30 =	scvt.s32.f32 s25;
	s2 =	sor.u32 $0x2, s2;
	v13 =	vmov s4;
	vm2 =	veq.s32 v12, v2;
	(pc) =	sbr.rel @!p0 .LBB2_51-.Ltmp4, $4  }
0x3d: {  	v63 =	vmov s2;
	v11 =	vsel vm2, s3, v11;
	vm2 =	veq.s32 v13, v2  }
0x3e: {  	s31 =	rddreg [dreg:$0xa];
	v11 =	vsel vm2, s30, v11;
	vm2 =	veq.s32 v63, v2  }
0x3f: {  	v11 =	vsel vm2, s31, v11  }
0x40: {  	s15 =	simm.s32 $0x5600;
	s16 =	simm.s32 $0x5E00;
	s17 =	simm.s32 $0x6600;
	[tilespmem:s0+$0x7780] =	vst v11  }
.LBB2_3:
0x41: {  	s2 =	simm.s32 $0x0  }
0x42: {  	s30 =	simm.s32 $0x10;
	v11 =	vld [tilespmem:s2+$0x0]  }
0x43: {  	v12 =	vld [tilespmem:s30+$0x0];
	_ =	sdelay $0x3  }
0x44: {  	(xrf0) =	vmax.scan.msk.f32 $0xffff, v11  }
0x45: {  	(xrf0) =	vmax.scan.msk.f32 $0xffff, v12;
	_ =	sdelay $0x4  }
0x46: {  	s31 =	simm.s32 $0x20;
	v62, _, _ =	vpop (xrf0)  }
0x47: {  	v11 =	vld [tilespmem:s31+$0x0];
	(v2sf) =	vpush v62, $0xF;
	v63, _, _ =	vpop (xrf0)  }
0x48: {  	(v2sf) =	vpush v63, $0xF;
	_ =	sdelay $0x3  }
0x49: {  	s3 =	simm.s32 $0x30;
	(xrf0) =	vmax.scan.msk.f32 $0xffff, v11  }
0x4a: {  	v11 =	vld [tilespmem:s3+$0x0];
	_ =	sdelay $0x3  }
0x4b: {  	s0 =	simm.f32 $-2.000000000e+00;
	s2 =	simm.s32 $0x100  }
.LBB2_4:
0x4c: {  	s3 =	sshra.s32 s2, $0x2;
	p0 =	seq.s32 s2, $0x7C0;
	s2 =	sadd.s32 $0x40, s2;
	(xrf0) =	vmax.scan.msk.f32 $0xffff, v11;
	v12, _, _ =	vpop (xrf0)  }
.Ltmp5:
0x4d: {  	v11 =	vld [tilespmem:s3+$0x0];
	(v2sf) =	vpush v12, $0xF;
	(pc) =	sbr.rel @!p0 .LBB2_4-.Ltmp5, $3  }
0x4e: {  	_ =	sdelay $0x1  }
0x4f: {  	s3 =	spop (v2sf)  }
0x50: {  	s0 =	smax.f32 s0, s3  }
0x51: {  	(xrf0) =	vmax.scan.msk.f32 $0xffff, v11;
	_ =	sdelay $0x4  }
0x52: {  	v11, _, _ =	vpop (xrf0)  }
0x53: {  	(v2sf) =	vpush v11, $0xF;
	v11, _, _ =	vpop (xrf0)  }
0x54: {  	(v2sf) =	vpush v11, $0xF;
	_ =	sdelay $0xb  }
0x55: {  	s2 =	spop (v2sf);
	s28 =	simm.s32 $0x0  }
0x56: {  	s0 =	smax.f32 s0, s2;
	v12 =	vld [tilespmem:s28+$0x0];
	s24 =	spop (v2sf)  }
0x57: {  	s0 =	smax.f32 s0, s24;
	s25 =	spop (v2sf)  }
0x58: {  	s0 =	smax.f32 s0, s25;
	s26 =	spop (v2sf)  }
0x59: {  	s0 =	smax.f32 s0, s26  }
0x5a: {  	v11 =	vmov s0  }
0x5b: {  	vm2 =	veq.f32 v12, v11;
	v12 =	vor.u32 s28, v4  }
0x5c: {  	v12 =	vnsel vm2, $0x80000200, v12  }
0x5d: {  	(xrf0) =	vmin.scan.msk.u32 $0xffff, v12;
	_ =	sdelay $0x4  }
0x5e: {  	s29 =	simm.s32 $0x10  }
0x5f: {  	s3 =	simm.s32 $0x20;
	v13 =	vld [tilespmem:s29+$0x0];
	v12, _, _ =	vpop (xrf0)  }
0x60: {  	(v2sf) =	vpush v12, $0xF;
	v12 =	vld [tilespmem:s3+$0x0];
	_ =	sdelay $0x3  }
0x61: {  	vm2 =	veq.f32 v13, v11;
	v13 =	vor.u32 s29, v4  }
0x62: {  	v13 =	vnsel vm2, $0x80000200, v13;
	vm2 =	veq.f32 v12, v11;
	v12 =	vor.u32 s3, v4  }
0x63: {  	(xrf0) =	vmin.scan.msk.u32 $0xffff, v13;
	v12 =	vnsel vm2, $0x80000200, v12  }
0x64: {  	(xrf0) =	vmin.scan.msk.u32 $0xffff, v12;
	_ =	sdelay $0x3  }
0x65: {  	s30 =	simm.s32 $0x30  }
0x66: {  	v13 =	vld [tilespmem:s30+$0x0];
	v14, _, _ =	vpop (xrf0)  }
0x67: {  	(v2sf) =	vpush v14, $0xF;
	v14, _, _ =	vpop (xrf0)  }
0x68: {  	(v2sf) =	vpush v14, $0xF;
	_ =	sdelay $0x1  }
0x69: {  	s31 =	simm.s32 $0x40  }
0x6a: {  	vm2 =	veq.f32 v13, v11;
	v13 =	vor.u32 s30, v4;
	v12 =	vld [tilespmem:s31+$0x0]  }
0x6b: {  	v13 =	vnsel vm2, $0x80000200, v13  }
0x6c: {  	(xrf0) =	vmin.scan.msk.u32 $0xffff, v13;
	_ =	sdelay $0x1  }
0x6d: {  	s2 =	simm.s32 $0x50  }
0x6e: {  	s0 =	simm.s32 $0x200;
	s3 =	simm.s32 $0x50;
	vm2 =	veq.f32 v12, v11;
	v12 =	vor.u32 s31, v4;
	s4 =	spop (v2sf)  }
.LBB2_6:
0x6f: {  	s5 =	smov.u32 s0;
	p0 =	sne.s32 s2, $0x1F0  }
0x70: {  	v14 =	vnsel vm2, $0x80000200, v12;
	s0 =	sxor.u32 $0x80000000, s4;
	s4 =	smov.u32 s2;
	s2 =	sadd.s32 $0x10, s2;
	v13 =	vld [tilespmem:s3+$0x0]  }
.Ltmp6:
0x71: {  	p1 =	slt.s32 s5, s0;
	(xrf0) =	vmin.scan.msk.u32 $0xffff, v14;
	v12, _, _ =	vpop (xrf0);
	(pc) =	sbr.rel @p0 .LBB2_6-.Ltmp6, $2  }
0x72: {  	s0 =	smov.u32 @p1 s5;
	(v2sf) =	vpush v12, $0xF;
	_ =	sdelay $0x2  }
0x73: {  	s3 =	sadd.s32 $0x10, s3;
	v12 =	vor.u32 s4, v4;
	vm2 =	veq.f32 v13, v11;
	s4 =	spop (v2sf)  }
0x74: {  	v11 =	vnsel vm2, $0x80000200, v12  }
0x75: {  	(xrf0) =	vmin.scan.msk.u32 $0xffff, v11;
	_ =	sdelay $0x3  }
0x76: {  	v11, _, _ =	vpop (xrf0)  }
0x77: {  	(v2sf) =	vpush v11, $0xF  }
0x78: {  	v11, _, _ =	vpop (xrf0)  }
0x79: {  	(v2sf) =	vpush v11, $0xF;
	_ =	sdelay $0x7  }
0x7a: {  	s2 =	sxor.u32 $0x80000000, s4  }
0x7b: {  	s3 =	spop (v2sf);
	p0 =	slt.s32 s0, s2  }
0x7c: {  	s2 =	smov.u32 @p0 s0;
	s0 =	sxor.u32 $0x80000000, s3  }
0x7d: {  	p0 =	slt.s32 s2, s0;
	s20 =	spop (v2sf)  }
0x7e: {  	s0 =	smov.u32 @p0 s2;
	s2 =	sxor.u32 $0x80000000, s20  }
0x7f: {  	p0 =	slt.s32 s0, s2;
	s22 =	spop (v2sf)  }
0x80: {  	s2 =	smov.u32 @p0 s0;
	s0 =	sxor.u32 $0x80000000, s22  }
0x81: {  	p0 =	slt.s32 s2, s0;
	s3 =	spop (v2sf)  }
0x82: {  	s0 =	smov.u32 @p0 s2;
	s28 =	sxor.u32 $0x80000000, s3  }
0x83: {  	p0 =	slt.s32 s0, s28  }
0x84: {  	s28 =	smov.u32 @p0 s0  }
0x85: {  	s4 =	simm.s32 $0x1;
	s23 =	sand.u32 $0xF, s28;
	s24 =	sshra.s32 s28, $0x1F  }
0x86: {  	p0 =	slt.s32 s28, $0x1;
	s22 =	sadd.s32 $0xFFFFFFFC, s28;
	p1 =	sne.s32 s23, $0x0  }
0x87: {  	s25 =	sshrl.u32 s24, $0x1C;
	p2 =	slt.s32 s22, $0x1;
	p0 =	por !p0, !p1  }
0x88: {  	s2 =	sadd.s32 s25, s28;
	p1 =	sgt.s32 s22, $0x0;
	p0 =	por !p0, !p0  }
0x89: {  	s2 =	sshrl.u32 s2, $0x4;
	s22 =	simm.s32 @!p1 $0x0;
	s4 =	simm.s32 @!p0 $0x0  }
0x8a: {  	s23 =	smin.u32 s22, $0x1F3;
	s2 =	ssub.s32 s2, s4  }
0x8b: {  	s26 =	sand.u32 $0x7, s23;
	s2 =	sshll.u32 s2, $0x4  }
0x8c: {  	p6 =	sne.s32 s26, $0x0;
	v11 =	vld [tilespmem:s2+$0x200]  }
0x8d: {  	p0 =	por !p2, !p6  }
0x8e: {  	s4 =	simm.s32 $0xFFFFFFFF;
	s2 =	ssub.s32 s28, s2;
	p0 =	por !p0, !p0  }
0x8f: {  	v63 =	vmov s2;
	s4 =	simm.s32 @!p0 $0x0  }
0x90: {  	vm2 =	veq.s32 v63, v2;
	s29 =	sshll.u32 s4, $0x3  }
0x91: {  	s2 =	sadd.s32 s23, s29;
	v11 =	vnsel vm2, $0x0, v11  }
0x92: {  	s12 =	sand.u32 $0xFFFFFFF8, s2;
	(xrf0) =	vadd.scan.msk.s32 $0xffff, v11  }
0x93: {  	p0 =	slt.s32 s12, $0x1E8  }
0x94: {  	s30 =	rddreg [dreg:$0x3];
	s12 =	simm.s32 @!p0 $0x1E8  }
0x95: {  	s2 =	sadd.s32 s30, s12  }
0x96: {  	p0 =	seq.s32 s21, $0x0;
	s2 =	sshll.u32 s2, $0x6  }
.Ltmp7:
0x97: {  	s31 =	simm.s32 $0x0;
	s2 =	sadd.s32 s1, s2;
	(pc) =	sbr.rel @p0 .LBB2_14-.Ltmp7, $4  }
0x98: {  	[tilespmem:s14], [sflag:$0x1] =	stream.linear.gather [hbm4b:s2+s31], $0x3000, $0x38;
	v11, _, _ =	vpop (xrf0);
	[tilespmem:$0x7B80] =	vst v63  }
0x99: {  	_ =	swait.ge [sflag:s11], $0x3000  }
0x9a: {  	[sflag:s11] =	ssyncset.done $0x0  }
0x9b: {  	[sflag:s11] =	ssyncadd.s32 $0xFFFFD000  }
.Ltmp8:
0x9c: {  	(pc) =	sbr.rel .LBB2_9-.Ltmp8, $2  }
0x9d: {  	_ =	sdelay $0x2  }
0x9e: {  	s5 =	sadd.s32 $0x18, s12;
	s13 =	ssub.s32 $0x0, s12;
	s19 =	simm.s32 $0x0  }
.LBB2_13:
0x9f: {  	s19 =	sadd.s32 $0x1, s19  }
0xa0: {  	p1 =	seq.s32 s19, s21  }
.Ltmp9:
0xa1: {  	_ = 	snop;
	(pc) =	sbr.rel @p1 .LBB2_14-.Ltmp9, $1  }
0xa2: {  	_ =	sdelay $0x3  }
.LBB2_9:
0xa3: {  	s2 =	sand.u32 $0x7FFFFFF0, s19  }
0xa4: {  	v12 =	vld [tilespmem:s2+$0x7680];
	_ =	sdelay $0x2  }
0xa5: {  	v13 =	vmov s19  }
0xa6: {  	vm2 =	veq.s32 v13, v2  }
0xa7: {  	v12 =	vnsel vm2, $0x0, v12  }
0xa8: {  	(xrf0) =	vadd.scan.msk.s32 $0xffff, v12;
	_ =	sdelay $0x5  }
0xa9: {  	v12, _, _ =	vpop (xrf0)  }
0xaa: {  	(v2sf) =	vpush v12, $0xF;
	_ =	sdelay $0xe  }
0xab: {  	s6 =	spop (v2sf)  }
0xac: {  	p1 =	sgt.s32 s6, $0x7FFFFFFA  }
.Ltmp10:
0xad: {  	_ = 	snop;
	(pc) =	sbr.rel @p1 .LBB2_13-.Ltmp10, $1  }
0xae: {  	_ =	sdelay $0x3  }
0xaf: {  	v12 =	vld [tilespmem:s2+$0x7700];
	_ =	sdelay $0x4  }
0xb0: {  	v12 =	vnsel vm2, $0x0, v12  }
0xb1: {  	(xrf0) =	vadd.scan.msk.s32 $0xffff, v12;
	_ =	sdelay $0x5  }
0xb2: {  	s2 =	sadd.s32 $0x0, s6;
	v12, _, _ =	vpop (xrf0)  }
0xb3: {  	p1 =	slt.s32 s2, s12;
	v12 =	vbroadcast v12, $0xF  }
0xb4: {  	p2 =	sge.s32 @!p1 s2, s5  }
0xb5: {  	s8 =	sadd.s32 s6, s13;
	p1 =	por p2, p1;
	v12 =	vadd.s32 v2, v12  }
0xb6: {  	s4 =	sadd.s32 @!p1 $0x0, s8;
	vm2 =	vlt.s32 v12, $0x1FF  }
0xb7: {  	p2 =	por p1, p1;
	v14 =	vmov @!p1 s4;
	v13 =	vnsel vm2, $0x1FF, v12  }
0xb8: {  	s2 =	sadd.s32 $0x1, s6;
	v15 =	vshll.u32 @!p2 v14, $0x9;
	v12 =	vshll.u32 v13, $0x3  }
0xb9: {  	p3 =	slt.s32 s2, s12;
	v14 =	vshll.u32 @!p2 v14, $0x7;
	v15 =	vand.u32 @!p2 $0xFFFFF000, v15;
	v12 =	vand.u32 $0xFFFFFC00, v12  }
0xba: {  	p1 =	sge.s32 @!p3 s2, s5;
	v14 =	vand.u32 @!p2 $0x380, v14;
	v15 =	vadd.s32 @!p2 v12, v15  }
0xbb: {  	p1 =	por p1, p3;
	v13 =	vand.u32 $0x7F, v13;
	v14 =	vor.u32 @!p2 v14, v15  }
0xbc: {  	s2 =	sadd.s32 @!p1 $0x1, s8;
	v14 =	vor.u32 @!p2 v13, v14  }
0xbd: {  	v16 =	vmov @!p1 s2;
	p1 =	por p1, p1  }
0xbe: {  	s4 =	sadd.s32 $0x2, s6;
	v15 =	vshll.u32 @!p1 v16, $0x9  }
0xbf: {  	s9 =	simm.s32 $0x2;
	p4 =	slt.s32 s4, s12;
	v16 =	vshll.u32 @!p1 v16, $0x7;
	p2 =	por p2, p2;
	v15 =	vand.u32 @!p1 $0xFFFFF000, v15  }
0xc0: {  	p5 =	sge.s32 @!p4 s4, s5;
	s2 =	simm.s32 $0x3;
	v16 =	vand.u32 @!p1 $0x380, v16;
	v17 =	vadd.s32 @!p1 v12, v15;
	v15 =	vimm.f32 @!p2 $0.0e+00;
	s4 =	simm.s32 @!p2 $0x600  }
.LBB2_11:
0xc1: {  	[tilespmem:v14+s4+$0x0] =	vst.idx.msk @!p2 $0x1f, v15;
	s4 =	smov.u32 s2;
	s2 =	sadd.s32 $0x1, s2  }
0xc2: {  	p4 =	por p5, p4;
	v16 =	vor.u32 @!p1 v16, v17;
	p3 =	sne.s32 s2, $0x5  }
.Ltmp11:
0xc3: {  	s9 =	sadd.s32 @!p4 s9, s8;
	v14 =	vor.u32 @!p1 v13, v16;
	(pc) =	sbr.rel @p3 .LBB2_11-.Ltmp11, $4  }
0xc4: {  	p2 =	por p1, p1;
	p1 =	por p4, p4;
	v15 =	vmov @!p4 s9;
	s9 =	smov.u32 s4  }
0xc5: {  	s4 =	sadd.s32 s9, s6;
	v16 =	vshll.u32 @!p1 v15, $0x9;
	v15 =	vshll.u32 @!p1 v15, $0x7  }
0xc6: {  	p4 =	slt.s32 s4, s12;
	v17 =	vand.u32 @!p1 $0xFFFFF000, v16;
	v16 =	vand.u32 @!p1 $0x380, v15  }
0xc7: {  	v15 =	vimm.f32 @!p2 $0.0e+00;
	p5 =	sge.s32 @!p4 s4, s5;
	v17 =	vadd.s32 @!p1 v12, v17;
	s4 =	simm.s32 @!p2 $0x600  }
0xc8: {  	p3 =	por p5, p4  }
0xc9: {  	s2 =	sadd.s32 @!p3 s9, s8  }
0xca: {  	v18 =	vmov @!p3 s2;
	p3 =	por p3, p3  }
0xcb: {  	v19 =	vshll.u32 @!p3 v18, $0x9  }
0xcc: {  	v18 =	vshll.u32 @!p3 v18, $0x7;
	v19 =	vand.u32 @!p3 $0xFFFFF000, v19  }
0xcd: {  	v16 =	vor.u32 @!p1 v16, v17;
	v17 =	vand.u32 @!p3 $0x380, v18;
	v12 =	vadd.s32 @!p3 v12, v19  }
0xce: {  	v16 =	vor.u32 @!p1 v13, v16;
	v12 =	vor.u32 @!p3 v17, v12  }
0xcf: {  	v12 =	vor.u32 @!p3 v13, v12  }
.Ltmp12:
0xd0: {  	_ = 	snop;
	(pc) =	sbr.rel .LBB2_13-.Ltmp12, $4  }
0xd1: {  	p1 =	por p1, p1  }
0xd2: {  	[tilespmem:v14+s4+$0x0] =	vst.idx.msk @!p2 $0x1f, v15;
	s2 =	simm.s32 @!p1 $0x600;
	p2 =	por p3, p3;
	v13 =	vimm.f32 @!p1 $0.0e+00  }
0xd3: {  	[tilespmem:v16+s2+$0x0] =	vst.idx.msk @!p1 $0x1f, v13;
	v13 =	vimm.f32 @!p2 $0.0e+00;
	s2 =	simm.s32 @!p2 $0x600  }
0xd4: {  	[tilespmem:v12+s2+$0x0] =	vst.idx.msk @!p2 $0x1f, v13  }
.LBB2_14:
0xd5: {  	s2 =	sadd.s32 $0x80000000, s3  }
0xd6: {  	v11 =	vbroadcast v11, $0xF;
	p1 =	slt.s32 s0, s2  }
0xd7: {  	s2 =	smov.u32 @p1 s0  }
0xd8: {  	v12 =	vadd.s32 v2, v11;
	s5 =	ssub.s32 s2, s12  }
0xd9: {  	vm2 =	vlt.s32 v12, $0x1FF;
	s2 =	sadd.s32 $0x0, s5  }
0xda: {  	v12 =	vnsel vm2, $0x1FF, v12;
	v14 =	vmov s2  }
0xdb: {  	v13 =	vshll.u32 v12, $0x3;
	v15 =	vshll.u32 v14, $0x9  }
0xdc: {  	v13 =	vand.u32 $0xFFFFFC00, v13;
	v14 =	vshll.u32 v14, $0x7;
	v15 =	vand.u32 $0xFFFFF000, v15  }
0xdd: {  	v14 =	vand.u32 $0x380, v14;
	v15 =	vadd.s32 v13, v15  }
0xde: {  	v12 =	vand.u32 $0x7F, v12;
	v14 =	vor.u32 v14, v15  }
0xdf: {  	v14 =	vor.u32 v12, v14;
	_ =	sdelay $0x4  }
0xe0: {  	v14 =	vld.idx.msk [tilespmem:v14+s14+$0x0], $0xffff;
	_ =	sdelay $0x4  }
0xe1: {  	s31 =	sadd.s32 $0x1, s5;
	v15 =	vnsel vm0, $0x0, v14  }
0xe2: {  	(xrf2) =	vadd.scan.msk.f32 $0xffff, v15;
	v15 =	vmov s31  }
0xe3: {  	v14 =	vnsel vm0, $0xBF800000, v14;
	v16 =	vshll.u32 v15, $0x9  }
0xe4: {  	(xrf0) =	vmax.scan.msk.f32 $0xffff, v14;
	v15 =	vshll.u32 v15, $0x7;
	v16 =	vand.u32 $0xFFFFF000, v16  }
0xe5: {  	v15 =	vand.u32 $0x380, v15;
	v14 =	vadd.s32 v13, v16  }
0xe6: {  	v14 =	vor.u32 v15, v14  }
0xe7: {  	v14 =	vor.u32 v12, v14;
	_ =	sdelay $0x2  }
0xe8: {  	v15, _, _ =	vpop (xrf0)  }
0xe9: {  	(v2sf) =	vpush v15, $0xF  }
0xea: {  	v14 =	vld.idx.msk [tilespmem:v14+s14+$0x0], $0xffff  }
0xeb: {  	v15, _, _ =	vpop (xrf2)  }
0xec: {  	s29 =	ssub.s32 s23, s12;
	s30 =	ssub.s32 s28, s12;
	s3 =	simm.f32 $0.0e+00;
	(v2sf) =	vpush v15, $0xF  }
0xed: {  	s6 =	simm.s32 $0x3;
	s0 =	simm.f32 $-1.000000000e+00;
	s2 =	sadd.s32 $0x2, s5  }
.LBB2_15:
0xee: {  	p1 =	seq.s32 s6, $0x4;
	v15 =	vmov s2  }
0xef: {  	v17 =	vnsel vm0, $0xBF800000, v14;
	v14 =	vnsel vm0, $0x0, v14;
	v16 =	vshll.u32 v15, $0x9  }
0xf0: {  	v15 =	vshll.u32 v15, $0x7;
	v16 =	vand.u32 $0xFFFFF000, v16;
	(xrf2) =	vadd.scan.msk.f32 $0xffff, v14  }
0xf1: {  	v15 =	vand.u32 $0x380, v15;
	v14 =	vadd.s32 v13, v16;
	(xrf0) =	vmax.scan.msk.f32 $0xffff, v17  }
0xf2: {  	v14 =	vor.u32 v15, v14  }
0xf3: {  	v14 =	vor.u32 v12, v14;
	_ =	sdelay $0x3  }
0xf4: {  	v15, _, _ =	vpop (xrf0)  }
.Ltmp13:
0xf5: {  	v14 =	vld.idx.msk [tilespmem:v14+s14+$0x0], $0xffff;
	(v2sf) =	vpush v15, $0xF;
	s2 =	spop (v2sf);
	(pc) =	sbr.rel @!p1 .LBB2_15-.Ltmp13, $4  }
0xf6: {  	s0 =	smax.f32 s0, s2  }
0xf7: {  	v15, _, _ =	vpop (xrf2)  }
0xf8: {  	(v2sf) =	vpush v15, $0xF;
	s4 =	spop (v2sf)  }
0xf9: {  	s2 =	sadd.s32 s6, s5;
	s6 =	sadd.s32 $0x1, s6;
	s3 =	sadd.f32 s4, s3  }
0xfa: {  	v15 =	vmov s2  }
0xfb: {  	v16 =	vshll.u32 v15, $0x9  }
0xfc: {  	v15 =	vshll.u32 v15, $0x7;
	v16 =	vand.u32 $0xFFFFF000, v16  }
0xfd: {  	v15 =	vand.u32 $0x380, v15;
	v16 =	vadd.s32 v13, v16  }
0xfe: {  	v15 =	vor.u32 v15, v16  }
0xff: {  	v15 =	vor.u32 v12, v15;
	_ =	sdelay $0x4  }
0x100: {  	v15 =	vld.idx.msk [tilespmem:v15+s14+$0x0], $0xffff;
	_ =	sdelay $0x1  }
0x101: {  	v62 =	vnsel vm0, $0x0, v14  }
0x102: {  	(xrf2) =	vadd.scan.msk.f32 $0xffff, v62  }
0x103: {  	v14 =	vnsel vm0, $0xBF800000, v14  }
0x104: {  	(xrf0) =	vmax.scan.msk.f32 $0xffff, v14;
	v63 =	vnsel vm0, $0x0, v15  }
0x105: {  	(xrf2) =	vadd.scan.msk.f32 $0xffff, v63;
	_ =	sdelay $0x1  }
0x106: {  	v14 =	vnsel vm0, $0xBF800000, v15  }
0x107: {  	(xrf0) =	vmax.scan.msk.f32 $0xffff, v14;
	_ =	sdelay $0x2  }
0x108: {  	v14, _, _ =	vpop (xrf0)  }
0x109: {  	v15, _, _ =	vpop (xrf2);
	(v2sf) =	vpush v14, $0xF  }
0x10a: {  	(v2sf) =	vpush v15, $0xF  }
0x10b: {  	v14, _, _ =	vpop (xrf0)  }
0x10c: {  	(v2sf) =	vpush v14, $0xF;
	v14, _, _ =	vpop (xrf2)  }
0x10d: {  	(v2sf) =	vpush v14, $0xF;
	_ =	sdelay $0x8  }
0x10e: {  	s20 =	spop (v2sf)  }
0x10f: {  	s4 =	spop (v2sf)  }
0x110: {  	s3 =	sadd.f32 s4, s3;
	s24 =	spop (v2sf)  }
0x111: {  	s25 =	spop (v2sf)  }
0x112: {  	s2 =	sadd.f32 s25, s3  }
.Ltmp14:
0x113: {  	s26 =	spop (v2sf);
	(pc) =	sbr.rel .LBB2_17-.Ltmp14, $4  }
0x114: {  	s0 =	smax.f32 s0, s20;
	s31 =	spop (v2sf)  }
0x115: {  	s0 =	smax.f32 s0, s24;
	s2 =	sadd.f32 s31, s2  }
0x116: {  	s25 =	simm.s32 $0x0;
	s0 =	smax.f32 s0, s26  }
0x117: {  	s26 =	simm.s32 $0x0;
	v14 =	vmov s0;
	[dreg:$0xa] =	wrdreg s2;
	s2 =	simm.s32 $0x0  }
.LBB2_35:
0x118: {  	p1 =	sgt.s32 s0, $0x1;
	s2 =	smov.u32 s0  }
0x119: {  	s2 =	simm.s32 @!p1 $0x1  }
0x11a: {  	s2 =	sadd.s32 $0xFFFFFFFF, s2  }
0x11b: {  	s3 =	sand.u32 $0xF, s2  }
0x11c: {  	p4 =	slt.s32 s0, $0x2;
	p2 =	sne.s32 s3, $0x0  }
0x11d: {  	p1 =	por !p4, !p2  }
0x11e: {  	s3 =	simm.s32 $0xFFFFFFFF;
	p1 =	por !p1, !p1  }
0x11f: {  	s3 =	simm.s32 @!p1 $0x0  }
0x120: {  	s3 =	sshll.u32 s3, $0x4  }
0x121: {  	s3 =	sadd.s32 s2, s3  }
0x122: {  	s3 =	sand.u32 $0xFFFFFFF0, s3  }
0x123: {  	v15 =	vld [tilespmem:s3+$0x7600];
	_ =	sdelay $0x1  }
0x124: {  	s2 =	ssub.s32 s2, s3  }
0x125: {  	v16 =	vmov s2  }
0x126: {  	vm2 =	veq.s32 v16, v2  }
0x127: {  	v15 =	vnsel vm2, $0x0, v15  }
0x128: {  	(xrf0) =	vadd.scan.msk.s32 $0xffff, v15;
	_ =	sdelay $0x5  }
0x129: {  	v15, _, _ =	vpop (xrf0)  }
0x12a: {  	(v2sf) =	vpush v15, $0xF;
	_ =	sdelay $0xe  }
0x12b: {  	s31 =	spop (v2sf)  }
0x12c: {  	s2 =	sadd.s32 $0x1, s31  }
0x12d: {  	p5 =	slt.s32 s0, $0x1;
	p6 =	sgt.s32 s2, $0x1FF  }
0x12e: {  	p1 =	por p5, p6  }
0x12f: {  	p1 =	por p3, p1  }
.Ltmp15:
0x130: {  	_ = 	snop;
	(pc) =	sbr.rel @p1 .LBB2_36-.Ltmp15, $1  }
0x131: {  	_ =	sdelay $0x3  }
.LBB2_17:
.Ltmp16:
0x132: {  	(pc) =	sbr.rel .LBB2_18-.Ltmp16, $2  }
0x133: {  	_ =	sdelay $0x2  }
0x134: {  	[tilespmem:$0x7600] =	vst v5;
	v15 =	vmov s2;
	s0 =	simm.s32 $0x0;
	s3 =	simm.s32 $0x0  }
.LBB2_19:
0x135: {  	s0 =	smov.u32 @p1 s0  }
.LBB2_23:
0x136: {  	s3 =	sadd.s32 $0x1, s3  }
0x137: {  	p1 =	sne.s32 s3, $0x20  }
.Ltmp17:
0x138: {  	_ = 	snop;
	(pc) =	sbr.rel @!p1 .LBB2_24-.Ltmp17, $1  }
0x139: {  	_ =	sdelay $0x3  }
.LBB2_18:
0x13a: {  	s2 =	sshll.u32 s3, $0x4  }
0x13b: {  	v17 =	vld [tilespmem:s2+$0x400];
	_ =	sdelay $0x3  }
0x13c: {  	v16 =	vor.u32 s2, v2  }
0x13d: {  	vm3 =	vge.s32 v16, v15;
	vm2 =	vge.f32 v17, v14  }
0x13e: {  	vm2 =	vmand vm3, vm2  }
0x13f: {  	v17 =	vsel vm2, $0x1, v6  }
0x140: {  	(xrf0) =	vadd.scan.msk.s32 $0xffff, v17;
	_ =	sdelay $0x5  }
0x141: {  	v17, _, _ =	vpop (xrf0)  }
0x142: {  	(v2sf) =	vpush v17, $0xF;
	_ =	sdelay $0xe  }
0x143: {  	p1 =	sgt.s32 s0, $0xF;
	s4 =	spop (v2sf)  }
0x144: {  	p2 =	slt.s32 @!p1 s4, $0x1  }
0x145: {  	p2 =	por p1, p2  }
.Ltmp18:
0x146: {  	_ = 	snop;
	(pc) =	sbr.rel @p2 .LBB2_19-.Ltmp18, $1  }
0x147: {  	_ =	sdelay $0x3  }
0x148: {  	v17 =	vmov s2  }
0x149: {  	v17 =	vor.u32 v4, v17  }
.LBB2_21:
0x14a: {  	v18 =	vnsel vm2, $0x80000200, v17  }
0x14b: {  	(xrf0) =	vmin.scan.msk.u32 $0xffff, v18;
	_ =	sdelay $0x5  }
0x14c: {  	v18, _, _ =	vpop (xrf0)  }
0x14d: {  	(v2sf) =	vpush v18, $0xF;
	_ =	sdelay $0xe  }
0x14e: {  	s2 =	spop (v2sf)  }
0x14f: {  	s2 =	sxor.u32 $0x80000000, s2  }
0x150: {  	vm3 =	vgt.s32 v16, s2  }
0x151: {  	vm2 =	vmand vm2, vm3  }
0x152: {  	v18 =	vsel vm2, $0x1, v6  }
0x153: {  	(xrf0) =	vadd.scan.msk.s32 $0xffff, v18;
	_ =	sdelay $0x5  }
0x154: {  	v18, _, _ =	vpop (xrf0)  }
0x155: {  	(v2sf) =	vpush v18, $0xF;
	_ =	sdelay $0x8  }
0x156: {  	s4 =	sand.u32 $0xF, s0  }
0x157: {  	s5 =	sshra.s32 s0, $0x1F;
	p1 =	slt.s32 s0, $0x1;
	p2 =	sne.s32 s4, $0x0  }
0x158: {  	s24 =	sshrl.u32 s5, $0x1C;
	p1 =	por !p1, !p2  }
0x159: {  	s5 =	simm.s32 $0x1;
	s4 =	sadd.s32 s24, s0;
	p1 =	por !p1, !p1  }
0x15a: {  	s4 =	sshrl.u32 s4, $0x4;
	s5 =	simm.s32 @!p1 $0x0  }
0x15b: {  	s4 =	ssub.s32 s4, s5  }
0x15c: {  	p1 =	sgt.s32 s0, $0xE;
	s4 =	sshll.u32 s4, $0x4;
	s5 =	spop (v2sf)  }
0x15d: {  	v18 =	vld [tilespmem:s4+$0x7600];
	p2 =	sgt.s32 @!p1 s5, $0x0  }
0x15e: {  	p2 =	por p1, !p2  }
.Ltmp19:
0x15f: {  	s31 =	ssub.s32 s0, s4;
	(pc) =	sbr.rel @!p2 .LBB2_21-.Ltmp19, $4  }
0x160: {  	v19 =	vmov s31  }
0x161: {  	vm3 =	veq.s32 v19, v2  }
0x162: {  	v18 =	vsel vm3, s2, v18  }
0x163: {  	s0 =	sadd.s32 $0x1, s0;
	[tilespmem:s4+$0x7600] =	vst v18  }
.Ltmp20:
0x164: {  	(pc) =	sbr.rel .LBB2_23-.Ltmp20, $2  }
0x165: {  	_ =	sdelay $0x2  }
0x166: {  	s0 =	smov.u32 @p1 s0  }
.LBB2_24:
0x167: {  	v15 =	vld [tilespmem:$0x7600];
	_ =	sdelay $0x4  }
0x168: {  	vm2 =	vlt.s32 v15, $0x200  }
0x169: {  	v15 =	vnsel vm2, $0x0, v15  }
0x16a: {  	v16 =	vadd.s32 v1, v15  }
0x16b: {  	v16 =	vshll.u32 v16, $0x2  }
0x16c: {  	v15 =	vand.u32 $0x7, v15;
	v16 =	vand.u32 $0xFFFFFFE0, v16  }
0x16d: {  	v15 =	vor.u32 v15, v16  }
0x16e: {  	v16 =	vperm.xlane v15, v7;
	_ =	sdelay $0x1  }
0x16f: {  	v16 =	vadd.s32 v8, v16;
	_ =	sdelay $0x1  }
0x170: {  	v15 =	vperm.xlane v15, v9;
	_ =	sdelay $0x1  }
0x171: {  	s3 =	simm.s32 $0x0;
	v15 =	vadd.s32 v8, v15  }
0x172: {  	[tilespmem:s15], [sflag:$0x1] =	stream.indirect_vreg.gather [hbm4b:s1+s3], $0x80, v16, vm1, $0xb8;
	[tilespmem:$0x7B80] =	vst v63  }
0x173: {  	_ = 	snop  }
0x174: {  	[tilespmem:s16], [sflag:$0x1] =	stream.indirect_vreg.gather [hbm4b:s7+s3], $0x80, v16, vm1, $0xb8;
	[tilespmem:$0x7B80] =	vst v63  }
0x175: {  	_ = 	snop  }
0x176: {  	[tilespmem:s17], [sflag:$0x1] =	stream.indirect_vreg.gather [hbm4b:s1+s3], $0x80, v15, vm1, $0xb8;
	[tilespmem:$0x7B80] =	vst v63  }
.Ltmp21:
0x177: {  	_ = 	snop;
	(pc) =	sbr.rel .LBB2_25-.Ltmp21, $4  }
0x178: {  	[tilespmem:s18], [sflag:$0x1] =	stream.indirect_vreg.gather [hbm4b:s7+s3], $0x80, v15, vm1, $0xb8;
	[tilespmem:$0x7B80] =	vst v63  }
0x179: {  	_ =	swait.ge [sflag:s11], $0x2000  }
0x17a: {  	[sflag:s11] =	ssyncset.done $0x0  }
0x17b: {  	p3 =	por $0x0, $0x0;
	[sflag:s11] =	ssyncadd.s32 $0xFFFFE000  }
.LBB2_26:
0x17c: {  	p4 =	por p3, p3  }
0x17d: {  	s2 =	smov.u32 s26;
	s4 =	smov.u32 s25;
	p4 =	por @!p1 p3, p3  }
0x17e: {  	s2 =	smov.u32 @p1 s26;
	s4 =	smov.u32 @p1 s25;
	p4 =	por @!p2 p3, p3  }
0x17f: {  	s26 =	smov.u32 @p2 s2;
	s25 =	smov.u32 @p2 s4;
	p3 =	por p4, p4  }
.LBB2_34:
0x180: {  	s3 =	sadd.s32 $0x1, s3  }
0x181: {  	p1 =	sne.s32 s3, $0x10  }
.Ltmp22:
0x182: {  	_ = 	snop;
	(pc) =	sbr.rel @!p1 .LBB2_35-.Ltmp22, $1  }
0x183: {  	_ =	sdelay $0x3  }
.LBB2_25:
0x184: {  	v16 =	vld [tilespmem:$0x7600];
	_ =	sdelay $0x2  }
0x185: {  	v15 =	vmov s3  }
0x186: {  	vm2 =	veq.s32 v15, v2  }
0x187: {  	v16 =	vnsel vm2, $0x0, v16  }
0x188: {  	(xrf0) =	vadd.scan.msk.s32 $0xffff, v16;
	_ =	sdelay $0x5  }
0x189: {  	v16, _, _ =	vpop (xrf0)  }
0x18a: {  	(v2sf) =	vpush v16, $0xF;
	_ =	sdelay $0xa  }
0x18b: {  	p1 =	sge.s32 s3, s0  }
0x18c: {  	s2 =	simm.s32 @!p1 $0x1;
	p2 =	por !p3, p1  }
0x18d: {  	s2 =	simm.s32 @p2 $0x0  }
0x18e: {  	p2 =	seq.s32 @!p1 s2, $0x1  }
0x18f: {  	p2 =	por p1, p2;
	s12 =	spop (v2sf)  }
0x190: {  	p4 =	sgt.s32 @!p2 s12, $0x1FF  }
0x191: {  	p4 =	por p2, p4  }
.Ltmp23:
0x192: {  	_ = 	snop;
	(pc) =	sbr.rel @p4 .LBB2_26-.Ltmp23, $1  }
0x193: {  	_ =	sdelay $0x3  }
.Ltmp24:
0x194: {  	(pc) =	sbr.rel @p0 .LBB2_31-.Ltmp24, $1  }
0x195: {  	_ =	sdelay $0x3  }
0x196: {  	v16 =	vshll.u32 v15, $0x9;
	v15 =	vshll.u32 v15, $0x7;
	s2 =	simm.s32 $0x0  }
0x197: {  	v16 =	vand.u32 $0x1000, v16;
	v15 =	vand.u32 $0x380, v15;
	s4 =	sand.u32 $0x7FFFFFF0, s2  }
0x198: {  	v15 =	vor.u32 v15, v16;
	v16 =	vld [tilespmem:s4+$0x7680];
	_ =	sdelay $0x2  }
0x199: {  	v17 =	vmov s2  }
0x19a: {  	vm2 =	veq.s32 v17, v2  }
0x19b: {  	v16 =	vnsel vm2, $0x0, v16  }
0x19c: {  	(xrf0) =	vadd.scan.msk.s32 $0xffff, v16;
	_ =	sdelay $0x5  }
0x19d: {  	v16, _, _ =	vpop (xrf0)  }
0x19e: {  	(v2sf) =	vpush v16, $0xF;
	_ =	sdelay $0xe  }
0x19f: {  	s31 =	spop (v2sf)  }
0x1a0: {  	p1 =	slt.s32 s12, s31;
	s2 =	sadd.s32 $0x5, s31  }
0x1a1: {  	p2 =	sge.s32 @!p1 s12, s2  }
0x1a2: {  	p2 =	por p2, p1  }
0x1a3: {  	v16 =	vld @!p2 [tilespmem:s4+$0x7700];
	_ =	sdelay $0x2  }
0x1a4: {  	v18 =	vlaneseq.u32 @!p2  }
0x1a5: {  	vm2 =	veq.s32 @!p2 v17, v18  }
0x1a6: {  	v16 =	vnsel @!p2 vm2, $0x0, v16  }
0x1a7: {  	(xrf0) =	vadd.scan.msk.s32 @!p2 $0xffff, v16;
	_ =	sdelay $0x5  }
0x1a8: {  	v16, _, _ =	vpop @!p2 (xrf0)  }
0x1a9: {  	v16 =	vbroadcast @!p2 v16, $0xF;
	_ =	sdelay $0x1  }
0x1aa: {  	v16 =	vadd.s32 @!p2 v18, v16  }
0x1ab: {  	vm2 =	vlt.s32 @!p2 v16, $0x1FF  }
0x1ac: {  	v16 =	vnsel @!p2 vm2, $0x1FF, v16  }
0x1ad: {  	v17 =	vshll.u32 @!p2 v16, $0x3  }
0x1ae: {  	v17 =	vand.u32 @!p2 $0xFFFFFC00, v17  }
0x1af: {  	p1 =	seq.s32 s21, $0x1;
	v16 =	vand.u32 @!p2 $0x7F, v16;
	v17 =	vadd.s32 @!p2 v15, v17  }
.Ltmp25:
0x1b0: {  	v16 =	vor.u32 @!p2 v16, v17;
	(pc) =	sbr.rel @p1 .LBB2_30-.Ltmp25, $2  }
0x1b1: {  	_ =	sdelay $0x2  }
0x1b2: {  	s5 =	simm.s32 $0x1;
	s2 =	simm.s32 @!p2 $0x5600;
	v17 =	vimm.f32 @!p2 $0.0e+00  }
.LBB2_29:
0x1b3: {  	s4 =	sand.u32 $0x7FFFFFF0, s5;
	[tilespmem:v16+s2+$0x0] =	vst.idx.msk @!p2 $0x1f, v17;
	s2 =	smov.u32 s5;
	s5 =	sadd.s32 $0x1, s5  }
0x1b4: {  	v16 =	vld [tilespmem:s4+$0x7680];
	p1 =	seq.s32 s21, s5;
	_ =	sdelay $0x2  }
0x1b5: {  	v17 =	vmov s2  }
0x1b6: {  	vm2 =	veq.s32 v17, v2  }
0x1b7: {  	v16 =	vnsel vm2, $0x0, v16  }
0x1b8: {  	(xrf0) =	vadd.scan.msk.s32 $0xffff, v16;
	_ =	sdelay $0x5  }
0x1b9: {  	v16, _, _ =	vpop (xrf0)  }
0x1ba: {  	(v2sf) =	vpush v16, $0xF;
	_ =	sdelay $0xe  }
0x1bb: {  	s2 =	spop (v2sf)  }
0x1bc: {  	p2 =	slt.s32 s12, s2;
	s2 =	sadd.s32 $0x5, s2  }
0x1bd: {  	p3 =	sge.s32 @!p2 s12, s2  }
0x1be: {  	p2 =	por p3, p2  }
0x1bf: {  	v16 =	vld @!p2 [tilespmem:s4+$0x7700];
	_ =	sdelay $0x2  }
0x1c0: {  	v18 =	vlaneseq.u32 @!p2  }
0x1c1: {  	vm2 =	veq.s32 @!p2 v17, v18  }
0x1c2: {  	v16 =	vnsel @!p2 vm2, $0x0, v16  }
0x1c3: {  	(xrf0) =	vadd.scan.msk.s32 @!p2 $0xffff, v16;
	_ =	sdelay $0x5  }
0x1c4: {  	v16, _, _ =	vpop @!p2 (xrf0)  }
0x1c5: {  	v16 =	vbroadcast @!p2 v16, $0xF;
	_ =	sdelay $0x1  }
0x1c6: {  	v16 =	vadd.s32 @!p2 v18, v16  }
0x1c7: {  	vm2 =	vlt.s32 @!p2 v16, $0x1FF  }
0x1c8: {  	v16 =	vnsel @!p2 vm2, $0x1FF, v16  }
0x1c9: {  	v17 =	vshll.u32 @!p2 v16, $0x3  }
0x1ca: {  	v17 =	vand.u32 @!p2 $0xFFFFFC00, v17  }
0x1cb: {  	v16 =	vand.u32 @!p2 $0x7F, v16;
	v17 =	vadd.s32 @!p2 v15, v17  }
.Ltmp26:
0x1cc: {  	v16 =	vor.u32 @!p2 v16, v17;
	(pc) =	sbr.rel @!p1 .LBB2_29-.Ltmp26, $2  }
0x1cd: {  	_ =	sdelay $0x2  }
0x1ce: {  	s2 =	simm.s32 @!p2 $0x5600;
	v17 =	vimm.f32 @!p2 $0.0e+00  }
.LBB2_30:
0x1cf: {  	_ =	sdelay $0x3  }
0x1d0: {  	[tilespmem:v16+s2+$0x0] =	vst.idx.msk @!p2 $0x1f, v17  }
.LBB2_31:
0x1d1: {  	s2 =	sshll.u32 s3, $0x9;
	s4 =	sshll.u32 s3, $0x7  }
0x1d2: {  	s2 =	sand.u32 $0x1000, s2;
	s4 =	sand.u32 $0x380, s4  }
0x1d3: {  	p1 =	por $0x0, $0x0;
	s5 =	simm.s32 $0x0;
	s2 =	sor.u32 s4, s2  }
0x1d4: {  	s6 =	sadd.s32 $0x5600, s2;
	s2 =	sand.u32 @!p1 $0xC00, s5  }
0x1d5: {  	s4 =	sand.u32 @!p1 $0x70, s5;
	s2 =	sadd.s32 @!p1 s2, s6  }
0x1d6: {  	s2 =	sadd.s32 @!p1 s4, s2  }
0x1d7: {  	v15 =	vld @!p1 [tilespmem:s2+$0x0];
	_ =	sdelay $0x3  }
0x1d8: {  	v16 =	vlaneseq.u32 @!p1  }
0x1d9: {  	vm2 =	veq.f32 @!p1 v15, v14;
	v15 =	vor.u32 @!p1 $0x80000000, v16  }
0x1da: {  	v15 =	vnsel @!p1 vm2, $0x80000010, v15  }
0x1db: {  	(xrf0) =	vmin.scan.msk.u32 @!p1 $0xffff, v15;
	_ =	sdelay $0x5  }
0x1dc: {  	v15, _, _ =	vpop @!p1 (xrf0)  }
0x1dd: {  	(v2sf) =	vpush @!p1 v15, $0xF;
	_ =	sdelay $0xe  }
0x1de: {  	s8 =	simm.s32 $0x10;
	s9 =	simm.s32 $0x80;
	s4 =	spop @!p1 (v2sf)  }
0x1df: {  	p2 =	por p1, p1;
	s2 =	sxor.u32 @!p1 $0x80000000, s4;
	s4 =	sadd.s32 @!p1 $0x0, s4  }
.LBB2_32:
0x1e0: {  	s10 =	smov.u32 s5  }
0x1e1: {  	p4 =	por p1, p1;
	p5 =	slt.s32 @!p1 s2, $0x10;
	s5 =	sadd.s32 @!p1 $0x80000000, s4  }
0x1e2: {  	s4 =	smov.u32 s8;
	s8 =	sadd.s32 $0x10, s8;
	p1 =	por $0x1, $0x1  }
0x1e3: {  	p3 =	sne.s32 s8, $0x200;
	p6 =	por !p5, p2;
	p1 =	por @!p4 p5, p5  }
0x1e4: {  	s2 =	sand.u32 @!p1 $0x70, s4;
	s13 =	sand.u32 @!p1 $0xC00, s9;
	s5 =	smov.u32 @p6 s10  }
0x1e5: {  	s13 =	sadd.s32 @!p1 s13, s6;
	s5 =	smov.u32 @p2 s10;
	p2 =	por p1, p1  }
0x1e6: {  	s2 =	sadd.s32 @!p1 s2, s13  }
0x1e7: {  	v15 =	vld @!p1 [tilespmem:s2+$0x0];
	_ =	sdelay $0x3  }
0x1e8: {  	v16 =	vlaneseq.u32 @!p1  }
0x1e9: {  	vm2 =	veq.f32 @!p1 v15, v14;
	v15 =	vor.u32 @!p1 $0x80000000, v16  }
0x1ea: {  	v15 =	vnsel @!p1 vm2, $0x80000010, v15  }
0x1eb: {  	(xrf0) =	vmin.scan.msk.u32 @!p1 $0xffff, v15;
	_ =	sdelay $0x5  }
0x1ec: {  	v15, _, _ =	vpop @!p1 (xrf0)  }
0x1ed: {  	(v2sf) =	vpush @!p1 v15, $0xF;
	_ =	sdelay $0xb  }
.Ltmp27:
0x1ee: {  	(pc) =	sbr.rel @p3 .LBB2_32-.Ltmp27, $3  }
0x1ef: {  	_ =	sdelay $0x1  }
0x1f0: {  	s10 =	spop @!p1 (v2sf)  }
0x1f1: {  	s9 =	sadd.s32 $0x80, s9;
	s2 =	sxor.u32 @!p1 $0x80000000, s10;
	s4 =	sadd.s32 @!p1 s4, s10  }
.Ltmp28:
0x1f2: {  	p4 =	slt.s32 @!p1 s2, $0x10;
	(pc) =	sbr.rel .LBB2_34-.Ltmp28, $4  }
0x1f3: {  	s2 =	sadd.s32 @!p1 $0x80000000, s4;
	p5 =	por !p4, p2  }
0x1f4: {  	p3 =	por $0x1, $0x1;
	s2 =	smov.u32 @p5 s5  }
0x1f5: {  	p3 =	por @!p1 p4, p4;
	s2 =	smov.u32 @p2 s5  }
0x1f6: {  	s26 =	smov.u32 @p3 s12;
	s25 =	smov.u32 @p3 s2  }
.LBB2_36:
0x1f7: {  	v14 =	vmov s30;
	s0 =	sadd.s32 $0x1, s30  }
0x1f8: {  	s20 =	sadd.s32 $0x2, s30;
	s24 =	sadd.s32 $0x3, s30;
	s31 =	sadd.s32 $0x4, s30;
	v15 =	vshll.u32 v14, $0x9;
	v16 =	vmov s0;
	v14 =	vshll.u32 v14, $0x7  }
0x1f9: {  	v18 =	vmov s20;
	v55 =	vmov s24;
	v57 =	vmov s31  }
0x1fa: {  	v15 =	vand.u32 $0xFFFFF000, v15;
	v17 =	vshll.u32 v16, $0x9;
	v14 =	vand.u32 $0x380, v14  }
0x1fb: {  	v16 =	vshll.u32 v16, $0x7;
	v53 =	vshll.u32 v18, $0x9;
	v54 =	vshll.u32 v18, $0x7  }
0x1fc: {  	v19 =	vshll.u32 v55, $0x9;
	v18 =	vshll.u32 v55, $0x7;
	v58 =	vshll.u32 v57, $0x9  }
0x1fd: {  	v15 =	vadd.s32 v13, v15;
	v17 =	vand.u32 $0xFFFFF000, v17;
	v16 =	vand.u32 $0x380, v16  }
0x1fe: {  	v56 =	vand.u32 $0xFFFFF000, v19;
	v18 =	vand.u32 $0x380, v18;
	v17 =	vadd.s32 v13, v17  }
0x1ff: {  	v19 =	vshll.u32 v57, $0x7;
	v52 =	vor.u32 v16, v17;
	v16 =	vand.u32 $0xFFFFF000, v53  }
0x200: {  	v14 =	vor.u32 v14, v15;
	v17 =	vand.u32 $0x380, v54;
	v16 =	vadd.s32 v13, v16  }
0x201: {  	v14 =	vor.u32 v12, v14;
	v16 =	vor.u32 v17, v16;
	v17 =	vadd.s32 v13, v56  }
0x202: {  	v15 =	vor.u32 v12, v52;
	v17 =	vor.u32 v18, v17;
	v18 =	vand.u32 $0xFFFFF000, v58  }
0x203: {  	v60 =	vand.u32 $0x380, v19;
	v16 =	vor.u32 v12, v16;
	v59 =	vadd.s32 v13, v18  }
0x204: {  	v17 =	vor.u32 v12, v17;
	v13 =	vor.u32 v60, v59  }
0x205: {  	v61 =	vor.u32 v12, v13  }
0x206: {  	[tilespmem:v14+s14+$0x0] =	vst.idx.msk $0x1f, v3  }
0x207: {  	[tilespmem:v15+s14+$0x0] =	vst.idx.msk $0x1f, v3  }
0x208: {  	[tilespmem:v16+s14+$0x0] =	vst.idx.msk $0x1f, v3  }
0x209: {  	[tilespmem:v17+s14+$0x0] =	vst.idx.msk $0x1f, v3  }
0x20a: {  	[tilespmem:v61+s14+$0x0] =	vst.idx.msk $0x1f, v3  }
0x20b: {  	v12 =	vld [tilespmem:$0x7680]  }
0x20c: {  	v62 =	vld [tilespmem:$0x7700];
	_ =	sdelay $0x1  }
0x20d: {  	v63 =	vmov s21  }
0x20e: {  	vm2 =	veq.s32 v63, v2  }
0x20f: {  	v12 =	vsel vm2, s28, v12  }
0x210: {  	v11 =	vsel vm2, v11, v62;
	[tilespmem:$0x7680] =	vst v12  }
0x211: {  	s3 =	simm.s32 $0x0;
	s5 =	simm.s32 $0x0;
	[tilespmem:$0x7700] =	vst v11  }
.LBB2_37:
0x212: {  	s0 =	sadd.s32 s30, s5  }
0x213: {  	s2 =	sshll.u32 s0, $0x9;
	s0 =	sshll.u32 s0, $0x7  }
0x214: {  	s2 =	sand.u32 $0xFFFFF000, s2;
	s0 =	sand.u32 $0x380, s0  }
0x215: {  	s0 =	sor.u32 s0, s2  }
0x216: {  	s10 =	sand.u32 $0xC00, s3;
	s0 =	sadd.s32 $0x600, s0  }
0x217: {  	s4 =	sand.u32 $0x70, s3;
	s2 =	sadd.s32 s10, s0  }
0x218: {  	s6 =	simm.s32 $0x10;
	s12 =	simm.s32 $0x80;
	s2 =	sadd.s32 s4, s2  }
0x219: {  	s8 =	simm.s32 $0x20;
	s9 =	simm.s32 $0x100;
	s4 =	sand.u32 $0xC00, s12;
	v11 =	vld [tilespmem:s2+$0x0]  }
0x21a: {  	s6 =	sand.u32 $0x70, s6;
	s9 =	sand.u32 $0xC00, s9;
	s4 =	sadd.s32 s4, s0  }
0x21b: {  	s15 =	sand.u32 $0x70, s8;
	s16 =	sadd.s32 s9, s0;
	s13 =	sadd.s32 s6, s4  }
0x21c: {  	s17 =	sadd.s32 s15, s16;
	v12 =	vld [tilespmem:s13+$0x0]  }
0x21d: {  	v13 =	vld [tilespmem:s17+$0x0]  }
0x21e: {  	(xrf0) =	vmax.scan.msk.f32 $0xffff, v11;
	_ =	sdelay $0x2  }
0x21f: {  	(xrf0) =	vmax.scan.msk.f32 $0xffff, v12  }
0x220: {  	(xrf0) =	vmax.scan.msk.f32 $0xffff, v13;
	_ =	sdelay $0x1  }
0x221: {  	v61, _, _ =	vpop (xrf0)  }
0x222: {  	(v2sf) =	vpush v61, $0xF;
	_ =	sdelay $0x1  }
0x223: {  	s19 =	simm.s32 $0x180;
	v62, _, _ =	vpop (xrf0)  }
0x224: {  	s20 =	simm.s32 $0x30;
	s2 =	sand.u32 $0xC00, s19;
	(v2sf) =	vpush v62, $0xF;
	v63, _, _ =	vpop (xrf0)  }
0x225: {  	s4 =	sand.u32 $0x70, s20;
	s2 =	sadd.s32 s2, s0;
	(v2sf) =	vpush v63, $0xF  }
0x226: {  	s2 =	sadd.s32 s4, s2  }
0x227: {  	v11 =	vld [tilespmem:s2+$0x0];
	_ =	sdelay $0x1  }
0x228: {  	s24 =	simm.s32 $0x200  }
0x229: {  	s31 =	simm.s32 $0x40;
	s2 =	sand.u32 $0xC00, s24  }
0x22a: {  	s4 =	sand.u32 $0x70, s31;
	s2 =	sadd.s32 s2, s0  }
0x22b: {  	s4 =	sadd.s32 s4, s2;
	(xrf0) =	vmax.scan.msk.f32 $0xffff, v11  }
0x22c: {  	v11 =	vld [tilespmem:s4+$0x0]  }
0x22d: {  	s6 =	simm.f32 $-1.000000000e+00;
	s2 =	simm.s32 $0x50;
	s4 =	simm.s32 $0x280  }
.LBB2_38:
0x22e: {  	s8 =	sand.u32 $0xC00, s4;
	s9 =	smov.u32 s2;
	p0 =	sne.s32 s2, $0x1F0  }
.Ltmp29:
0x22f: {  	s2 =	sadd.s32 $0x10, s2;
	s10 =	spop (v2sf);
	(pc) =	sbr.rel @p0 .LBB2_38-.Ltmp29, $4  }
0x230: {  	s9 =	sand.u32 $0x70, s9;
	s8 =	sadd.s32 s8, s0;
	s6 =	smax.f32 s6, s10  }
0x231: {  	s8 =	sadd.s32 s9, s8;
	(xrf0) =	vmax.scan.msk.f32 $0xffff, v11;
	v12, _, _ =	vpop (xrf0)  }
0x232: {  	v11 =	vld [tilespmem:s8+$0x0];
	(v2sf) =	vpush v12, $0xF  }
0x233: {  	s4 =	sadd.s32 $0x80, s4  }
0x234: {  	_ =	sdelay $0x2  }
0x235: {  	(xrf0) =	vmax.scan.msk.f32 $0xffff, v11;
	_ =	sdelay $0x4  }
0x236: {  	v11, _, _ =	vpop (xrf0)  }
0x237: {  	(v2sf) =	vpush v11, $0xF;
	v11, _, _ =	vpop (xrf0)  }
0x238: {  	(v2sf) =	vpush v11, $0xF;
	_ =	sdelay $0x3  }
0x239: {  	s0 =	sadd.s32 s28, s5  }
0x23a: {  	s2 =	sand.u32 $0xF, s0  }
0x23b: {  	s4 =	sshra.s32 s0, $0x1F;
	p0 =	slt.s32 s0, $0x1;
	p1 =	sne.s32 s2, $0x0  }
0x23c: {  	s15 =	sshrl.u32 s4, $0x1C;
	p0 =	por !p0, !p1  }
0x23d: {  	s4 =	simm.s32 $0x1;
	s2 =	sadd.s32 s15, s0;
	p0 =	por !p0, !p0  }
0x23e: {  	s2 =	sshrl.u32 s2, $0x4;
	s4 =	simm.s32 @!p0 $0x0  }
0x23f: {  	s16 =	spop (v2sf);
	s2 =	ssub.s32 s2, s4  }
0x240: {  	s17 =	spop (v2sf);
	s4 =	smax.f32 s6, s16;
	s2 =	sshll.u32 s2, $0x4  }
0x241: {  	s5 =	sadd.s32 $0x1, s5;
	s4 =	smax.f32 s4, s17;
	v11 =	vld [tilespmem:s2+$0x400];
	s19 =	spop (v2sf)  }
0x242: {  	p0 =	sne.s32 s5, $0x5;
	s4 =	smax.f32 s4, s19  }
.Ltmp30:
0x243: {  	s0 =	ssub.s32 s0, s2;
	s20 =	spop (v2sf);
	(pc) =	sbr.rel @p0 .LBB2_37-.Ltmp30, $4  }
0x244: {  	v12 =	vmov s0;
	s4 =	smax.f32 s4, s20;
	s24 =	spop (v2sf)  }
0x245: {  	vm2 =	veq.s32 v12, v2;
	s31 =	smax.f32 s4, s24  }
0x246: {  	v11 =	vsel vm2, s31, v11  }
0x247: {  	s0 =	simm.s32 $0x0;
	[tilespmem:s2+$0x400] =	vst v11  }
0x248: {  	s3 =	simm.s32 $0x0  }
.LBB2_41:
0x249: {  	s2 =	sadd.s32 s29, s3;
	s4 =	simm.s32 $0x1  }
0x24a: {  	s10 =	simm.s32 $0x2;
	s5 =	simm.s32 $0x3;
	s6 =	simm.s32 $0x4;
	v11 =	vmov s2;
	v13 =	vadd.s32 s4, v2  }
0x24b: {  	v14 =	vadd.s32 s10, v2;
	v15 =	vadd.s32 s5, v2;
	v16 =	vadd.s32 s6, v2  }
0x24c: {  	v12 =	vshll.u32 v11, $0x9;
	v11 =	vshll.u32 v11, $0x7;
	vm2 =	vlt.s32 v13, $0x1FF  }
0x24d: {  	vm3 =	vlt.s32 v15, $0x1FF;
	v12 =	vand.u32 $0xFFFFF000, v12;
	v13 =	vnsel vm2, $0x1FF, v13  }
0x24e: {  	v11 =	vand.u32 $0x380, v11;
	vm2 =	vlt.s32 v14, $0x1FF;
	v17 =	vshll.u32 v13, $0x3  }
0x24f: {  	v15 =	vnsel vm3, $0x1FF, v15;
	v14 =	vnsel vm2, $0x1FF, v14;
	v17 =	vand.u32 $0x7FFFFC00, v17  }
0x250: {  	v13 =	vand.u32 $0x7F, v13;
	v18 =	vshll.u32 v14, $0x3;
	v17 =	vadd.s32 v12, v17  }
0x251: {  	vm2 =	vlt.s32 v16, $0x1FF;
	v13 =	vor.u32 v13, v17;
	v17 =	vand.u32 $0x7FFFFC00, v18  }
0x252: {  	s12 =	sshll.u32 s2, $0x9;
	s2 =	sshll.u32 s2, $0x7;
	v14 =	vand.u32 $0x7F, v14;
	v16 =	vnsel vm2, $0x1FF, v16;
	v17 =	vadd.s32 v12, v17  }
0x253: {  	s4 =	sand.u32 $0xFFFFF000, s12;
	s2 =	sand.u32 $0x380, s2;
	v13 =	vor.u32 v11, v13;
	v14 =	vor.u32 v14, v17;
	v17 =	vshll.u32 v15, $0x3  }
0x254: {  	s2 =	sor.u32 s2, s4;
	v21 =	vor.u32 v11, v14;
	v14 =	vand.u32 $0x7F, v15;
	v15 =	vand.u32 $0x7FFFFC00, v17  }
0x255: {  	s13 =	sshll.u32 s3, $0x9;
	s30 =	sand.u32 $0xC00, s0;
	s12 =	sadd.s32 $0x600, s2;
	v18 =	vshll.u32 v16, $0x3;
	v15 =	vadd.s32 v12, v15  }
0x256: {  	s15 =	sshll.u32 s3, $0x7;
	s19 =	sand.u32 $0x70, s0;
	s16 =	sadd.s32 s30, s12;
	v17 =	vand.u32 $0x7FFFFC00, v18;
	v14 =	vor.u32 v14, v15  }
0x257: {  	s20 =	simm.s32 $0x12;
	s24 =	simm.s32 $0x13;
	s17 =	sadd.s32 s19, s16;
	v16 =	vand.u32 $0x7F, v16;
	v17 =	vadd.s32 v12, v17;
	v14 =	vor.u32 v11, v14  }
0x258: {  	s8 =	simm.s32 $0x14;
	s4 =	sand.u32 $0x380, s15;
	s2 =	sand.u32 $0x1000, s13;
	v15 =	vor.u32 v16, v17;
	v17 =	vld [tilespmem:s17+$0x0]  }
0x259: {  	s31 =	simm.s32 $0x0;
	s5 =	simm.s32 $0x10;
	s2 =	sor.u32 s4, s2;
	v13 =	vld.idx.msk [tilespmem:v13+s14+$0x0], $0xffff;
	v15 =	vor.u32 v11, v15  }
0x25a: {  	v19 =	vadd.s32 s20, v2;
	v20 =	vadd.s32 s8, v2;
	s6 =	simm.s32 $0x20;
	s13 =	sadd.s32 $0x3600, s2;
	s2 =	simm.s32 $0x11;
	v18 =	vadd.s32 s24, v2;
	v16 =	vld.idx.msk [tilespmem:v21+s14+$0x0], $0xffff  }
.LBB2_42:
0x25b: {  	p0 =	sne.s32 s6, $0x1F0;
	v21 =	vadd.s32 s2, v2;
	vm2 =	vlt.s32 v18, $0x1FF;
	vm3 =	vlt.s32 v20, $0x1FF  }
0x25c: {  	vm5 =	vlt.s32 v19, $0x1FF;
	vm4 =	vlt.s32 v21, $0x1FF;
	v20 =	vnsel vm3, $0x1FF, v20;
	v14 =	vld.idx.msk [tilespmem:v14+s14+$0x0], $0xffff  }
0x25d: {  	v19 =	vnsel vm5, $0x1FF, v19;
	v18 =	vnsel vm2, $0x1FF, v18;
	v21 =	vnsel vm4, $0x1FF, v21  }
0x25e: {  	v23 =	vand.u32 $0x7F, v18;
	v22 =	vshll.u32 v21, $0x3;
	v13 =	vadd.f32 v13, v17;
	v15 =	vld.idx.msk [tilespmem:v15+s14+$0x0], $0xffff  }
0x25f: {  	v17 =	vand.u32 $0x7F, v21;
	v21 =	vand.u32 $0x7FFFFC00, v22;
	v22 =	vand.u32 $0x7F, v19  }
0x260: {  	v19 =	vshll.u32 v19, $0x3;
	v21 =	vadd.s32 v12, v21;
	v13 =	vadd.f32 v16, v13  }
0x261: {  	v18 =	vshll.u32 v18, $0x3;
	v16 =	vor.u32 v17, v21;
	v17 =	vand.u32 $0x7FFFFC00, v19  }
0x262: {  	v16 =	vor.u32 v11, v16;
	v17 =	vadd.s32 v12, v17;
	v13 =	vadd.f32 v14, v13  }
0x263: {  	v14 =	vor.u32 v22, v17;
	v17 =	vand.u32 $0x7FFFFC00, v18;
	v18 =	vshll.u32 v20, $0x3  }
0x264: {  	s2 =	sadd.s32 s30, s13;
	s31 =	sadd.s32 $0x80, s31;
	v21 =	vor.u32 v11, v14;
	v14 =	vadd.s32 v12, v17;
	v13 =	vadd.f32 v15, v13  }
.Ltmp31:
0x265: {  	s30 =	sand.u32 $0xC00, s31;
	s2 =	sadd.s32 s19, s2;
	v15 =	vand.u32 $0x7FFFFC00, v18;
	v14 =	vor.u32 v23, v14;
	(pc) =	sbr.rel @p0 .LBB2_42-.Ltmp31, $4  }
0x266: {  	s19 =	sand.u32 $0x70, s5;
	s5 =	smov.u32 s6;
	s4 =	sadd.s32 s30, s12;
	v17 =	vand.u32 $0x7F, v20;
	v15 =	vadd.s32 v12, v15;
	v14 =	vor.u32 v11, v14;
	[tilespmem:s2+$0x0] =	vst v13  }
0x267: {  	s2 =	sadd.s32 s19, s4;
	v15 =	vor.u32 v17, v15;
	v13 =	vld.idx.msk [tilespmem:v16+s14+$0x0], $0xffff  }
0x268: {  	s8 =	sadd.s32 $0x3, s6;
	s9 =	sadd.s32 $0x4, s6;
	s4 =	sadd.s32 $0x2, s6;
	v15 =	vor.u32 v11, v15;
	v17 =	vld [tilespmem:s2+$0x0]  }
0x269: {  	v18 =	vadd.s32 s8, v2;
	v20 =	vadd.s32 s9, v2;
	s6 =	sadd.s32 $0x10, s6;
	v19 =	vadd.s32 s4, v2;
	s2 =	sadd.s32 $0x1, s5;
	v16 =	vld.idx.msk [tilespmem:v21+s14+$0x0], $0xffff  }
0x26a: {  	_ =	sdelay $0x1  }
0x26b: {  	v21 =	vadd.s32 s2, v2  }
0x26c: {  	vm2 =	vlt.s32 v18, $0x1FF;
	vm3 =	vlt.s32 v21, $0x1FF  }
0x26d: {  	vm4 =	vlt.s32 v20, $0x1FF;
	vm5 =	vlt.s32 v19, $0x1FF;
	v14 =	vld.idx.msk [tilespmem:v14+s14+$0x0], $0xffff;
	v21 =	vnsel vm3, $0x1FF, v21  }
0x26e: {  	v20 =	vnsel vm4, $0x1FF, v20;
	v22 =	vshll.u32 v21, $0x3;
	v13 =	vadd.f32 v13, v17  }
0x26f: {  	v15 =	vld.idx.msk [tilespmem:v15+s14+$0x0], $0xffff;
	v48 =	vnsel vm5, $0x1FF, v19;
	v18 =	vnsel vm2, $0x1FF, v18;
	v49 =	vand.u32 $0x7FFFFC00, v22  }
0x270: {  	v21 =	vand.u32 $0x7F, v21;
	v19 =	vadd.s32 v12, v49;
	v13 =	vadd.f32 v16, v13  }
0x271: {  	v50 =	vand.u32 $0x7F, v18;
	v51 =	vshll.u32 v48, $0x3;
	v19 =	vor.u32 v21, v19  }
0x272: {  	v52 =	vand.u32 $0x7FFFFC00, v51;
	v19 =	vor.u32 v11, v19;
	v13 =	vadd.f32 v14, v13  }
0x273: {  	v53 =	vand.u32 $0x7F, v48;
	v54 =	vshll.u32 v18, $0x3;
	v55 =	vadd.s32 v12, v52  }
0x274: {  	s24 =	sadd.s32 s30, s13;
	s4 =	sadd.s32 $0x80, s31;
	v17 =	vand.u32 $0x7FFFFC00, v54;
	v14 =	vor.u32 v53, v55;
	v13 =	vadd.f32 v15, v13  }
0x275: {  	s4 =	sand.u32 $0xC00, s4;
	s2 =	sadd.s32 s19, s24;
	v56 =	vshll.u32 v20, $0x3;
	v17 =	vadd.s32 v12, v17;
	v14 =	vor.u32 v11, v14  }
0x276: {  	s5 =	sand.u32 $0x70, s5;
	s6 =	sadd.s32 s4, s12;
	v16 =	vor.u32 v50, v17;
	v15 =	vand.u32 $0x7FFFFC00, v56;
	[tilespmem:s2+$0x0] =	vst v13  }
0x277: {  	v58 =	vand.u32 $0x7F, v20;
	s30 =	sadd.s32 s5, s6;
	v57 =	vor.u32 v11, v16;
	v59 =	vadd.s32 v12, v15;
	v60 =	vld.idx.msk [tilespmem:v19+s14+$0x0], $0xffff  }
0x278: {  	v12 =	vor.u32 v58, v59;
	v61 =	vld [tilespmem:s30+$0x0]  }
0x279: {  	v11 =	vor.u32 v11, v12  }
0x27a: {  	v62 =	vld.idx.msk [tilespmem:v14+s14+$0x0], $0xffff;
	_ =	sdelay $0x1  }
0x27b: {  	v13 =	vld.idx.msk [tilespmem:v57+s14+$0x0], $0xffff  }
0x27c: {  	v63 =	vadd.f32 v60, v61  }
0x27d: {  	v11 =	vld.idx.msk [tilespmem:v11+s14+$0x0], $0xffff  }
0x27e: {  	s3 =	sadd.s32 $0x1, s3;
	v12 =	vadd.f32 v62, v63  }
0x27f: {  	p0 =	sne.s32 s3, $0xD  }
.Ltmp32:
0x280: {  	v12 =	vadd.f32 v13, v12;
	(pc) =	sbr.rel @p0 .LBB2_41-.Ltmp32, $4  }
0x281: {  	_ = 	snop  }
0x282: {  	s31 =	sadd.s32 s4, s13;
	v11 =	vadd.f32 v11, v12  }
0x283: {  	s2 =	sadd.s32 s5, s31  }
0x284: {  	[tilespmem:s2+$0x0] =	vst v11  }
0x285: {  	p0 =	slt.s32 s28, $0x1F7  }
0x286: {  	s28 =	simm.s32 @!p0 $0x1F7  }
0x287: {  	s28 =	sadd.s32 $0x4, s28  }
0x288: {  	p0 =	sgt.s32 s22, s28  }
.Ltmp33:
0x289: {  	_ = 	snop;
	(pc) =	sbr.rel @p0 .LBB2_50-.Ltmp33, $1  }
0x28a: {  	_ =	sdelay $0x3  }
.LBB2_45:
0x28b: {  	s0 =	ssub.s32 s22, s23  }
0x28c: {  	s2 =	sshll.u32 s0, $0x9  }
0x28d: {  	s3 =	sshll.u32 s0, $0x7;
	s17 =	sadd.s32 $0x1, s0;
	s4 =	sadd.s32 $0x2, s0  }
0x28e: {  	s5 =	sadd.s32 $0x3, s0;
	s0 =	sadd.s32 $0x4, s0;
	s2 =	sand.u32 $0xFFFFF000, s2  }
0x28f: {  	s3 =	sand.u32 $0x380, s3;
	s19 =	sshll.u32 s17, $0x9;
	s20 =	sshll.u32 s4, $0x9  }
0x290: {  	s4 =	sshll.u32 s4, $0x7;
	s6 =	sshll.u32 s5, $0x9;
	s8 =	sshll.u32 s5, $0x7  }
0x291: {  	s9 =	sshll.u32 s0, $0x9;
	s0 =	sshll.u32 s0, $0x7;
	s5 =	simm.s32 $0x10  }
0x292: {  	s2 =	sor.u32 s3, s2;
	s3 =	sshll.u32 s17, $0x7;
	s4 =	sand.u32 $0x380, s4  }
0x293: {  	s10 =	sand.u32 $0xFFFFF000, s9;
	s12 =	sand.u32 $0x380, s0;
	s29 =	sadd.s32 $0x3600, s2  }
0x294: {  	s2 =	sand.u32 $0xFFFFF000, s19;
	s3 =	sand.u32 $0x380, s3;
	s13 =	sor.u32 s12, s10  }
0x295: {  	s10 =	simm.s32 $0x80;
	s2 =	sor.u32 s3, s2;
	s3 =	sand.u32 $0xFFFFF000, s20  }
0x296: {  	s31 =	sadd.s32 $0x3600, s13;
	s10 =	sand.u32 $0xC00, s10;
	s13 =	sand.u32 $0x70, s5  }
0x297: {  	s30 =	sadd.s32 $0x3600, s2;
	s24 =	sor.u32 s4, s3;
	s3 =	sand.u32 $0xFFFFF000, s6  }
0x298: {  	s4 =	sand.u32 $0x380, s8;
	s8 =	simm.s32 $0x0;
	s19 =	sadd.s32 s10, s29  }
0x299: {  	s3 =	sor.u32 s4, s3;
	s0 =	sadd.s32 $0x3600, s24;
	s2 =	sand.u32 $0xC00, s8  }
0x29a: {  	s4 =	sand.u32 $0x70, s8;
	s20 =	sadd.s32 s13, s19;
	s6 =	sadd.s32 s2, s29  }
0x29b: {  	s24 =	sadd.s32 s10, s30;
	s9 =	sadd.s32 s2, s30;
	v14 =	vld [tilespmem:s20+$0x0];
	s6 =	sadd.s32 s4, s6  }
0x29c: {  	s3 =	sadd.s32 $0x3600, s3;
	s16 =	sadd.s32 s2, s0;
	s15 =	sadd.s32 s4, s9;
	v11 =	vld [tilespmem:s6+$0x0]  }
0x29d: {  	s17 =	sadd.s32 s4, s16;
	s19 =	sadd.s32 s2, s3;
	s9 =	sadd.s32 s13, s24;
	v12 =	vld [tilespmem:s15+$0x0]  }
0x29e: {  	s16 =	sadd.s32 s10, s0;
	s2 =	sadd.s32 s2, s31;
	s20 =	sadd.s32 s10, s3;
	v13 =	vld [tilespmem:s17+$0x0]  }
0x29f: {  	s15 =	sadd.s32 s4, s19;
	v15 =	vld [tilespmem:s9+$0x0];
	s2 =	sadd.s32 s4, s2;
	s19 =	simm.s32 $0x100  }
0x2a0: {  	s6 =	simm.s32 $0x20;
	s17 =	sadd.s32 s13, s16;
	v18 =	vld [tilespmem:s2+$0x0];
	s2 =	sand.u32 $0xC00, s19  }
0x2a1: {  	s24 =	sadd.s32 s10, s31;
	v17 =	vld [tilespmem:s17+$0x0];
	s10 =	sand.u32 $0x70, s6;
	s17 =	sadd.s32 s2, s30  }
0x2a2: {  	v16 =	vld [tilespmem:s15+$0x0];
	s19 =	sadd.s32 s10, s17  }
0x2a3: {  	s9 =	sadd.s32 s13, s20;
	v19 =	vld [tilespmem:s19+$0x0]  }
0x2a4: {  	s4 =	sadd.s32 s13, s24;
	s15 =	sadd.s32 s2, s29;
	v11 =	vadd.f32 v12, v11;
	v12 =	vld [tilespmem:s9+$0x0]  }
0x2a5: {  	s24 =	simm.s32 $0x180;
	s16 =	sadd.s32 s10, s15;
	v14 =	vadd.f32 v15, v14;
	v15 =	vld [tilespmem:s4+$0x0]  }
0x2a6: {  	s13 =	simm.s32 $0x30;
	s20 =	sadd.s32 s2, s0;
	s9 =	sand.u32 $0xC00, s24;
	v11 =	vadd.f32 v13, v11;
	v13 =	vld [tilespmem:s16+$0x0]  }
0x2a7: {  	s4 =	sadd.s32 s10, s20;
	s20 =	sand.u32 $0x70, s13;
	s17 =	sadd.s32 s9, s30;
	v14 =	vadd.f32 v17, v14  }
0x2a8: {  	s15 =	sadd.s32 s2, s3;
	s24 =	sadd.s32 s20, s17;
	v11 =	vadd.f32 v16, v11;
	v16 =	vld [tilespmem:s4+$0x0]  }
0x2a9: {  	s2 =	sadd.s32 s2, s31;
	s19 =	sadd.s32 s10, s15;
	v61 =	vld [tilespmem:s24+$0x0];
	v12 =	vadd.f32 v12, v14  }
0x2aa: {  	s2 =	sadd.s32 s10, s2;
	s16 =	sadd.s32 s9, s29;
	v17 =	vmov s8;
	v14 =	vld [tilespmem:s19+$0x0];
	v11 =	vadd.f32 v18, v11  }
0x2ab: {  	vm2 =	vlt.u32 v17, v10;
	v17 =	vld [tilespmem:s2+$0x0];
	s4 =	sadd.s32 s20, s16;
	v12 =	vadd.f32 v15, v12;
	v13 =	vadd.f32 v19, v13  }
0x2ac: {  	s8 =	sadd.s32 s9, s0;
	v15 =	vld [tilespmem:s4+$0x0];
	v11 =	vmul.f32 v11, v0  }
0x2ad: {  	v62 =	vmov s5;
	s10 =	sadd.s32 s20, s8;
	v12 =	vmul.f32 v12, v0;
	v13 =	vadd.f32 v16, v13  }
0x2ae: {  	v16 =	vld [tilespmem:s10+$0x0];
	v11 =	vnsel vm2, $0xBF800000, v11;
	vm2 =	vlt.u32 v62, v10  }
0x2af: {  	(xrf0) =	vmax.scan.msk.f32 $0xffff, v11;
	v11 =	vnsel vm2, $0xBF800000, v12;
	v12 =	vadd.f32 v14, v13  }
0x2b0: {  	s15 =	sadd.s32 s9, s3  }
0x2b1: {  	s2 =	sadd.s32 s20, s15;
	(xrf0) =	vmax.scan.msk.f32 $0xffff, v11;
	v11 =	vadd.f32 v61, v15;
	v12 =	vadd.f32 v17, v12  }
0x2b2: {  	v13 =	vld [tilespmem:s2+$0x0]  }
0x2b3: {  	v14 =	vadd.f32 v16, v11;
	v16 =	vmul.f32 v12, v0;
	_ =	sdelay $0x1  }
0x2b4: {  	v17 =	vmov s6  }
0x2b5: {  	vm2 =	vlt.u32 v17, v10;
	v63, _, _ =	vpop (xrf0)  }
0x2b6: {  	s16 =	simm.s32 $0x200;
	v17 =	vadd.f32 v13, v14;
	v14 =	vnsel vm2, $0xBF800000, v16;
	(v2sf) =	vpush v63, $0xF;
	v16, _, _ =	vpop (xrf0)  }
0x2b7: {  	s5 =	simm.s32 $0x40;
	s17 =	sadd.s32 s9, s31;
	s2 =	sand.u32 $0xC00, s16;
	(v2sf) =	vpush v16, $0xF  }
0x2b8: {  	s19 =	sadd.s32 s20, s17;
	s20 =	sand.u32 $0x70, s5;
	s24 =	sadd.s32 s2, s29  }
0x2b9: {  	v15 =	vld [tilespmem:s19+$0x0];
	s10 =	sadd.s32 s2, s30;
	s9 =	sadd.s32 s20, s24  }
0x2ba: {  	s19 =	simm.s32 $0x50;
	s15 =	sadd.s32 s20, s10;
	v11 =	vld [tilespmem:s9+$0x0]  }
0x2bb: {  	s12 =	simm.f32 $-2.000000000e+00;
	s16 =	sadd.s32 s2, s0;
	s6 =	sand.u32 $0x70, s19;
	v12 =	vld [tilespmem:s15+$0x0]  }
0x2bc: {  	s17 =	sadd.s32 s20, s16;
	s24 =	sadd.s32 s2, s3;
	s9 =	simm.s32 $0x280  }
0x2bd: {  	s2 =	sadd.s32 s2, s31;
	s24 =	sadd.s32 s20, s24;
	s8 =	sand.u32 $0xC00, s9;
	v13 =	vld [tilespmem:s17+$0x0];
	(xrf0) =	vmax.scan.msk.f32 $0xffff, v14  }
0x2be: {  	s10 =	simm.s32 $0x60;
	s2 =	sadd.s32 s20, s2;
	s4 =	sadd.s32 s8, s29;
	v14 =	vld [tilespmem:s24+$0x0];
	v15 =	vadd.f32 v15, v17  }
.LBB2_46:
0x2bf: {  	p0 =	seq.s32 s10, $0x1F0  }
0x2c0: {  	s4 =	sadd.s32 s6, s4;
	s20 =	sadd.s32 s8, s30;
	v16 =	vadd.f32 v12, v11;
	v17 =	vld [tilespmem:s2+$0x0];
	s2 =	smov.u32 s6  }
0x2c1: {  	v19 =	vmov s13;
	s13 =	smov.u32 s5;
	s5 =	smov.u32 s19;
	v11 =	vld [tilespmem:s4+$0x0];
	s4 =	sadd.s32 s2, s20;
	v15 =	vmul.f32 v15, v0  }
.Ltmp34:
0x2c2: {  	s19 =	smov.u32 s10;
	vm2 =	vlt.u32 v19, v10;
	v12 =	vld [tilespmem:s4+$0x0];
	s4 =	sadd.s32 s8, s0;
	v16 =	vadd.f32 v13, v16;
	(pc) =	sbr.rel @!p0 .LBB2_46-.Ltmp34, $4  }
0x2c3: {  	s6 =	sand.u32 $0x70, s10;
	s9 =	sadd.s32 $0x80, s9;
	s4 =	sadd.s32 s2, s4;
	v15 =	vnsel vm2, $0xBF800000, v15;
	v18, _, _ =	vpop (xrf0)  }
0x2c4: {  	s24 =	sadd.s32 s8, s31;
	s20 =	sadd.s32 s8, s3;
	s8 =	sand.u32 $0xC00, s9;
	v13 =	vld [tilespmem:s4+$0x0];
	v16 =	vadd.f32 v14, v16;
	(xrf0) =	vmax.scan.msk.f32 $0xffff, v15;
	(v2sf) =	vpush v18, $0xF  }
0x2c5: {  	s20 =	sadd.s32 s2, s20;
	s4 =	sadd.s32 s8, s29;
	s15 =	spop (v2sf)  }
0x2c6: {  	s10 =	sadd.s32 $0x10, s10;
	s2 =	sadd.s32 s2, s24;
	v14 =	vld [tilespmem:s20+$0x0];
	v15 =	vadd.f32 v17, v16;
	s12 =	smax.f32 s12, s15  }
0x2c7: {  	s4 =	sadd.s32 s6, s4;
	s9 =	sadd.s32 s8, s30  }
0x2c8: {  	v16 =	vld [tilespmem:s4+$0x0];
	s16 =	sadd.s32 s6, s9  }
0x2c9: {  	s17 =	sadd.s32 s8, s0;
	v17 =	vld [tilespmem:s16+$0x0]  }
0x2ca: {  	s4 =	sadd.s32 s6, s17  }
0x2cb: {  	s20 =	sadd.s32 s8, s3;
	v18 =	vld [tilespmem:s4+$0x0]  }
0x2cc: {  	s4 =	sadd.s32 s6, s20  }
0x2cd: {  	v11 =	vadd.f32 v12, v11;
	s24 =	sadd.s32 s8, s31;
	v12 =	vld [tilespmem:s4+$0x0]  }
0x2ce: {  	s6 =	sadd.s32 s6, s24;
	v16 =	vadd.f32 v17, v16;
	v17 =	vld [tilespmem:s2+$0x0]  }
0x2cf: {  	v11 =	vadd.f32 v13, v11;
	v13 =	vld [tilespmem:s6+$0x0]  }
0x2d0: {  	v16 =	vadd.f32 v18, v16  }
0x2d1: {  	v11 =	vadd.f32 v14, v11  }
0x2d2: {  	v12 =	vadd.f32 v12, v16  }
0x2d3: {  	v14 =	vmul.f32 v15, v0;
	v15 =	vmov s13;
	v11 =	vadd.f32 v17, v11  }
0x2d4: {  	vm2 =	vlt.u32 v15, v10;
	v12 =	vadd.f32 v13, v12  }
0x2d5: {  	v13 =	vnsel vm2, $0xBF800000, v14;
	v14 =	vmov s5;
	v11 =	vmul.f32 v11, v0  }
0x2d6: {  	vm2 =	vlt.u32 v14, v10;
	v14 =	vmov s19;
	v12 =	vmul.f32 v12, v0  }
0x2d7: {  	(xrf0) =	vmax.scan.msk.f32 $0xffff, v13;
	v11 =	vnsel vm2, $0xBF800000, v11;
	vm2 =	vlt.u32 v14, v10  }
0x2d8: {  	(xrf0) =	vmax.scan.msk.f32 $0xffff, v11;
	v11 =	vnsel vm2, $0xBF800000, v12  }
0x2d9: {  	(xrf0) =	vmax.scan.msk.f32 $0xffff, v11;
	_ =	sdelay $0x2  }
0x2da: {  	v11, _, _ =	vpop (xrf0)  }
0x2db: {  	v12, _, _ =	vpop (xrf0);
	(v2sf) =	vpush v11, $0xF  }
0x2dc: {  	(v2sf) =	vpush v12, $0xF;
	v11, _, _ =	vpop (xrf0)  }
0x2dd: {  	(v2sf) =	vpush v11, $0xF;
	v11, _, _ =	vpop (xrf0)  }
0x2de: {  	(v2sf) =	vpush v11, $0xF;
	_ =	sdelay $0x7  }
0x2df: {  	s6 =	simm.s32 $0x0  }
0x2e0: {  	s8 =	spop (v2sf);
	s16 =	sand.u32 $0xC00, s6  }
0x2e1: {  	s17 =	sand.u32 $0x70, s6;
	s20 =	sadd.s32 s16, s29;
	s2 =	smax.f32 s12, s8  }
0x2e2: {  	s8 =	sadd.s32 s17, s20;
	s9 =	spop (v2sf);
	s19 =	sadd.s32 s16, s30  }
0x2e3: {  	s2 =	smax.f32 s2, s9;
	v13 =	vld [tilespmem:s8+$0x0];
	s5 =	sadd.s32 s17, s19;
	s10 =	spop (v2sf)  }
0x2e4: {  	s24 =	sadd.s32 s16, s0;
	v12 =	vld [tilespmem:s5+$0x0];
	s2 =	smax.f32 s2, s10;
	s12 =	spop (v2sf)  }
0x2e5: {  	s5 =	sadd.s32 s17, s24;
	s2 =	smax.f32 s2, s12;
	s13 =	spop (v2sf)  }
0x2e6: {  	s9 =	sadd.s32 s16, s3;
	v14 =	vld [tilespmem:s5+$0x0];
	s2 =	smax.f32 s2, s13;
	s15 =	spop (v2sf)  }
0x2e7: {  	s10 =	sadd.s32 s17, s9;
	s2 =	smax.f32 s2, s15  }
0x2e8: {  	v15 =	vld [tilespmem:s10+$0x0];
	v11 =	vmov s2;
	s2 =	sadd.s32 s16, s31  }
0x2e9: {  	v12 =	vadd.f32 v12, v13;
	s2 =	sadd.s32 s17, s2  }
0x2ea: {  	s13 =	simm.s32 $0x80;
	v13 =	vld [tilespmem:s2+$0x0]  }
0x2eb: {  	s19 =	simm.s32 $0x10;
	v12 =	vadd.f32 v14, v12;
	s2 =	sand.u32 $0xC00, s13  }
0x2ec: {  	s4 =	sand.u32 $0x70, s19;
	s5 =	simm.s32 $0x20;
	s15 =	sadd.s32 s2, s30  }
0x2ed: {  	s10 =	simm.s32 $0x100;
	v12 =	vadd.f32 v15, v12;
	s16 =	sadd.s32 s2, s29;
	s8 =	sadd.s32 s4, s15  }
0x2ee: {  	s10 =	sand.u32 $0xC00, s10;
	s17 =	sadd.s32 s2, s0;
	s9 =	sadd.s32 s4, s16;
	v14 =	vld [tilespmem:s8+$0x0]  }
0x2ef: {  	s20 =	sadd.s32 s10, s30;
	s8 =	sadd.s32 s4, s17;
	v12 =	vadd.f32 v13, v12;
	v13 =	vld [tilespmem:s9+$0x0];
	s9 =	sand.u32 $0x70, s5  }
0x2f0: {  	s24 =	sadd.s32 s10, s29;
	v15 =	vld [tilespmem:s8+$0x0];
	s13 =	sadd.s32 s9, s20  }
0x2f1: {  	v16 =	vmov s6;
	s15 =	sadd.s32 s2, s3;
	s8 =	sadd.s32 s9, s24;
	v12 =	vmul.f32 v12, v0;
	v17 =	vld [tilespmem:s13+$0x0]  }
0x2f2: {  	vm2 =	vlt.u32 v16, v10;
	s16 =	sadd.s32 s10, s0;
	s15 =	sadd.s32 s4, s15;
	v16 =	vld [tilespmem:s8+$0x0]  }
0x2f3: {  	s2 =	sadd.s32 s2, s31;
	v18 =	vld [tilespmem:s15+$0x0];
	s17 =	sadd.s32 s9, s16;
	v12 =	vnsel vm2, $0xBF800000, v12  }
0x2f4: {  	v19 =	vor.u32 s6, v4;
	s2 =	sadd.s32 s4, s2;
	s20 =	sadd.s32 s10, s3;
	vm2 =	veq.f32 v12, v11;
	v12 =	vadd.f32 v14, v13;
	v13 =	vld [tilespmem:s17+$0x0]  }
0x2f5: {  	s24 =	sadd.s32 s9, s20;
	s8 =	simm.s32 $0x180;
	v14 =	vnsel vm2, $0x80000200, v19;
	v19 =	vld [tilespmem:s2+$0x0]  }
0x2f6: {  	s6 =	simm.s32 $0x30;
	s13 =	sadd.s32 s10, s31;
	s4 =	sand.u32 $0xC00, s8;
	(xrf0) =	vmin.scan.msk.u32 $0xffff, v14;
	v12 =	vadd.f32 v15, v12;
	v14 =	vld [tilespmem:s24+$0x0]  }
0x2f7: {  	s15 =	sadd.s32 s9, s13;
	s8 =	sand.u32 $0x70, s6;
	s16 =	sadd.s32 s4, s30;
	v15 =	vadd.f32 v17, v16  }
0x2f8: {  	s17 =	sadd.s32 s4, s29;
	s9 =	sadd.s32 s8, s16;
	v16 =	vld [tilespmem:s15+$0x0];
	v12 =	vadd.f32 v18, v12  }
0x2f9: {  	s10 =	simm.s32 $0x200;
	s20 =	sadd.s32 s8, s17;
	v17 =	vld [tilespmem:s9+$0x0];
	v13 =	vadd.f32 v13, v15  }
0x2fa: {  	s13 =	simm.s32 $0x40;
	s2 =	sand.u32 $0xC00, s10;
	s24 =	sadd.s32 s4, s0;
	v15 =	vld [tilespmem:s20+$0x0];
	v12 =	vadd.f32 v19, v12  }
0x2fb: {  	s10 =	sand.u32 $0x70, s13;
	s9 =	sadd.s32 s8, s24;
	s20 =	sadd.s32 s2, s29;
	v13 =	vadd.f32 v14, v13  }
0x2fc: {  	s15 =	sadd.s32 s4, s3;
	v18 =	vmov s19;
	v19 =	vld [tilespmem:s9+$0x0];
	s9 =	sadd.s32 s10, s20;
	v12 =	vmul.f32 v12, v0  }
0x2fd: {  	s17 =	sadd.s32 s2, s30;
	s16 =	sadd.s32 s8, s15;
	vm2 =	vlt.u32 v18, v10;
	v18 =	vld [tilespmem:s9+$0x0];
	v14, _, _ =	vpop (xrf0);
	v13 =	vadd.f32 v16, v13  }
0x2fe: {  	s15 =	sadd.s32 s10, s17;
	(v2sf) =	vpush v14, $0xF;
	v14 =	vld [tilespmem:s16+$0x0];
	v12 =	vnsel vm2, $0xBF800000, v12  }
0x2ff: {  	s24 =	sadd.s32 s2, s0;
	v16 =	vld [tilespmem:s15+$0x0];
	v15 =	vadd.f32 v17, v15;
	v17 =	vmov s5;
	v13 =	vmul.f32 v13, v0  }
0x300: {  	s9 =	sadd.s32 s10, s24;
	vm2 =	veq.f32 v12, v11;
	v12 =	vor.u32 s19, v4;
	vm3 =	vlt.u32 v17, v10  }
0x301: {  	s15 =	sadd.s32 s2, s3;
	v12 =	vnsel vm2, $0x80000200, v12;
	v15 =	vadd.f32 v19, v15;
	v19 =	vld [tilespmem:s9+$0x0];
	v13 =	vnsel vm3, $0xBF800000, v13  }
0x302: {  	s16 =	sadd.s32 s10, s15;
	(xrf0) =	vmin.scan.msk.u32 $0xffff, v12;
	v12 =	vor.u32 s5, v4;
	vm2 =	veq.f32 v13, v11  }
0x303: {  	v13 =	vadd.f32 v14, v15;
	v14 =	vld [tilespmem:s16+$0x0];
	v12 =	vnsel vm2, $0x80000200, v12  }
0x304: {  	s4 =	sadd.s32 s4, s31;
	(xrf0) =	vmin.scan.msk.u32 $0xffff, v12;
	v12 =	vadd.f32 v16, v18  }
0x305: {  	s4 =	sadd.s32 s8, s4;
	s2 =	sadd.s32 s2, s31  }
0x306: {  	s2 =	sadd.s32 s10, s2;
	v17 =	vld [tilespmem:s4+$0x0];
	v12 =	vadd.f32 v19, v12  }
0x307: {  	v15 =	vld [tilespmem:s2+$0x0]  }
0x308: {  	v14 =	vadd.f32 v14, v12  }
0x309: {  	s17 =	simm.s32 $0x280  }
0x30a: {  	s20 =	sand.u32 $0xC00, s17;
	s19 =	simm.s32 $0x50  }
0x30b: {  	s4 =	sand.u32 $0x70, s19;
	s5 =	sadd.s32 s20, s30;
	v13 =	vadd.f32 v17, v13;
	v19, _, _ =	vpop (xrf0)  }
0x30c: {  	s24 =	sadd.s32 s20, s29;
	s5 =	sadd.s32 s4, s5;
	(v2sf) =	vpush v19, $0xF;
	v19 =	vadd.f32 v15, v14;
	v14, _, _ =	vpop (xrf0)  }
0x30d: {  	s8 =	simm.s32 $0x300;
	s17 =	sadd.s32 s20, s31;
	s9 =	sadd.s32 s4, s24;
	v16 =	vld [tilespmem:s5+$0x0];
	v17 =	vmov s6;
	v13 =	vmul.f32 v13, v0;
	(v2sf) =	vpush v14, $0xF  }
0x30e: {  	s10 =	sadd.s32 s20, s0;
	s15 =	sadd.s32 s20, s3;
	s24 =	sadd.s32 s4, s17;
	v18 =	vld [tilespmem:s9+$0x0];
	vm2 =	vlt.u32 v17, v10  }
0x30f: {  	s16 =	sadd.s32 s4, s10;
	s10 =	sand.u32 $0xC00, s8;
	s5 =	simm.s32 $0x60;
	v13 =	vnsel vm2, $0xBF800000, v13  }
0x310: {  	s4 =	sadd.s32 s4, s15;
	v17 =	vor.u32 s6, v4;
	s9 =	sand.u32 $0x70, s5;
	v12 =	vld [tilespmem:s16+$0x0];
	s16 =	sadd.s32 s10, s30;
	vm2 =	veq.f32 v13, v11  }
0x311: {  	s12 =	simm.s32 $0x200;
	s20 =	simm.s32 $0x70;
	v13 =	vld [tilespmem:s4+$0x0];
	s6 =	sadd.s32 s9, s16;
	v15 =	vnsel vm2, $0x80000200, v17  }
0x312: {  	v20 =	vmov s13;
	s15 =	sadd.s32 s10, s29;
	s2 =	sadd.s32 s10, s3;
	(xrf0) =	vmin.scan.msk.u32 $0xffff, v15;
	v15 =	vld [tilespmem:s6+$0x0];
	s17 =	spop (v2sf)  }
0x313: {  	s4 =	sadd.s32 s9, s15;
	v17 =	vadd.f32 v16, v18;
	vm2 =	vlt.u32 v20, v10;
	v16 =	vmul.f32 v19, v0;
	v14 =	vld [tilespmem:s24+$0x0];
	s24 =	sadd.s32 s10, s0;
	s6 =	sxor.u32 $0x80000000, s17  }
.LBB2_48:
0x314: {  	s15 =	smov.u32 s12;
	s10 =	sadd.s32 s10, s31;
	p0 =	slt.s32 s12, s6  }
0x315: {  	s16 =	sadd.s32 $0x10, s20;
	s12 =	smov.u32 s6;
	v18 =	vld [tilespmem:s4+$0x0];
	s4 =	sadd.s32 s9, s24  }
0x316: {  	v17 =	vadd.f32 v12, v17;
	s24 =	smov.u32 s19;
	s19 =	smov.u32 s5;
	s5 =	smov.u32 s20  }
0x317: {  	v20 =	vor.u32 s13, v4;
	s17 =	sadd.s32 s9, s10;
	v16 =	vnsel vm2, $0xBF800000, v16;
	s12 =	smov.u32 @p0 s15;
	p0 =	sne.s32 s20, $0x1F0;
	v12 =	vld [tilespmem:s4+$0x0]  }
.Ltmp35:
0x318: {  	s2 =	sadd.s32 s9, s2;
	s8 =	sadd.s32 $0x80, s8;
	v17 =	vadd.f32 v13, v17;
	vm2 =	veq.f32 v16, v11;
	(pc) =	sbr.rel @p0 .LBB2_48-.Ltmp35, $4  }
0x319: {  	s10 =	sand.u32 $0xC00, s8;
	s20 =	smov.u32 s16;
	s13 =	smov.u32 s24;
	v16 =	vnsel vm2, $0x80000200, v20;
	v13 =	vld [tilespmem:s2+$0x0];
	v19, _, _ =	vpop (xrf0)  }
0x31a: {  	s9 =	sand.u32 $0x70, s5;
	s6 =	sadd.s32 s10, s30;
	s2 =	sadd.s32 s10, s29;
	v20 =	vadd.f32 v14, v17;
	(xrf0) =	vmin.scan.msk.u32 $0xffff, v16;
	(v2sf) =	vpush v19, $0xF  }
0x31b: {  	s4 =	sadd.s32 s9, s2;
	s2 =	sadd.s32 s9, s6;
	v17 =	vadd.f32 v15, v18;
	v14 =	vld [tilespmem:s17+$0x0];
	v18 =	vmov s13;
	s6 =	spop (v2sf)  }
0x31c: {  	s24 =	sadd.s32 s10, s0;
	v16 =	vmul.f32 v20, v0;
	v15 =	vld [tilespmem:s2+$0x0];
	s2 =	sadd.s32 s10, s3;
	vm2 =	vlt.u32 v18, v10;
	s6 =	sxor.u32 $0x80000000, s6  }
0x31d: {  	v18 =	vld [tilespmem:s4+$0x0]  }
0x31e: {  	s0 =	sadd.s32 s9, s24  }
0x31f: {  	v19 =	vld [tilespmem:s0+$0x0]  }
0x320: {  	s8 =	sadd.s32 s9, s2  }
0x321: {  	s10 =	sadd.s32 s10, s31;
	v20 =	vld [tilespmem:s8+$0x0]  }
0x322: {  	v12 =	vadd.f32 v12, v17;
	s15 =	sadd.s32 s9, s10;
	v15 =	vadd.f32 v15, v18  }
0x323: {  	v49 =	vld [tilespmem:s15+$0x0]  }
0x324: {  	v12 =	vadd.f32 v13, v12;
	v50 =	vadd.f32 v19, v15;
	_ =	sdelay $0x1  }
0x325: {  	v12 =	vadd.f32 v14, v12;
	v13 =	vadd.f32 v20, v50  }
0x326: {  	v52 =	vor.u32 s13, v4;
	v53 =	vmov s19;
	v51 =	vnsel vm2, $0xBF800000, v16  }
0x327: {  	vm2 =	veq.f32 v51, v11;
	v12 =	vmul.f32 v12, v0;
	v13 =	vadd.f32 v49, v13  }
0x328: {  	v14 =	vnsel vm2, $0x80000200, v52;
	vm2 =	vlt.u32 v53, v10  }
0x329: {  	v54 =	vmov s5;
	v12 =	vnsel vm2, $0xBF800000, v12;
	v13 =	vmul.f32 v13, v0  }
0x32a: {  	v55 =	vor.u32 s19, v4;
	vm3 =	vlt.u32 v54, v10;
	(xrf0) =	vmin.scan.msk.u32 $0xffff, v14;
	vm2 =	veq.f32 v12, v11  }
0x32b: {  	v12 =	vnsel vm2, $0x80000200, v55;
	v13 =	vnsel vm3, $0xBF800000, v13  }
0x32c: {  	v56 =	vor.u32 s5, v4;
	(xrf0) =	vmin.scan.msk.u32 $0xffff, v12;
	vm2 =	veq.f32 v13, v11  }
0x32d: {  	v12 =	vnsel vm2, $0x80000200, v56  }
0x32e: {  	v57, _, _ =	vpop (xrf0);
	(xrf0) =	vmin.scan.msk.u32 $0xffff, v12  }
0x32f: {  	(v2sf) =	vpush v57, $0xF  }
0x330: {  	v58, _, _ =	vpop (xrf0)  }
0x331: {  	(v2sf) =	vpush v58, $0xF  }
0x332: {  	v59, _, _ =	vpop (xrf0)  }
0x333: {  	(v2sf) =	vpush v59, $0xF  }
0x334: {  	v60, _, _ =	vpop (xrf0)  }
0x335: {  	(v2sf) =	vpush v60, $0xF;
	_ =	sdelay $0x4  }
0x336: {  	s16 =	spop (v2sf);
	p0 =	slt.s32 s12, s6  }
0x337: {  	s6 =	smov.u32 @p0 s12;
	s0 =	sxor.u32 $0x80000000, s16  }
0x338: {  	p0 =	slt.s32 s6, s0;
	s17 =	spop (v2sf)  }
0x339: {  	s0 =	smov.u32 @p0 s6;
	s2 =	sxor.u32 $0x80000000, s17  }
0x33a: {  	p0 =	slt.s32 s0, s2;
	s3 =	spop (v2sf)  }
0x33b: {  	s2 =	smov.u32 @p0 s0;
	s0 =	sxor.u32 $0x80000000, s3  }
0x33c: {  	p0 =	slt.s32 s2, s0;
	s19 =	spop (v2sf)  }
0x33d: {  	s0 =	smov.u32 @p0 s2;
	s2 =	sxor.u32 $0x80000000, s19  }
0x33e: {  	p0 =	slt.s32 s0, s2;
	s24 =	spop (v2sf)  }
0x33f: {  	s2 =	smov.u32 @p0 s0;
	s0 =	sxor.u32 $0x80000000, s24  }
0x340: {  	s20 =	sand.u32 $0x7FFFFFF0, s22;
	p0 =	slt.s32 s2, s0;
	s29 =	spop (v2sf)  }
0x341: {  	v61 =	vld [tilespmem:s20+$0x0];
	s0 =	smov.u32 @p0 s2;
	s2 =	sxor.u32 $0x80000000, s29  }
0x342: {  	v62 =	vld [tilespmem:s20+$0x200];
	p0 =	slt.s32 s0, s2  }
0x343: {  	s30 =	sand.u32 $0xF, s22;
	s2 =	smov.u32 @p0 s0;
	p0 =	slt.s32 s22, s28  }
.Ltmp36:
0x344: {  	v63 =	vmov s30;
	(pc) =	sbr.rel @p0 .LBB2_45-.Ltmp36, $4  }
.Ltmp37:
0x345: {  	vm2 =	veq.s32 v63, v2;
	(pc) =	sbr.rel @!p0 .LBB2_50-.Ltmp37, $4  }
0x346: {  	v11 =	vsel vm2, v11, v61  }
0x347: {  	s31 =	sadd.s32 $0x1, s22;
	[tilespmem:s20+$0x0] =	vst v11;
	v11 =	vsel vm2, s2, v62  }
0x348: {  	s22 =	smov.u32 s31;
	[tilespmem:s20+$0x200] =	vst v11  }
0x349: {  	_ = 	snop  }
.LBB2_52:
0x34a: {  	_ =	sfence.sel $0x180000  }
0x34b: {  	[bflag:$0x0] =	sbarrier.arrive $0xFFFF  }
0x34c: {  	_ =	strace $0x90000047  }
0x34d: {  	s0 =	stileid.u32;
	[bflag:$0x2] =	sbarrier.arrive $0xFFFF  }
0x34e: {  	p0 =	sne.s32 s0, $0x0;
	s0 =	rddreg [dreg:$0x2]  }
0x34f: {  	s0 =	sadd.s32 @!p0 $0x100000, s0  }
0x350: {  	[sflag:s0] =	ssyncadd.tile.s32 @!p0 $0x1;
	_ =	shalt  }
.Lfunc_end2:
_tile_overlayer_lowered:
.L_overlay_start_2:
0x351: {  	(tag) =	ssettag $0x2  }
0x352: {  	s0 =	rddreg [dreg:$0x0];
	s2 =	stileid.u32  }
0x353: {  	s1 =	rddreg [dreg:$0x1];
	p0 =	sne.s32 s2, $0x0  }
0x354: {  	s3 =	rddreg [dreg:$0x2];
	[bflag:$0x3] =	sbarrier.arrive $0xFFFF;
	s2 =	simm.s32 @!p0 $0x1C02  }
0x355: {  	[timem:s3], [sflag:s2] =	dma.local @!p0 [hbm:s0], s1  }
0x356: {  	s0 =	simm.s32 @!p0 $0x2  }
0x357: {  	_ =	swait.ge @!p0 [sflag:s0], s1  }
0x358: {  	s1 =	ssub.s32 @!p0 $0x0, s1;
	[sflag:s0] =	ssyncset.done @!p0 $0x0  }
0x359: {  	[sflag:s0] =	ssyncadd.s32 @!p0 s1  }
0x35a: {  	[bflag:$0x3] =	sbarrier.arrive $0xFFFF  }
0x35b: {  	_ =	shalt  }

</sc_bundles>
